<compile_context>
chip_gen: v7x
topology: tpu7x:2x2x1
jax: 0.10.2.dev20260603
libtpu: 0.0.44.dev20260713+nightly
codegen_flags: <defaults>
</compile_context>

<pallas_src>
import functools

import jax
import jax.numpy as jnp
from jax import lax
from jax.experimental import pallas as pl
from jax.experimental.pallas import tpu as pltpu
from jax.experimental.pallas import tpu_sc as plsc

N = 100000
NP = 102400
E = 1600000
WIN = 128
NWIN = 12512
E1 = WIN * NWIN
NC, NS = 2, 16
RP = NP // NS
H1, H2, OUT = 64, 32, 32
FH = 16
F1 = 8

_mesh = plsc.VectorSubcoreMesh(core_axis_name="c", subcore_axis_name="s",
                               num_cores=NC, num_subcores=NS)
_sc_params = pltpu.CompilerParams(use_tc_tiling_on_sc=False)
f32 = jnp.float32


def _fill(ref, n, value):
    @pl.loop(0, n, step=16)
    def _(i):
        ref[pl.ds(i, 16)] = jnp.full((16,), value, f32)


def _hist_body(dst_hbm, zeros_hbm, out_hbm, acc, ones):
    c = lax.axis_index("c")
    s = lax.axis_index("s")
    _fill(ones, WIN, 1.0)
    srow = pl.multiple_of(s * RP, 128)
    pltpu.sync_copy(zeros_hbm, acc.at[pl.ds(srow, RP)])
    plsc.subcore_barrier()

    def body(didx):
        pltpu.sync_copy(ones, acc.at[didx.at[0]], add=True)

    pltpu.emit_pipeline(
        body,
        grid=(NWIN,),
        in_specs=[pl.BlockSpec((1, WIN), lambda i: (0, i))],
        out_specs=[],
        core_axis_name=("c", "s"),
        dimension_semantics=(pltpu.PARALLEL,),
    )(dst_hbm)
    plsc.subcore_barrier()
    gof = pl.multiple_of(c * NP + srow, 128)
    pltpu.sync_copy(acc.at[pl.ds(srow, RP)], out_hbm.at[pl.ds(gof, RP)])


_sc_hist = pl.kernel(
    _hist_body,
    out_type=jax.ShapeDtypeStruct((NC * NP,), f32),
    mesh=_mesh,
    scratch_types=[
        pltpu.VMEM_SHARED((NP,), f32),
        pltpu.VMEM((WIN,), f32),
    ],
    compiler_params=_sc_params,
)


def _agg1_body(src_hbm, dst_hbm, tab_hbm, zeros_hbm, out_hbm, acc, rows):
    c = lax.axis_index("c")
    s = lax.axis_index("s")
    srow = pl.multiple_of(s * RP, 128)
    pltpu.sync_copy(zeros_hbm, acc.at[pl.ds(srow, RP)])
    plsc.subcore_barrier()

    def body(sidx, didx):
        pltpu.sync_copy(tab_hbm.at[sidx.at[0]], rows)
        pltpu.sync_copy(rows, acc.at[didx.at[0]], add=True)

    pltpu.emit_pipeline(
        body,
        grid=(NWIN,),
        in_specs=[
            pl.BlockSpec((1, WIN), lambda i: (0, i)),
            pl.BlockSpec((1, WIN), lambda i: (0, i)),
        ],
        out_specs=[],
        core_axis_name=("c", "s"),
        dimension_semantics=(pltpu.PARALLEL,),
    )(src_hbm, dst_hbm)
    plsc.subcore_barrier()
    pltpu.sync_copy(acc.at[pl.ds(srow, RP)], out_hbm.at[c, pl.ds(srow, RP)])


_sc_agg1 = pl.kernel(
    _agg1_body,
    out_type=jax.ShapeDtypeStruct((NC, NP, F1), f32),
    mesh=_mesh,
    scratch_types=[
        pltpu.VMEM_SHARED((NP, F1), f32),
        pltpu.VMEM((WIN, F1), f32),
    ],
    compiler_params=_sc_params,
)


def _agg2_body(src_hbm, dst_hbm, tab_hbm, zeros_hbm, out_hbm, acc, rows, sadj):
    c = lax.axis_index("c")
    s = lax.axis_index("s")
    srow = pl.multiple_of(s * RP, 128)
    pltpu.sync_copy(zeros_hbm, acc.at[pl.ds(srow, RP)])
    plsc.subcore_barrier()
    off = c * NP

    def body(sidx, didx):
        for k in range(WIN // 16):
            sadj[pl.ds(k * 16, 16)] = sidx[0, pl.ds(k * 16, 16)] + off
        pltpu.sync_copy(tab_hbm.at[sadj], rows)
        pltpu.sync_copy(rows, acc.at[didx.at[0]], add=True)

    pltpu.emit_pipeline(
        body,
        grid=(NWIN,),
        in_specs=[
            pl.BlockSpec((1, WIN), lambda i: (0, i)),
            pl.BlockSpec((1, WIN), lambda i: (0, i)),
        ],
        out_specs=[],
        core_axis_name="s",
        dimension_semantics=(pltpu.PARALLEL,),
    )(src_hbm, dst_hbm)
    plsc.subcore_barrier()
    pltpu.sync_copy(acc.at[pl.ds(srow, RP)], out_hbm.at[c, pl.ds(srow, RP)])


_sc_agg2 = pl.kernel(
    _agg2_body,
    out_type=jax.ShapeDtypeStruct((NC, NP, FH), f32),
    mesh=_mesh,
    scratch_types=[
        pltpu.VMEM_SHARED((NP, FH), f32),
        pltpu.VMEM((WIN, FH), f32),
        pltpu.VMEM((WIN,), jnp.int32),
    ],
    compiler_params=_sc_params,
)

R_TC = 3200
GRID_TC = NP // R_TC


def _tc1_body(h0, h1, x, u1, dinv):
    deg = 1.0 + h0[...] + h1[...]
    di = lax.rsqrt(deg)
    dinv[...] = di
    u1[...] = jnp.pad(x[...] * di, ((0, 0), (0, F1 - 4)))


def _tc1(h0, h1, x_p):
    return pl.pallas_call(
        _tc1_body,
        grid=(GRID_TC,),
        in_specs=[
            pl.BlockSpec((R_TC, 1), lambda i: (i, 0)),
            pl.BlockSpec((R_TC, 1), lambda i: (i, 0)),
            pl.BlockSpec((R_TC, 4), lambda i: (i, 0)),
        ],
        out_specs=[
            pl.BlockSpec((R_TC, F1), lambda i: (i, 0)),
            pl.BlockSpec((R_TC, 1), lambda i: (i, 0)),
        ],
        out_shape=[
            jax.ShapeDtypeStruct((NP, F1), f32),
            jax.ShapeDtypeStruct((NP, 1), f32),
        ],
    )(h0, h1, x_p)


def _tc2_body(a0, a1, u1, dinv, w1, b1, w2, g2):
    t = (a0[...] + a1[...] + u1[...])[:, :4]
    di = dinv[...]
    h = jnp.maximum(jnp.dot(t, w1[...], preferred_element_type=f32) * di
                    + b1[...][None, :], 0.0)
    g = jnp.dot(h, w2[...], preferred_element_type=f32) * di
    g2[0] = g[:, :FH]
    g2[1] = g[:, FH:]


def _tc2(a0, a1, u1, dinv, W1, b1, W2):
    return pl.pallas_call(
        _tc2_body,
        grid=(GRID_TC,),
        in_specs=[
            pl.BlockSpec((R_TC, F1), lambda i: (i, 0)),
            pl.BlockSpec((R_TC, F1), lambda i: (i, 0)),
            pl.BlockSpec((R_TC, F1), lambda i: (i, 0)),
            pl.BlockSpec((R_TC, 1), lambda i: (i, 0)),
            pl.BlockSpec((4, H1), lambda i: (0, 0)),
            pl.BlockSpec((H1,), lambda i: (0,)),
            pl.BlockSpec((H1, H2), lambda i: (0, 0)),
        ],
        out_specs=pl.BlockSpec((NC, R_TC, FH), lambda i: (0, i, 0)),
        out_shape=jax.ShapeDtypeStruct((NC, NP, FH), f32),
    )(a0, a1, u1, dinv, W1, b1, W2)


def _tc3_body(aa, ab, ga, gb, dinv, b2, wfc, bfc, y):
    t = jnp.concatenate([aa[...] + ga[...], ab[...] + gb[...]], axis=1)
    di = dinv[...]
    o2 = jnp.maximum(t * di + b2[...][None, :], 0.0)
    y[...] = jnp.maximum(
        jnp.dot(o2, wfc[...], preferred_element_type=f32) + bfc[...][None, :], 0.0
    )


def _tc3(aa, ab, ga, gb, dinv, b2, Wfc, bfc):
    return pl.pallas_call(
        _tc3_body,
        grid=(GRID_TC,),
        in_specs=[
            pl.BlockSpec((R_TC, FH), lambda i: (i, 0)),
            pl.BlockSpec((R_TC, FH), lambda i: (i, 0)),
            pl.BlockSpec((R_TC, FH), lambda i: (i, 0)),
            pl.BlockSpec((R_TC, FH), lambda i: (i, 0)),
            pl.BlockSpec((R_TC, 1), lambda i: (i, 0)),
            pl.BlockSpec((H2,), lambda i: (0,)),
            pl.BlockSpec((H2, OUT), lambda i: (0, 0)),
            pl.BlockSpec((OUT,), lambda i: (0,)),
        ],
        out_specs=pl.BlockSpec((R_TC, OUT), lambda i: (i, 0)),
        out_shape=jax.ShapeDtypeStruct((NP, OUT), f32),
    )(aa, ab, ga, gb, dinv, b2, Wfc, bfc)


def kernel(x, edge_index, W1, b1, W2, b2, Wfc, bfc):
    ei = edge_index.astype(jnp.int32)
    src, dst = ei[0], ei[1]
    npad = E1 - E
    pad_idx = N + (jnp.arange(npad, dtype=jnp.int32) % (NP - N))
    src_p = jnp.concatenate([src, pad_idx]).reshape(1, E1)
    dst_p = jnp.concatenate([dst, pad_idx]).reshape(1, E1)
    x_p = jnp.pad(x, ((0, NP - N), (0, 0)))

    z1 = jnp.zeros((RP,), f32)
    z4 = jnp.zeros((RP, F1), f32)
    z16 = jnp.zeros((RP, FH), f32)

    hist = _sc_hist(dst_p, z1)
    u1, dinv = _tc1(hist[:NP].reshape(NP, 1), hist[NP:].reshape(NP, 1), x_p)
    agg1 = _sc_agg1(src_p, dst_p, u1, z4)
    G2 = _tc2(agg1[0], agg1[1], u1, dinv, W1, b1, W2)
    A2 = _sc_agg2(src_p, dst_p, G2.reshape(NC * NP, FH), z16)
    y = _tc3(A2[0], A2[1], G2[0], G2[1], dinv, b2, Wfc, bfc)
    return y[:N]

# --- scband reference (transcript-rebuilt; emitter-appended) ---
"""Pipeline reference for scband-gnnencoder-28475633172951 (READ-ONLY COPY).

The authoritative reference and input builder live on the scoring server;
editing this copy changes nothing except your own understanding.
"""

import jax, jax.numpy as jnp
import numpy as np

N_NODES = 100000
N_EDGES = 1600000
IN_DIM, H1, H2, OUT_DIM = 4, 64, 32, 32


def setup_inputs(seed: int = 0) -> dict:
    key = jax.random.key(seed)
    ks = jax.random.split(key, 8)
    x = jax.random.normal(ks[0], (N_NODES, IN_DIM), dtype=jnp.float32)
    edge_index = jax.random.randint(ks[1], (2, N_EDGES), 0, N_NODES, dtype=jnp.int64)
    def glorot(k, fan_in, fan_out):
        lim = float(np.sqrt(6.0 / (fan_in + fan_out)))
        return jax.random.uniform(k, (fan_in, fan_out), dtype=jnp.float32, minval=-lim, maxval=lim)
    W1 = glorot(ks[2], IN_DIM, H1)
    b1 = jnp.zeros((H1,), dtype=jnp.float32)
    W2 = glorot(ks[3], H1, H2)
    b2 = jnp.zeros((H2,), dtype=jnp.float32)
    Wfc = glorot(ks[4], H2, OUT_DIM)
    bfc = jnp.zeros((OUT_DIM,), dtype=jnp.float32)
    return {"x": x, "edge_index": edge_index, "W1": W1, "b1": b1, "W2": W2, "b2": b2, "Wfc": Wfc, "bfc": bfc}


def _gcn_conv(x, edge_index, W, b):
    n = x.shape[0]
    loop = jnp.arange(n, dtype=edge_index.dtype)
    src = jnp.concatenate([edge_index[0], loop])
    dst = jnp.concatenate([edge_index[1], loop])
    # symmetric normalization with self-loops (PyG GCNConv default)
    deg = jnp.zeros((n,), dtype=x.dtype).at[dst].add(1.0)
    dinv = jax.lax.rsqrt(deg)  # deg >= 1 due to self-loops
    norm = dinv[src] * dinv[dst]
    h = x @ W
    msg = h[src] * norm[:, None]
    out = jnp.zeros((n, W.shape[1]), dtype=x.dtype).at[dst].add(msg)
    return out + b


def reference(x, edge_index, W1, b1, W2, b2, Wfc, bfc):
    h = jax.nn.relu(_gcn_conv(x, edge_index, W1, b1))
    h = jax.nn.relu(_gcn_conv(h, edge_index, W2, b2))
    return jax.nn.relu(h @ Wfc + bfc)

if __name__ == "__main__":
    import jax
    _d = setup_inputs()
    print(jax.jit(kernel)(*tuple(_d.values())))

</pallas_src>

<mosaic_0001>
#map = affine_map<(d0, d1) -> (0, 0)>
#map1 = affine_map<(d0, d1) -> (0)>
module attributes {stable_mosaic.version = 14 : i64} {
  func.func @_hist_body(%arg0: i32, %arg1: i32, %arg2: memref<1x1601536xi32, #tpu.memory_space<hbm>>, %arg3: memref<6400xf32, #tpu.memory_space<hbm>>, %arg4: memref<204800xf32, #tpu.memory_space<hbm>>, %arg5: memref<102400xf32, #tpu.memory_space<vmem_shared>>, %arg6: memref<128xf32, #tpu.memory_space<vmem>>) attributes {dimension_semantics = [#tpu.dimension_semantics<core_parallel>, #tpu.dimension_semantics<subcore_parallel>], iteration_bounds = array<i64: 2, 16>, scalar_prefetch = 0 : i64, scratch_operands = 2 : i64, tpu.core_type = #tpu.core_type<sc_vector_subcore>, window_params = [{transform_indices = #map}, {transform_indices = #map1}, {transform_indices = #map1}]} {
    %scan3A = arith.constant 0 : i32
    %scan3A_0 = arith.constant 8 : i32
    %scan3A_1 = arith.addi %scan3A, %scan3A_0 : i32
    %scan3A_2 = arith.constant 1 : i32
    scf.for %scan3A_18 = %scan3A to %scan3A_1 step %scan3A_2  : i32 {
      %mul3A_19 = arith.constant 16 : i32
      %mul3A_20 = arith.muli %scan3A_18, %mul3A_19 : i32
      %add3A_21 = arith.constant 0 : i32
      %add3A_22 = arith.addi %add3A_21, %mul3A_20 : i32
      %broadcast_in_dim3A = arith.constant 1.000000e+00 : f32
      %broadcast_in_dim3A_23 = vector.broadcast %broadcast_in_dim3A : f32 to vector<16xf32>
      %swap3A = arith.index_cast %add3A_22 : i32 to index
      %swap3A_24 = tpu.vector_load %arg6[%swap3A] {strides = array<i32>} : memref<128xf32, #tpu.memory_space<vmem>>, vector<16xf32>,
      %swap3A_25 = vector.shape_cast %swap3A_24 : vector<16xf32> to vector<16xf32>
      %swap3A_26 = vector.shape_cast %broadcast_in_dim3A_23 : vector<16xf32> to vector<16xf32>
      tpu.vector_store %arg6[%swap3A], %swap3A_26 {strides = array<i32>} : memref<128xf32, #tpu.memory_space<vmem>>, vector<16xf32>,
    }
    %scan3A_3 = arith.constant 8 : i32
    %mul3A = arith.constant 6400 : i32
    %mul3A_4 = arith.muli %arg1, %mul3A : i32
    %multiple_of3A = tpu.assume_multiple %mul3A_4, 128 : i32
    "tpu.region"() ({
      %run_scoped3A = tpu.sem_alloc : memref<!tpu.dma_semaphore, #tpu.memory_space<semaphore_mem>>
      %dma_start3A = tpu.memref_slice %arg5[%multiple_of3A] : memref<102400xf32, #tpu.memory_space<vmem_shared>> -> memref<6400xf32, #tpu.memory_space<vmem_shared>>
      tpu.enqueue_dma source(%arg3 : memref<6400xf32, #tpu.memory_space<hbm>>) target(%dma_start3A : memref<6400xf32, #tpu.memory_space<vmem_shared>>) target_semaphore(%run_scoped3A : memref<!tpu.dma_semaphore, #tpu.memory_space<semaphore_mem>>)
      %dma_wait3A = tpu.memref_slice %arg5[%multiple_of3A] : memref<102400xf32, #tpu.memory_space<vmem_shared>> -> memref<6400xf32, #tpu.memory_space<vmem_shared>>
      tpu.wait_dma2 semaphore(%run_scoped3A : memref<!tpu.dma_semaphore, #tpu.memory_space<semaphore_mem>>) src(%arg3 : memref<6400xf32, #tpu.memory_space<hbm>>) dst(%dma_wait3A : memref<6400xf32, #tpu.memory_space<vmem_shared>>)
      tpu.yield
    }) : () -> ()
    %barrier3A = arith.constant 0 : index
    tpu.barrier barrier_id(%barrier3A)
    %mul3A_5 = arith.constant 1 : i32
    %mul3A_6 = arith.muli %arg1, %mul3A_5 : i32
    %add3A = arith.constant 0 : i32
    %add3A_7 = arith.addi %add3A, %mul3A_6 : i32
    %mul3A_8 = arith.constant 16 : i32
    %mul3A_9 = arith.muli %arg0, %mul3A_8 : i32
    %add3A_10 = arith.addi %add3A_7, %mul3A_9 : i32
    %mul3A_11 = arith.constant 391 : i32
    %mul3A_12 = arith.muli %add3A_10, %mul3A_11 : i32
    "tpu.region"() ({
      %run_scoped3A = memref.alloca() : memref<2x1x128xi32, #tpu.memory_space<vmem>>
      %run_scoped3A_18 = tpu.sem_alloc : memref<2x!tpu.dma_semaphore, #tpu.memory_space<semaphore_mem>>
      %add3A_19 = arith.constant 0 : i32
      %add3A_20 = arith.addi %add3A_19, %mul3A_12 : i32
      %select_n3A = arith.constant true
      %select_n3A_21 = arith.constant 0 : i32
      %select_n3A_22 = arith.constant -1 : i32
      %select_n3A_23 = arith.select %select_n3A, %select_n3A_22, %select_n3A_21 : i32
      %eq3A = arith.constant -1 : i32
      %eq3A_24 = arith.cmpi eq, %select_n3A_23, %eq3A : i32
      %select_n3A_25 = arith.constant 390 : i32
      %select_n3A_26 = arith.select %eq3A_24, %select_n3A_25, %select_n3A_23 : i32
      %add3A_27 = arith.addi %select_n3A_26, %mul3A_12 : i32
      %select_n3A_28 = arith.constant true
      %select_n3A_29 = arith.constant 0 : i32
      %select_n3A_30 = arith.constant 1 : i32
      %select_n3A_31 = arith.select %select_n3A_28, %select_n3A_30, %select_n3A_29 : i32
      %eq3A_32 = arith.constant 391 : i32
      %eq3A_33 = arith.cmpi eq, %select_n3A_31, %eq3A_32 : i32
      %select_n3A_34 = arith.constant 0 : i32
      %select_n3A_35 = arith.select %eq3A_33, %select_n3A_34, %select_n3A_31 : i32
      %add3A_36 = arith.addi %select_n3A_35, %mul3A_12 : i32
      %add3A_37 = arith.constant 1 : i32
      %add3A_38 = arith.addi %select_n3A_35, %add3A_37 : i32
      %select_n3A_39 = arith.constant true
      %select_n3A_40 = arith.select %select_n3A_39, %add3A_38, %select_n3A_35 : i32
      %eq3A_41 = arith.constant 391 : i32
      %eq3A_42 = arith.cmpi eq, %select_n3A_40, %eq3A_41 : i32
      %select_n3A_43 = arith.constant 0 : i32
      %select_n3A_44 = arith.select %eq3A_42, %select_n3A_43, %select_n3A_40 : i32
      %add3A_45 = arith.addi %select_n3A_44, %mul3A_12 : i32
      "tpu.trace_start"() <{level = 10 : i32, message = "ep_initialize_0"}> : () -> ()
      %rem3A = arith.constant 0 : i32
      %rem3A_46 = arith.constant 2 : i32
      %rem3A_47 = arith.remui %rem3A, %rem3A_46 : i32
      %mul3A_48 = arith.constant 128 : i32
      %mul3A_49 = arith.muli %mul3A_48, %add3A_20 : i32
      %dma_start3A = arith.constant 0 : i32
      %dma_start3A_50 = arith.constant 0 : i32
      %dma_start3A_51 = tpu.memref_slice %run_scoped3A[%rem3A_47, %dma_start3A, %dma_start3A_50] : memref<2x1x128xi32, #tpu.memory_space<vmem>> -> memref<1x1x128xi32, #tpu.memory_space<vmem>>
      %dma_start3A_52 = tpu.memref_squeeze %dma_start3A_51 : memref<1x1x128xi32, #tpu.memory_space<vmem>> -> memref<1x128xi32, #tpu.memory_space<vmem>>
      %dma_start3A_53 = arith.constant 0 : i32
      %dma_start3A_54 = tpu.memref_slice %arg2[%dma_start3A_53, %mul3A_49] : memref<1x1601536xi32, #tpu.memory_space<hbm>> -> memref<1x128xi32, #tpu.memory_space<hbm>>
      %dma_start3A_55 = tpu.memref_slice %run_scoped3A_18[%rem3A_47] : memref<2x!tpu.dma_semaphore, #tpu.memory_space<semaphore_mem>> -> memref<1x!tpu.dma_semaphore, #tpu.memory_space<semaphore_mem>>
      %dma_start3A_56 = tpu.memref_squeeze %dma_start3A_55 : memref<1x!tpu.dma_semaphore, #tpu.memory_space<semaphore_mem>> -> memref<!tpu.dma_semaphore, #tpu.memory_space<semaphore_mem>>
      %dma_start3A_57 = arith.constant 0 : i32
      %dma_start3A_58 = arith.constant 0 : i32
      %dma_start3A_59 = tpu.memref_slice %run_scoped3A[%rem3A_47, %dma_start3A_57, %dma_start3A_58] : memref<2x1x128xi32, #tpu.memory_space<vmem>> -> memref<1x1x128xi32, #tpu.memory_space<vmem>>
      %dma_start3A_60 = tpu.memref_squeeze %dma_start3A_59 : memref<1x1x128xi32, #tpu.memory_space<vmem>> -> memref<1x128xi32, #tpu.memory_space<vmem>>
      %dma_start3A_61 = arith.constant 0 : i32
      %dma_start3A_62 = tpu.memref_slice %arg2[%dma_start3A_61, %mul3A_49] : memref<1x1601536xi32, #tpu.memory_space<hbm>> -> memref<1x128xi32, #tpu.memory_space<hbm>>
      tpu.enqueue_dma source(%dma_start3A_62 : memref<1x128xi32, #tpu.memory_space<hbm>>) target(%dma_start3A_60 : memref<1x128xi32, #tpu.memory_space<vmem>>) target_semaphore(%dma_start3A_56 : memref<!tpu.dma_semaphore, #tpu.memory_space<semaphore_mem>>)
      %add3A_63 = arith.constant 0 : i32
      %add3A_64 = arith.constant 1 : i32
      %add3A_65 = arith.addi %add3A_63, %add3A_64 : i32
      %select_n3A_66 = arith.constant true
      %select_n3A_67 = arith.constant 0 : i32
      %select_n3A_68 = arith.select %select_n3A_66, %add3A_65, %select_n3A_67 : i32
      "tpu.trace_stop"() : () -> ()
      %scan3A_69 = arith.constant 0 : i32
      %scan3A_70 = arith.constant 0 : i32
      %scan3A_71 = arith.constant 0 : i32
      %scan3A_72 = arith.constant 391 : i32
      %scan3A_73 = arith.addi %scan3A_71, %scan3A_72 : i32
      %scan3A_74 = arith.constant 1 : i32
      %scan3A_75:3 = scf.for %scan3A_112 = %scan3A_71 to %scan3A_73 step %scan3A_74 iter_args(%scan3A_113 = %select_n3A_68, %scan3A_114 = %scan3A_69, %scan3A_115 = %scan3A_70) -> (i32, i32, i32)  : i32 {
        %eq3A_116 = arith.constant 0 : i32
        %eq3A_117 = arith.cmpi eq, %scan3A_112, %eq3A_116 : i32
        %eq3A_118 = arith.constant 390 : i32
        %eq3A_119 = arith.cmpi eq, %scan3A_112, %eq3A_118 : i32
        %add3A_120 = arith.addi %scan3A_115, %mul3A_12 : i32
        %sub3A_121 = arith.constant 1 : i32
        %sub3A_122 = arith.subi %scan3A_115, %sub3A_121 : i32
        %select_n3A_123 = arith.constant true
        %select_n3A_124 = arith.select %select_n3A_123, %sub3A_122, %scan3A_115 : i32
        %eq3A_125 = arith.constant -1 : i32
        %eq3A_126 = arith.cmpi eq, %select_n3A_124, %eq3A_125 : i32
        %select_n3A_127 = arith.constant 390 : i32
        %select_n3A_128 = arith.select %eq3A_126, %select_n3A_127, %select_n3A_124 : i32
        %add3A_129 = arith.addi %select_n3A_128, %mul3A_12 : i32
        %add3A_130 = arith.constant 1 : i32
        %add3A_131 = arith.addi %scan3A_115, %add3A_130 : i32
        %select_n3A_132 = arith.constant true
        %select_n3A_133 = arith.select %select_n3A_132, %add3A_131, %scan3A_115 : i32
        %eq3A_134 = arith.constant 391 : i32
        %eq3A_135 = arith.cmpi eq, %select_n3A_133, %eq3A_134 : i32
        %select_n3A_136 = arith.constant 0 : i32
        %select_n3A_137 = arith.select %eq3A_135, %select_n3A_136, %select_n3A_133 : i32
        %add3A_138 = arith.addi %select_n3A_137, %mul3A_12 : i32
        %add3A_139 = arith.constant 1 : i32
        %add3A_140 = arith.addi %select_n3A_137, %add3A_139 : i32
        %select_n3A_141 = arith.constant true
        %select_n3A_142 = arith.select %select_n3A_141, %add3A_140, %select_n3A_137 : i32
        %eq3A_143 = arith.constant 391 : i32
        %eq3A_144 = arith.cmpi eq, %select_n3A_142, %eq3A_143 : i32
        %select_n3A_145 = arith.constant 0 : i32
        %select_n3A_146 = arith.select %eq3A_144, %select_n3A_145, %select_n3A_142 : i32
        %add3A_147 = arith.addi %select_n3A_146, %mul3A_12 : i32
        %ne3A = arith.cmpi ne, %add3A_120, %add3A_138 : i32
        %or3A = arith.constant false
        %or3A_148 = arith.ori %or3A, %ne3A : i1
        %ge3A = arith.constant 390 : i32
        %ge3A_149 = arith.cmpi sge, %scan3A_112, %ge3A : i32
        %not3A = arith.constant true
        %not3A_150 = arith.xori %ge3A_149, %not3A : i1
        %and3A = arith.andi %or3A_148, %not3A_150 : i1
        %convert_element_type3A = arith.extui %and3A : i1 to i32
        %cond3A = arith.constant 0 : i32
        %cond3A_151 = arith.cmpi ne, %convert_element_type3A, %cond3A : i32
        scf.if %cond3A_151 {
          "tpu.trace_start"() <{level = 10 : i32, message = "ep_copy_in"}> : () -> ()
          %rem3A_202 = arith.constant 2 : i32
          %rem3A_203 = arith.remui %scan3A_113, %rem3A_202 : i32
          %mul3A_204 = arith.constant 128 : i32
          %mul3A_205 = arith.muli %mul3A_204, %add3A_138 : i32
          %dma_start3A_206 = arith.constant 0 : i32
          %dma_start3A_207 = arith.constant 0 : i32
          %dma_start3A_208 = tpu.memref_slice %run_scoped3A[%rem3A_203, %dma_start3A_206, %dma_start3A_207] : memref<2x1x128xi32, #tpu.memory_space<vmem>> -> memref<1x1x128xi32, #tpu.memory_space<vmem>>
          %dma_start3A_209 = tpu.memref_squeeze %dma_start3A_208 : memref<1x1x128xi32, #tpu.memory_space<vmem>> -> memref<1x128xi32, #tpu.memory_space<vmem>>
          %dma_start3A_210 = arith.constant 0 : i32
          %dma_start3A_211 = tpu.memref_slice %arg2[%dma_start3A_210, %mul3A_205] : memref<1x1601536xi32, #tpu.memory_space<hbm>> -> memref<1x128xi32, #tpu.memory_space<hbm>>
          %dma_start3A_212 = tpu.memref_slice %run_scoped3A_18[%rem3A_203] : memref<2x!tpu.dma_semaphore, #tpu.memory_space<semaphore_mem>> -> memref<1x!tpu.dma_semaphore, #tpu.memory_space<semaphore_mem>>
          %dma_start3A_213 = tpu.memref_squeeze %dma_start3A_212 : memref<1x!tpu.dma_semaphore, #tpu.memory_space<semaphore_mem>> -> memref<!tpu.dma_semaphore, #tpu.memory_space<semaphore_mem>>
          %dma_start3A_214 = arith.constant 0 : i32
          %dma_start3A_215 = arith.constant 0 : i32
          %dma_start3A_216 = tpu.memref_slice %run_scoped3A[%rem3A_203, %dma_start3A_214, %dma_start3A_215] : memref<2x1x128xi32, #tpu.memory_space<vmem>> -> memref<1x1x128xi32, #tpu.memory_space<vmem>>
          %dma_start3A_217 = tpu.memref_squeeze %dma_start3A_216 : memref<1x1x128xi32, #tpu.memory_space<vmem>> -> memref<1x128xi32, #tpu.memory_space<vmem>>
          %dma_start3A_218 = arith.constant 0 : i32
          %dma_start3A_219 = tpu.memref_slice %arg2[%dma_start3A_218, %mul3A_205] : memref<1x1601536xi32, #tpu.memory_space<hbm>> -> memref<1x128xi32, #tpu.memory_space<hbm>>
          tpu.enqueue_dma source(%dma_start3A_219 : memref<1x128xi32, #tpu.memory_space<hbm>>) target(%dma_start3A_217 : memref<1x128xi32, #tpu.memory_space<vmem>>) target_semaphore(%dma_start3A_213 : memref<!tpu.dma_semaphore, #tpu.memory_space<semaphore_mem>>)
          "tpu.trace_stop"() : () -> ()
        } else {
        }
        %and3A_152 = arith.constant true
        %and3A_153 = arith.andi %and3A, %and3A_152 : i1
        %add3A_154 = arith.constant 1 : i32
        %add3A_155 = arith.addi %scan3A_113, %add3A_154 : i32
        %select_n3A_156 = arith.select %and3A_153, %add3A_155, %scan3A_113 : i32
        %ne3A_157 = arith.cmpi ne, %add3A_120, %add3A_129 : i32
        %or3A_158 = arith.constant false
        %or3A_159 = arith.ori %or3A_158, %ne3A_157 : i1
        %or3A_160 = arith.ori %or3A_159, %eq3A_117 : i1
        %convert_element_type3A_161 = arith.extui %or3A_160 : i1 to i32
        %cond3A_162 = arith.constant 0 : i32
        %cond3A_163 = arith.cmpi ne, %convert_element_type3A_161, %cond3A_162 : i32
        scf.if %cond3A_163 {
          "tpu.trace_start"() <{level = 10 : i32, message = "ep_wait_in"}> : () -> ()
          %mul3A_202 = arith.constant 128 : i32
          %mul3A_203 = arith.muli %mul3A_202, %add3A_120 : i32
          %rem3A_204 = arith.constant 2 : i32
          %rem3A_205 = arith.remui %scan3A_114, %rem3A_204 : i32
          %dma_wait3A = arith.constant 0 : i32
          %dma_wait3A_206 = arith.constant 0 : i32
          %dma_wait3A_207 = tpu.memref_slice %run_scoped3A[%rem3A_205, %dma_wait3A, %dma_wait3A_206] : memref<2x1x128xi32, #tpu.memory_space<vmem>> -> memref<1x1x128xi32, #tpu.memory_space<vmem>>
          %dma_wait3A_208 = tpu.memref_squeeze %dma_wait3A_207 : memref<1x1x128xi32, #tpu.memory_space<vmem>> -> memref<1x128xi32, #tpu.memory_space<vmem>>
          %dma_wait3A_209 = arith.constant 0 : i32
          %dma_wait3A_210 = tpu.memref_slice %arg2[%dma_wait3A_209, %mul3A_203] : memref<1x1601536xi32, #tpu.memory_space<hbm>> -> memref<1x128xi32, #tpu.memory_space<hbm>>
          %dma_wait3A_211 = tpu.memref_slice %run_scoped3A_18[%rem3A_205] : memref<2x!tpu.dma_semaphore, #tpu.memory_space<semaphore_mem>> -> memref<1x!tpu.dma_semaphore, #tpu.memory_space<semaphore_mem>>
          %dma_wait3A_212 = tpu.memref_squeeze %dma_wait3A_211 : memref<1x!tpu.dma_semaphore, #tpu.memory_space<semaphore_mem>> -> memref<!tpu.dma_semaphore, #tpu.memory_space<semaphore_mem>>
          %dma_wait3A_213 = arith.constant 0 : i32
          %dma_wait3A_214 = arith.constant 0 : i32
          %dma_wait3A_215 = tpu.memref_slice %run_scoped3A[%rem3A_205, %dma_wait3A_213, %dma_wait3A_214] : memref<2x1x128xi32, #tpu.memory_space<vmem>> -> memref<1x1x128xi32, #tpu.memory_space<vmem>>
          %dma_wait3A_216 = tpu.memref_squeeze %dma_wait3A_215 : memref<1x1x128xi32, #tpu.memory_space<vmem>> -> memref<1x128xi32, #tpu.memory_space<vmem>>
          %dma_wait3A_217 = arith.constant 0 : i32
          %dma_wait3A_218 = tpu.memref_slice %arg2[%dma_wait3A_217, %mul3A_203] : memref<1x1601536xi32, #tpu.memory_space<hbm>> -> memref<1x128xi32, #tpu.memory_space<hbm>>
          tpu.wait_dma2 semaphore(%dma_wait3A_212 : memref<!tpu.dma_semaphore, #tpu.memory_space<semaphore_mem>>) src(%dma_wait3A_218 : memref<1x128xi32, #tpu.memory_space<hbm>>) dst(%dma_wait3A_216 : memref<1x128xi32, #tpu.memory_space<vmem>>)
          "tpu.trace_stop"() : () -> ()
        } else {
        }
        %rem3A_164 = arith.constant 2 : i32
        %rem3A_165 = arith.remui %scan3A_114, %rem3A_164 : i32
        %run_scoped3A_166 = arith.constant 0 : i32
        "tpu.trace_start"() <{level = 10 : i32, message = "ep_run_kernel"}> : () -> ()
        "tpu.region"() ({
          %run_scoped3A_202 = tpu.sem_alloc : memref<!tpu.dma_semaphore, #tpu.memory_space<semaphore_mem>>
          %dma_start3A_203 = arith.constant 0 : i32
          %dma_start3A_204 = arith.constant 0 : i32
          %dma_start3A_205 = tpu.memref_slice %run_scoped3A[%rem3A_165, %dma_start3A_203, %dma_start3A_204] : memref<2x1x128xi32, #tpu.memory_space<vmem>> -> memref<1x1x128xi32, #tpu.memory_space<vmem>>
          %dma_start3A_206 = tpu.memref_squeeze %dma_start3A_205 : memref<1x1x128xi32, #tpu.memory_space<vmem>> -> memref<1x128xi32, #tpu.memory_space<vmem>>
          %dma_start3A_207 = arith.constant 0 : i32
          %dma_start3A_208 = tpu.memref_slice %dma_start3A_206[%run_scoped3A_166, %dma_start3A_207] : memref<1x128xi32, #tpu.memory_space<vmem>> -> memref<1x128xi32, #tpu.memory_space<vmem>>
          %dma_start3A_209 = tpu.memref_squeeze %dma_start3A_208 : memref<1x128xi32, #tpu.memory_space<vmem>> -> memref<128xi32, #tpu.memory_space<vmem>>
          %dma_start3A_210 = arith.constant 0 : i32
          %dma_start3A_211 = tpu.memref_slice %arg5[%dma_start3A_210] : memref<102400xf32, #tpu.memory_space<vmem_shared>> -> memref<102400xf32, #tpu.memory_space<vmem_shared>>
          tpu.enqueue_indirect_dma source(%arg6 : memref<128xf32, #tpu.memory_space<vmem>>) target(%dma_start3A_211 : memref<102400xf32, #tpu.memory_space<vmem_shared>>) offsets(%dma_start3A_209 : memref<128xi32, #tpu.memory_space<vmem>>) semaphore(%run_scoped3A_202 : memref<!tpu.dma_semaphore, #tpu.memory_space<semaphore_mem>>) {add = true}
          %dma_wait3A = arith.constant 0 : i32
          %dma_wait3A_212 = arith.constant 0 : i32
          %dma_wait3A_213 = tpu.memref_slice %run_scoped3A[%rem3A_165, %dma_wait3A, %dma_wait3A_212] : memref<2x1x128xi32, #tpu.memory_space<vmem>> -> memref<1x1x128xi32, #tpu.memory_space<vmem>>
          %dma_wait3A_214 = tpu.memref_squeeze %dma_wait3A_213 : memref<1x1x128xi32, #tpu.memory_space<vmem>> -> memref<1x128xi32, #tpu.memory_space<vmem>>
          %dma_wait3A_215 = arith.constant 0 : i32
          %dma_wait3A_216 = tpu.memref_slice %dma_wait3A_214[%run_scoped3A_166, %dma_wait3A_215] : memref<1x128xi32, #tpu.memory_space<vmem>> -> memref<1x128xi32, #tpu.memory_space<vmem>>
          %dma_wait3A_217 = tpu.memref_squeeze %dma_wait3A_216 : memref<1x128xi32, #tpu.memory_space<vmem>> -> memref<128xi32, #tpu.memory_space<vmem>>
          %dma_wait3A_218 = arith.constant 0 : i32
          %dma_wait3A_219 = tpu.memref_slice %arg5[%dma_wait3A_218] : memref<102400xf32, #tpu.memory_space<vmem_shared>> -> memref<102400xf32, #tpu.memory_space<vmem_shared>>
          tpu.wait_indirect_dma semaphore(%run_scoped3A_202 : memref<!tpu.dma_semaphore, #tpu.memory_space<semaphore_mem>>) src(%arg6 : memref<128xf32, #tpu.memory_space<vmem>>) dst(%dma_wait3A_219 : memref<102400xf32, #tpu.memory_space<vmem_shared>>)
          tpu.yield
        }) : () -> ()
        "tpu.trace_stop"() : () -> ()
        %ne3A_167 = arith.cmpi ne, %add3A_120, %add3A_138 : i32
        %or3A_168 = arith.constant false
        %or3A_169 = arith.ori %or3A_168, %ne3A_167 : i1
        %or3A_170 = arith.ori %or3A_169, %eq3A_119 : i1
        %convert_element_type3A_171 = arith.extui %or3A_170 : i1 to i32
        %cond3A_172 = arith.constant 0 : i32
        %cond3A_173 = arith.cmpi ne, %convert_element_type3A_171, %cond3A_172 : i32
        scf.if %cond3A_173 {
        } else {
        }
        %and3A_174 = arith.constant false
        %and3A_175 = arith.andi %or3A_170, %and3A_174 : i1
        %ne3A_176 = arith.cmpi ne, %add3A_120, %add3A_129 : i32
        %or3A_177 = arith.constant false
        %or3A_178 = arith.ori %or3A_177, %ne3A_176 : i1
        %not3A_179 = arith.constant true
        %not3A_180 = arith.xori %eq3A_117, %not3A_179 : i1
        %and3A_181 = arith.andi %or3A_178, %not3A_180 : i1
        %convert_element_type3A_182 = arith.extui %and3A_181 : i1 to i32
        %cond3A_183 = arith.constant 0 : i32
        %cond3A_184 = arith.cmpi ne, %convert_element_type3A_182, %cond3A_183 : i32
        scf.if %cond3A_184 {
        } else {
        }
        %and3A_185 = arith.constant false
        %and3A_186 = arith.andi %and3A_181, %and3A_185 : i1
        %ne3A_187 = arith.cmpi ne, %add3A_120, %add3A_138 : i32
        %or3A_188 = arith.constant false
        %or3A_189 = arith.ori %or3A_188, %ne3A_187 : i1
        %or3A_190 = arith.ori %or3A_189, %eq3A_119 : i1
        %add3A_191 = arith.constant 1 : i32
        %add3A_192 = arith.addi %scan3A_114, %add3A_191 : i32
        %select_n3A_193 = arith.select %or3A_190, %add3A_192, %scan3A_114 : i32
        %add3A_194 = arith.constant 1 : i32
        %add3A_195 = arith.addi %scan3A_115, %add3A_194 : i32
        %select_n3A_196 = arith.constant true
        %select_n3A_197 = arith.select %select_n3A_196, %add3A_195, %scan3A_115 : i32
        %eq3A_198 = arith.constant 391 : i32
        %eq3A_199 = arith.cmpi eq, %select_n3A_197, %eq3A_198 : i32
        %select_n3A_200 = arith.constant 0 : i32
        %select_n3A_201 = arith.select %eq3A_199, %select_n3A_200, %select_n3A_197 : i32
        scf.yield %select_n3A_156, %select_n3A_193, %select_n3A_201 : i32, i32, i32
      }
      %scan3A_76 = arith.constant 391 : i32
      %sub3A = arith.constant 1 : i32
      %sub3A_77 = arith.subi %scan3A_75#2, %sub3A : i32
      %select_n3A_78 = arith.constant true
      %select_n3A_79 = arith.select %select_n3A_78, %sub3A_77, %scan3A_75#2 : i32
      %eq3A_80 = arith.constant -1 : i32
      %eq3A_81 = arith.cmpi eq, %select_n3A_79, %eq3A_80 : i32
      %select_n3A_82 = arith.constant 390 : i32
      %select_n3A_83 = arith.select %eq3A_81, %select_n3A_82, %select_n3A_79 : i32
      %add3A_84 = arith.addi %select_n3A_83, %mul3A_12 : i32
      %sub3A_85 = arith.constant 1 : i32
      %sub3A_86 = arith.subi %select_n3A_83, %sub3A_85 : i32
      %select_n3A_87 = arith.constant true
      %select_n3A_88 = arith.select %select_n3A_87, %sub3A_86, %select_n3A_83 : i32
      %eq3A_89 = arith.constant -1 : i32
      %eq3A_90 = arith.cmpi eq, %select_n3A_88, %eq3A_89 : i32
      %select_n3A_91 = arith.constant 390 : i32
      %select_n3A_92 = arith.select %eq3A_90, %select_n3A_91, %select_n3A_88 : i32
      %add3A_93 = arith.addi %select_n3A_92, %mul3A_12 : i32
      %add3A_94 = arith.constant 1 : i32
      %add3A_95 = arith.addi %select_n3A_83, %add3A_94 : i32
      %select_n3A_96 = arith.constant true
      %select_n3A_97 = arith.select %select_n3A_96, %add3A_95, %select_n3A_83 : i32
      %eq3A_98 = arith.constant 391 : i32
      %eq3A_99 = arith.cmpi eq, %select_n3A_97, %eq3A_98 : i32
      %select_n3A_100 = arith.constant 0 : i32
      %select_n3A_101 = arith.select %eq3A_99, %select_n3A_100, %select_n3A_97 : i32
      %add3A_102 = arith.addi %select_n3A_101, %mul3A_12 : i32
      %add3A_103 = arith.constant 1 : i32
      %add3A_104 = arith.addi %select_n3A_101, %add3A_103 : i32
      %select_n3A_105 = arith.constant true
      %select_n3A_106 = arith.select %select_n3A_105, %add3A_104, %select_n3A_101 : i32
      %eq3A_107 = arith.constant 391 : i32
      %eq3A_108 = arith.cmpi eq, %select_n3A_106, %eq3A_107 : i32
      %select_n3A_109 = arith.constant 0 : i32
      %select_n3A_110 = arith.select %eq3A_108, %select_n3A_109, %select_n3A_106 : i32
      %add3A_111 = arith.addi %select_n3A_110, %mul3A_12 : i32
      tpu.yield
    }) : () -> ()
    %barrier3A_13 = arith.constant 0 : index
    tpu.barrier barrier_id(%barrier3A_13)
    %mul3A_14 = arith.constant 102400 : i32
    %mul3A_15 = arith.muli %arg0, %mul3A_14 : i32
    %add3A_16 = arith.addi %mul3A_15, %multiple_of3A : i32
    %multiple_of3A_17 = tpu.assume_multiple %add3A_16, 128 : i32
    "tpu.region"() ({
      %run_scoped3A = tpu.sem_alloc : memref<!tpu.dma_semaphore, #tpu.memory_space<semaphore_mem>>
      %dma_start3A = tpu.memref_slice %arg4[%multiple_of3A_17] : memref<204800xf32, #tpu.memory_space<hbm>> -> memref<6400xf32, #tpu.memory_space<hbm>>
      %dma_start3A_18 = tpu.memref_slice %arg5[%multiple_of3A] : memref<102400xf32, #tpu.memory_space<vmem_shared>> -> memref<6400xf32, #tpu.memory_space<vmem_shared>>
      tpu.enqueue_dma source(%dma_start3A_18 : memref<6400xf32, #tpu.memory_space<vmem_shared>>) target(%dma_start3A : memref<6400xf32, #tpu.memory_space<hbm>>) target_semaphore(%run_scoped3A : memref<!tpu.dma_semaphore, #tpu.memory_space<semaphore_mem>>)
      %dma_wait3A = tpu.memref_slice %arg4[%multiple_of3A_17] : memref<204800xf32, #tpu.memory_space<hbm>> -> memref<6400xf32, #tpu.memory_space<hbm>>
      %dma_wait3A_19 = tpu.memref_slice %arg5[%multiple_of3A] : memref<102400xf32, #tpu.memory_space<vmem_shared>> -> memref<6400xf32, #tpu.memory_space<vmem_shared>>
      tpu.wait_dma2 semaphore(%run_scoped3A : memref<!tpu.dma_semaphore, #tpu.memory_space<semaphore_mem>>) src(%dma_wait3A_19 : memref<6400xf32, #tpu.memory_space<vmem_shared>>) dst(%dma_wait3A : memref<6400xf32, #tpu.memory_space<hbm>>)
      tpu.yield
    }) : () -> ()
    return
  }
}

#map = affine_map<(d0, d1) -> (0, 0)>
#map1 = affine_map<(d0, d1) -> (0, 0, 0)>
module attributes {stable_mosaic.version = 14 : i64} {
  func.func @_agg1_body(%arg0: i32, %arg1: i32, %arg2: memref<1x1601536xi32, #tpu.memory_space<hbm>>, %arg3: memref<1x1601536xi32, #tpu.memory_space<hbm>>, %arg4: memref<102400x8xf32, #tpu.memory_space<hbm>>, %arg5: memref<6400x8xf32, #tpu.memory_space<hbm>>, %arg6: memref<2x102400x8xf32, #tpu.memory_space<hbm>>, %arg7: memref<102400x8xf32, #tpu.memory_space<vmem_shared>>, %arg8: memref<128x8xf32, #tpu.memory_space<vmem>>) attributes {dimension_semantics = [#tpu.dimension_semantics<core_parallel>, #tpu.dimension_semantics<subcore_parallel>], iteration_bounds = array<i64: 2, 16>, scalar_prefetch = 0 : i64, scratch_operands = 2 : i64, tpu.core_type = #tpu.core_type<sc_vector_subcore>, window_params = [{transform_indices = #map}, {transform_indices = #map}, {transform_indices = #map}, {transform_indices = #map}, {transform_indices = #map1}]} {
    %mul3A = arith.constant 6400 : i32
    %mul3A_0 = arith.muli %arg1, %mul3A : i32
    %multiple_of3A = tpu.assume_multiple %mul3A_0, 128 : i32
    "tpu.region"() ({
      %run_scoped3A = tpu.sem_alloc : memref<!tpu.dma_semaphore, #tpu.memory_space<semaphore_mem>>
      %dma_start3A = arith.constant 0 : i32
      %dma_start3A_10 = tpu.memref_slice %arg7[%multiple_of3A, %dma_start3A] : memref<102400x8xf32, #tpu.memory_space<vmem_shared>> -> memref<6400x8xf32, #tpu.memory_space<vmem_shared>>
      tpu.enqueue_dma source(%arg5 : memref<6400x8xf32, #tpu.memory_space<hbm>>) target(%dma_start3A_10 : memref<6400x8xf32, #tpu.memory_space<vmem_shared>>) target_semaphore(%run_scoped3A : memref<!tpu.dma_semaphore, #tpu.memory_space<semaphore_mem>>)
      %dma_wait3A = arith.constant 0 : i32
      %dma_wait3A_11 = tpu.memref_slice %arg7[%multiple_of3A, %dma_wait3A] : memref<102400x8xf32, #tpu.memory_space<vmem_shared>> -> memref<6400x8xf32, #tpu.memory_space<vmem_shared>>
      tpu.wait_dma2 semaphore(%run_scoped3A : memref<!tpu.dma_semaphore, #tpu.memory_space<semaphore_mem>>) src(%arg5 : memref<6400x8xf32, #tpu.memory_space<hbm>>) dst(%dma_wait3A_11 : memref<6400x8xf32, #tpu.memory_space<vmem_shared>>)
      tpu.yield
    }) : () -> ()
    %barrier3A = arith.constant 0 : index
    tpu.barrier barrier_id(%barrier3A)
    %mul3A_1 = arith.constant 1 : i32
    %mul3A_2 = arith.muli %arg1, %mul3A_1 : i32
    %add3A = arith.constant 0 : i32
    %add3A_3 = arith.addi %add3A, %mul3A_2 : i32
    %mul3A_4 = arith.constant 16 : i32
    %mul3A_5 = arith.muli %arg0, %mul3A_4 : i32
    %add3A_6 = arith.addi %add3A_3, %mul3A_5 : i32
    %mul3A_7 = arith.constant 391 : i32
    %mul3A_8 = arith.muli %add3A_6, %mul3A_7 : i32
    "tpu.region"() ({
      %run_scoped3A = memref.alloca() : memref<2x1x128xi32, #tpu.memory_space<vmem>>
      %run_scoped3A_10 = tpu.sem_alloc : memref<2x!tpu.dma_semaphore, #tpu.memory_space<semaphore_mem>>
      %run_scoped3A_11 = memref.alloca() : memref<2x1x128xi32, #tpu.memory_space<vmem>>
      %run_scoped3A_12 = tpu.sem_alloc : memref<2x!tpu.dma_semaphore, #tpu.memory_space<semaphore_mem>>
      %add3A_13 = arith.constant 0 : i32
      %add3A_14 = arith.addi %add3A_13, %mul3A_8 : i32
      %select_n3A = arith.constant true
      %select_n3A_15 = arith.constant 0 : i32
      %select_n3A_16 = arith.constant -1 : i32
      %select_n3A_17 = arith.select %select_n3A, %select_n3A_16, %select_n3A_15 : i32
      %eq3A = arith.constant -1 : i32
      %eq3A_18 = arith.cmpi eq, %select_n3A_17, %eq3A : i32
      %select_n3A_19 = arith.constant 390 : i32
      %select_n3A_20 = arith.select %eq3A_18, %select_n3A_19, %select_n3A_17 : i32
      %add3A_21 = arith.addi %select_n3A_20, %mul3A_8 : i32
      %select_n3A_22 = arith.constant true
      %select_n3A_23 = arith.constant 0 : i32
      %select_n3A_24 = arith.constant 1 : i32
      %select_n3A_25 = arith.select %select_n3A_22, %select_n3A_24, %select_n3A_23 : i32
      %eq3A_26 = arith.constant 391 : i32
      %eq3A_27 = arith.cmpi eq, %select_n3A_25, %eq3A_26 : i32
      %select_n3A_28 = arith.constant 0 : i32
      %select_n3A_29 = arith.select %eq3A_27, %select_n3A_28, %select_n3A_25 : i32
      %add3A_30 = arith.addi %select_n3A_29, %mul3A_8 : i32
      %add3A_31 = arith.constant 1 : i32
      %add3A_32 = arith.addi %select_n3A_29, %add3A_31 : i32
      %select_n3A_33 = arith.constant true
      %select_n3A_34 = arith.select %select_n3A_33, %add3A_32, %select_n3A_29 : i32
      %eq3A_35 = arith.constant 391 : i32
      %eq3A_36 = arith.cmpi eq, %select_n3A_34, %eq3A_35 : i32
      %select_n3A_37 = arith.constant 0 : i32
      %select_n3A_38 = arith.select %eq3A_36, %select_n3A_37, %select_n3A_34 : i32
      %add3A_39 = arith.addi %select_n3A_38, %mul3A_8 : i32
      "tpu.trace_start"() <{level = 10 : i32, message = "ep_initialize_0"}> : () -> ()
      %rem3A = arith.constant 0 : i32
      %rem3A_40 = arith.constant 2 : i32
      %rem3A_41 = arith.remui %rem3A, %rem3A_40 : i32
      %mul3A_42 = arith.constant 128 : i32
      %mul3A_43 = arith.muli %mul3A_42, %add3A_14 : i32
      %dma_start3A = arith.constant 0 : i32
      %dma_start3A_44 = arith.constant 0 : i32
      %dma_start3A_45 = tpu.memref_slice %run_scoped3A[%rem3A_41, %dma_start3A, %dma_start3A_44] : memref<2x1x128xi32, #tpu.memory_space<vmem>> -> memref<1x1x128xi32, #tpu.memory_space<vmem>>
      %dma_start3A_46 = tpu.memref_squeeze %dma_start3A_45 : memref<1x1x128xi32, #tpu.memory_space<vmem>> -> memref<1x128xi32, #tpu.memory_space<vmem>>
      %dma_start3A_47 = arith.constant 0 : i32
      %dma_start3A_48 = tpu.memref_slice %arg2[%dma_start3A_47, %mul3A_43] : memref<1x1601536xi32, #tpu.memory_space<hbm>> -> memref<1x128xi32, #tpu.memory_space<hbm>>
      %dma_start3A_49 = tpu.memref_slice %run_scoped3A_10[%rem3A_41] : memref<2x!tpu.dma_semaphore, #tpu.memory_space<semaphore_mem>> -> memref<1x!tpu.dma_semaphore, #tpu.memory_space<semaphore_mem>>
      %dma_start3A_50 = tpu.memref_squeeze %dma_start3A_49 : memref<1x!tpu.dma_semaphore, #tpu.memory_space<semaphore_mem>> -> memref<!tpu.dma_semaphore, #tpu.memory_space<semaphore_mem>>
      %dma_start3A_51 = arith.constant 0 : i32
      %dma_start3A_52 = arith.constant 0 : i32
      %dma_start3A_53 = tpu.memref_slice %run_scoped3A[%rem3A_41, %dma_start3A_51, %dma_start3A_52] : memref<2x1x128xi32, #tpu.memory_space<vmem>> -> memref<1x1x128xi32, #tpu.memory_space<vmem>>
      %dma_start3A_54 = tpu.memref_squeeze %dma_start3A_53 : memref<1x1x128xi32, #tpu.memory_space<vmem>> -> memref<1x128xi32, #tpu.memory_space<vmem>>
      %dma_start3A_55 = arith.constant 0 : i32
      %dma_start3A_56 = tpu.memref_slice %arg2[%dma_start3A_55, %mul3A_43] : memref<1x1601536xi32, #tpu.memory_space<hbm>> -> memref<1x128xi32, #tpu.memory_space<hbm>>
      tpu.enqueue_dma source(%dma_start3A_56 : memref<1x128xi32, #tpu.memory_space<hbm>>) target(%dma_start3A_54 : memref<1x128xi32, #tpu.memory_space<vmem>>) target_semaphore(%dma_start3A_50 : memref<!tpu.dma_semaphore, #tpu.memory_space<semaphore_mem>>)
      %add3A_57 = arith.constant 0 : i32
      %add3A_58 = arith.constant 1 : i32
      %add3A_59 = arith.addi %add3A_57, %add3A_58 : i32
      %select_n3A_60 = arith.constant true
      %select_n3A_61 = arith.constant 0 : i32
      %select_n3A_62 = arith.select %select_n3A_60, %add3A_59, %select_n3A_61 : i32
      %rem3A_63 = arith.constant 0 : i32
      %rem3A_64 = arith.constant 2 : i32
      %rem3A_65 = arith.remui %rem3A_63, %rem3A_64 : i32
      %mul3A_66 = arith.constant 128 : i32
      %mul3A_67 = arith.muli %mul3A_66, %add3A_14 : i32
      %dma_start3A_68 = arith.constant 0 : i32
      %dma_start3A_69 = arith.constant 0 : i32
      %dma_start3A_70 = tpu.memref_slice %run_scoped3A_11[%rem3A_65, %dma_start3A_68, %dma_start3A_69] : memref<2x1x128xi32, #tpu.memory_space<vmem>> -> memref<1x1x128xi32, #tpu.memory_space<vmem>>
      %dma_start3A_71 = tpu.memref_squeeze %dma_start3A_70 : memref<1x1x128xi32, #tpu.memory_space<vmem>> -> memref<1x128xi32, #tpu.memory_space<vmem>>
      %dma_start3A_72 = arith.constant 0 : i32
      %dma_start3A_73 = tpu.memref_slice %arg3[%dma_start3A_72, %mul3A_67] : memref<1x1601536xi32, #tpu.memory_space<hbm>> -> memref<1x128xi32, #tpu.memory_space<hbm>>
      %dma_start3A_74 = tpu.memref_slice %run_scoped3A_12[%rem3A_65] : memref<2x!tpu.dma_semaphore, #tpu.memory_space<semaphore_mem>> -> memref<1x!tpu.dma_semaphore, #tpu.memory_space<semaphore_mem>>
      %dma_start3A_75 = tpu.memref_squeeze %dma_start3A_74 : memref<1x!tpu.dma_semaphore, #tpu.memory_space<semaphore_mem>> -> memref<!tpu.dma_semaphore, #tpu.memory_space<semaphore_mem>>
      %dma_start3A_76 = arith.constant 0 : i32
      %dma_start3A_77 = arith.constant 0 : i32
      %dma_start3A_78 = tpu.memref_slice %run_scoped3A_11[%rem3A_65, %dma_start3A_76, %dma_start3A_77] : memref<2x1x128xi32, #tpu.memory_space<vmem>> -> memref<1x1x128xi32, #tpu.memory_space<vmem>>
      %dma_start3A_79 = tpu.memref_squeeze %dma_start3A_78 : memref<1x1x128xi32, #tpu.memory_space<vmem>> -> memref<1x128xi32, #tpu.memory_space<vmem>>
      %dma_start3A_80 = arith.constant 0 : i32
      %dma_start3A_81 = tpu.memref_slice %arg3[%dma_start3A_80, %mul3A_67] : memref<1x1601536xi32, #tpu.memory_space<hbm>> -> memref<1x128xi32, #tpu.memory_space<hbm>>
      tpu.enqueue_dma source(%dma_start3A_81 : memref<1x128xi32, #tpu.memory_space<hbm>>) target(%dma_start3A_79 : memref<1x128xi32, #tpu.memory_space<vmem>>) target_semaphore(%dma_start3A_75 : memref<!tpu.dma_semaphore, #tpu.memory_space<semaphore_mem>>)
      %add3A_82 = arith.constant 0 : i32
      %add3A_83 = arith.constant 1 : i32
      %add3A_84 = arith.addi %add3A_82, %add3A_83 : i32
      %select_n3A_85 = arith.constant true
      %select_n3A_86 = arith.constant 0 : i32
      %select_n3A_87 = arith.select %select_n3A_85, %add3A_84, %select_n3A_86 : i32
      "tpu.trace_stop"() : () -> ()
      %scan3A = arith.constant 0 : i32
      %scan3A_88 = arith.constant 0 : i32
      %scan3A_89 = arith.constant 0 : i32
      %scan3A_90 = arith.constant 0 : i32
      %scan3A_91 = arith.constant 391 : i32
      %scan3A_92 = arith.addi %scan3A_90, %scan3A_91 : i32
      %scan3A_93 = arith.constant 1 : i32
      %scan3A_94:5 = scf.for %scan3A_131 = %scan3A_90 to %scan3A_92 step %scan3A_93 iter_args(%scan3A_132 = %select_n3A_62, %scan3A_133 = %scan3A, %scan3A_134 = %select_n3A_87, %scan3A_135 = %scan3A_88, %scan3A_136 = %scan3A_89) -> (i32, i32, i32, i32, i32)  : i32 {
        %eq3A_137 = arith.constant 0 : i32
        %eq3A_138 = arith.cmpi eq, %scan3A_131, %eq3A_137 : i32
        %eq3A_139 = arith.constant 390 : i32
        %eq3A_140 = arith.cmpi eq, %scan3A_131, %eq3A_139 : i32
        %add3A_141 = arith.addi %scan3A_136, %mul3A_8 : i32
        %sub3A_142 = arith.constant 1 : i32
        %sub3A_143 = arith.subi %scan3A_136, %sub3A_142 : i32
        %select_n3A_144 = arith.constant true
        %select_n3A_145 = arith.select %select_n3A_144, %sub3A_143, %scan3A_136 : i32
        %eq3A_146 = arith.constant -1 : i32
        %eq3A_147 = arith.cmpi eq, %select_n3A_145, %eq3A_146 : i32
        %select_n3A_148 = arith.constant 390 : i32
        %select_n3A_149 = arith.select %eq3A_147, %select_n3A_148, %select_n3A_145 : i32
        %add3A_150 = arith.addi %select_n3A_149, %mul3A_8 : i32
        %add3A_151 = arith.constant 1 : i32
        %add3A_152 = arith.addi %scan3A_136, %add3A_151 : i32
        %select_n3A_153 = arith.constant true
        %select_n3A_154 = arith.select %select_n3A_153, %add3A_152, %scan3A_136 : i32
        %eq3A_155 = arith.constant 391 : i32
        %eq3A_156 = arith.cmpi eq, %select_n3A_154, %eq3A_155 : i32
        %select_n3A_157 = arith.constant 0 : i32
        %select_n3A_158 = arith.select %eq3A_156, %select_n3A_157, %select_n3A_154 : i32
        %add3A_159 = arith.addi %select_n3A_158, %mul3A_8 : i32
        %add3A_160 = arith.constant 1 : i32
        %add3A_161 = arith.addi %select_n3A_158, %add3A_160 : i32
        %select_n3A_162 = arith.constant true
        %select_n3A_163 = arith.select %select_n3A_162, %add3A_161, %select_n3A_158 : i32
        %eq3A_164 = arith.constant 391 : i32
        %eq3A_165 = arith.cmpi eq, %select_n3A_163, %eq3A_164 : i32
        %select_n3A_166 = arith.constant 0 : i32
        %select_n3A_167 = arith.select %eq3A_165, %select_n3A_166, %select_n3A_163 : i32
        %add3A_168 = arith.addi %select_n3A_167, %mul3A_8 : i32
        %ne3A = arith.cmpi ne, %add3A_141, %add3A_159 : i32
        %or3A = arith.constant false
        %or3A_169 = arith.ori %or3A, %ne3A : i1
        %ge3A = arith.constant 390 : i32
        %ge3A_170 = arith.cmpi sge, %scan3A_131, %ge3A : i32
        %not3A = arith.constant true
        %not3A_171 = arith.xori %ge3A_170, %not3A : i1
        %and3A = arith.andi %or3A_169, %not3A_171 : i1
        %convert_element_type3A = arith.extui %and3A : i1 to i32
        %cond3A = arith.constant 0 : i32
        %cond3A_172 = arith.cmpi ne, %convert_element_type3A, %cond3A : i32
        scf.if %cond3A_172 {
          "tpu.trace_start"() <{level = 10 : i32, message = "ep_copy_in"}> : () -> ()
          %rem3A_276 = arith.constant 2 : i32
          %rem3A_277 = arith.remui %scan3A_132, %rem3A_276 : i32
          %mul3A_278 = arith.constant 128 : i32
          %mul3A_279 = arith.muli %mul3A_278, %add3A_159 : i32
          %dma_start3A_280 = arith.constant 0 : i32
          %dma_start3A_281 = arith.constant 0 : i32
          %dma_start3A_282 = tpu.memref_slice %run_scoped3A[%rem3A_277, %dma_start3A_280, %dma_start3A_281] : memref<2x1x128xi32, #tpu.memory_space<vmem>> -> memref<1x1x128xi32, #tpu.memory_space<vmem>>
          %dma_start3A_283 = tpu.memref_squeeze %dma_start3A_282 : memref<1x1x128xi32, #tpu.memory_space<vmem>> -> memref<1x128xi32, #tpu.memory_space<vmem>>
          %dma_start3A_284 = arith.constant 0 : i32
          %dma_start3A_285 = tpu.memref_slice %arg2[%dma_start3A_284, %mul3A_279] : memref<1x1601536xi32, #tpu.memory_space<hbm>> -> memref<1x128xi32, #tpu.memory_space<hbm>>
          %dma_start3A_286 = tpu.memref_slice %run_scoped3A_10[%rem3A_277] : memref<2x!tpu.dma_semaphore, #tpu.memory_space<semaphore_mem>> -> memref<1x!tpu.dma_semaphore, #tpu.memory_space<semaphore_mem>>
          %dma_start3A_287 = tpu.memref_squeeze %dma_start3A_286 : memref<1x!tpu.dma_semaphore, #tpu.memory_space<semaphore_mem>> -> memref<!tpu.dma_semaphore, #tpu.memory_space<semaphore_mem>>
          %dma_start3A_288 = arith.constant 0 : i32
          %dma_start3A_289 = arith.constant 0 : i32
          %dma_start3A_290 = tpu.memref_slice %run_scoped3A[%rem3A_277, %dma_start3A_288, %dma_start3A_289] : memref<2x1x128xi32, #tpu.memory_space<vmem>> -> memref<1x1x128xi32, #tpu.memory_space<vmem>>
          %dma_start3A_291 = tpu.memref_squeeze %dma_start3A_290 : memref<1x1x128xi32, #tpu.memory_space<vmem>> -> memref<1x128xi32, #tpu.memory_space<vmem>>
          %dma_start3A_292 = arith.constant 0 : i32
          %dma_start3A_293 = tpu.memref_slice %arg2[%dma_start3A_292, %mul3A_279] : memref<1x1601536xi32, #tpu.memory_space<hbm>> -> memref<1x128xi32, #tpu.memory_space<hbm>>
          tpu.enqueue_dma source(%dma_start3A_293 : memref<1x128xi32, #tpu.memory_space<hbm>>) target(%dma_start3A_291 : memref<1x128xi32, #tpu.memory_space<vmem>>) target_semaphore(%dma_start3A_287 : memref<!tpu.dma_semaphore, #tpu.memory_space<semaphore_mem>>)
          "tpu.trace_stop"() : () -> ()
        } else {
        }
        %and3A_173 = arith.constant true
        %and3A_174 = arith.andi %and3A, %and3A_173 : i1
        %add3A_175 = arith.constant 1 : i32
        %add3A_176 = arith.addi %scan3A_132, %add3A_175 : i32
        %select_n3A_177 = arith.select %and3A_174, %add3A_176, %scan3A_132 : i32
        %ne3A_178 = arith.cmpi ne, %add3A_141, %add3A_159 : i32
        %or3A_179 = arith.constant false
        %or3A_180 = arith.ori %or3A_179, %ne3A_178 : i1
        %ge3A_181 = arith.constant 390 : i32
        %ge3A_182 = arith.cmpi sge, %scan3A_131, %ge3A_181 : i32
        %not3A_183 = arith.constant true
        %not3A_184 = arith.xori %ge3A_182, %not3A_183 : i1
        %and3A_185 = arith.andi %or3A_180, %not3A_184 : i1
        %convert_element_type3A_186 = arith.extui %and3A_185 : i1 to i32
        %cond3A_187 = arith.constant 0 : i32
        %cond3A_188 = arith.cmpi ne, %convert_element_type3A_186, %cond3A_187 : i32
        scf.if %cond3A_188 {
          "tpu.trace_start"() <{level = 10 : i32, message = "ep_copy_in"}> : () -> ()
          %rem3A_276 = arith.constant 2 : i32
          %rem3A_277 = arith.remui %scan3A_134, %rem3A_276 : i32
          %mul3A_278 = arith.constant 128 : i32
          %mul3A_279 = arith.muli %mul3A_278, %add3A_159 : i32
          %dma_start3A_280 = arith.constant 0 : i32
          %dma_start3A_281 = arith.constant 0 : i32
          %dma_start3A_282 = tpu.memref_slice %run_scoped3A_11[%rem3A_277, %dma_start3A_280, %dma_start3A_281] : memref<2x1x128xi32, #tpu.memory_space<vmem>> -> memref<1x1x128xi32, #tpu.memory_space<vmem>>
          %dma_start3A_283 = tpu.memref_squeeze %dma_start3A_282 : memref<1x1x128xi32, #tpu.memory_space<vmem>> -> memref<1x128xi32, #tpu.memory_space<vmem>>
          %dma_start3A_284 = arith.constant 0 : i32
          %dma_start3A_285 = tpu.memref_slice %arg3[%dma_start3A_284, %mul3A_279] : memref<1x1601536xi32, #tpu.memory_space<hbm>> -> memref<1x128xi32, #tpu.memory_space<hbm>>
          %dma_start3A_286 = tpu.memref_slice %run_scoped3A_12[%rem3A_277] : memref<2x!tpu.dma_semaphore, #tpu.memory_space<semaphore_mem>> -> memref<1x!tpu.dma_semaphore, #tpu.memory_space<semaphore_mem>>
          %dma_start3A_287 = tpu.memref_squeeze %dma_start3A_286 : memref<1x!tpu.dma_semaphore, #tpu.memory_space<semaphore_mem>> -> memref<!tpu.dma_semaphore, #tpu.memory_space<semaphore_mem>>
          %dma_start3A_288 = arith.constant 0 : i32
          %dma_start3A_289 = arith.constant 0 : i32
          %dma_start3A_290 = tpu.memref_slice %run_scoped3A_11[%rem3A_277, %dma_start3A_288, %dma_start3A_289] : memref<2x1x128xi32, #tpu.memory_space<vmem>> -> memref<1x1x128xi32, #tpu.memory_space<vmem>>
          %dma_start3A_291 = tpu.memref_squeeze %dma_start3A_290 : memref<1x1x128xi32, #tpu.memory_space<vmem>> -> memref<1x128xi32, #tpu.memory_space<vmem>>
          %dma_start3A_292 = arith.constant 0 : i32
          %dma_start3A_293 = tpu.memref_slice %arg3[%dma_start3A_292, %mul3A_279] : memref<1x1601536xi32, #tpu.memory_space<hbm>> -> memref<1x128xi32, #tpu.memory_space<hbm>>
          tpu.enqueue_dma source(%dma_start3A_293 : memref<1x128xi32, #tpu.memory_space<hbm>>) target(%dma_start3A_291 : memref<1x128xi32, #tpu.memory_space<vmem>>) target_semaphore(%dma_start3A_287 : memref<!tpu.dma_semaphore, #tpu.memory_space<semaphore_mem>>)
          "tpu.trace_stop"() : () -> ()
        } else {
        }
        %and3A_189 = arith.constant true
        %and3A_190 = arith.andi %and3A_185, %and3A_189 : i1
        %add3A_191 = arith.constant 1 : i32
        %add3A_192 = arith.addi %scan3A_134, %add3A_191 : i32
        %select_n3A_193 = arith.select %and3A_190, %add3A_192, %scan3A_134 : i32
        %ne3A_194 = arith.cmpi ne, %add3A_141, %add3A_150 : i32
        %or3A_195 = arith.constant false
        %or3A_196 = arith.ori %or3A_195, %ne3A_194 : i1
        %or3A_197 = arith.ori %or3A_196, %eq3A_138 : i1
        %convert_element_type3A_198 = arith.extui %or3A_197 : i1 to i32
        %cond3A_199 = arith.constant 0 : i32
        %cond3A_200 = arith.cmpi ne, %convert_element_type3A_198, %cond3A_199 : i32
        scf.if %cond3A_200 {
          "tpu.trace_start"() <{level = 10 : i32, message = "ep_wait_in"}> : () -> ()
          %mul3A_276 = arith.constant 128 : i32
          %mul3A_277 = arith.muli %mul3A_276, %add3A_141 : i32
          %rem3A_278 = arith.constant 2 : i32
          %rem3A_279 = arith.remui %scan3A_133, %rem3A_278 : i32
          %dma_wait3A = arith.constant 0 : i32
          %dma_wait3A_280 = arith.constant 0 : i32
          %dma_wait3A_281 = tpu.memref_slice %run_scoped3A[%rem3A_279, %dma_wait3A, %dma_wait3A_280] : memref<2x1x128xi32, #tpu.memory_space<vmem>> -> memref<1x1x128xi32, #tpu.memory_space<vmem>>
          %dma_wait3A_282 = tpu.memref_squeeze %dma_wait3A_281 : memref<1x1x128xi32, #tpu.memory_space<vmem>> -> memref<1x128xi32, #tpu.memory_space<vmem>>
          %dma_wait3A_283 = arith.constant 0 : i32
          %dma_wait3A_284 = tpu.memref_slice %arg2[%dma_wait3A_283, %mul3A_277] : memref<1x1601536xi32, #tpu.memory_space<hbm>> -> memref<1x128xi32, #tpu.memory_space<hbm>>
          %dma_wait3A_285 = tpu.memref_slice %run_scoped3A_10[%rem3A_279] : memref<2x!tpu.dma_semaphore, #tpu.memory_space<semaphore_mem>> -> memref<1x!tpu.dma_semaphore, #tpu.memory_space<semaphore_mem>>
          %dma_wait3A_286 = tpu.memref_squeeze %dma_wait3A_285 : memref<1x!tpu.dma_semaphore, #tpu.memory_space<semaphore_mem>> -> memref<!tpu.dma_semaphore, #tpu.memory_space<semaphore_mem>>
          %dma_wait3A_287 = arith.constant 0 : i32
          %dma_wait3A_288 = arith.constant 0 : i32
          %dma_wait3A_289 = tpu.memref_slice %run_scoped3A[%rem3A_279, %dma_wait3A_287, %dma_wait3A_288] : memref<2x1x128xi32, #tpu.memory_space<vmem>> -> memref<1x1x128xi32, #tpu.memory_space<vmem>>
          %dma_wait3A_290 = tpu.memref_squeeze %dma_wait3A_289 : memref<1x1x128xi32, #tpu.memory_space<vmem>> -> memref<1x128xi32, #tpu.memory_space<vmem>>
          %dma_wait3A_291 = arith.constant 0 : i32
          %dma_wait3A_292 = tpu.memref_slice %arg2[%dma_wait3A_291, %mul3A_277] : memref<1x1601536xi32, #tpu.memory_space<hbm>> -> memref<1x128xi32, #tpu.memory_space<hbm>>
          tpu.wait_dma2 semaphore(%dma_wait3A_286 : memref<!tpu.dma_semaphore, #tpu.memory_space<semaphore_mem>>) src(%dma_wait3A_292 : memref<1x128xi32, #tpu.memory_space<hbm>>) dst(%dma_wait3A_290 : memref<1x128xi32, #tpu.memory_space<vmem>>)
          "tpu.trace_stop"() : () -> ()
        } else {
        }
        %ne3A_201 = arith.cmpi ne, %add3A_141, %add3A_150 : i32
        %or3A_202 = arith.constant false
        %or3A_203 = arith.ori %or3A_202, %ne3A_201 : i1
        %or3A_204 = arith.ori %or3A_203, %eq3A_138 : i1
        %convert_element_type3A_205 = arith.extui %or3A_204 : i1 to i32
        %cond3A_206 = arith.constant 0 : i32
        %cond3A_207 = arith.cmpi ne, %convert_element_type3A_205, %cond3A_206 : i32
        scf.if %cond3A_207 {
          "tpu.trace_start"() <{level = 10 : i32, message = "ep_wait_in"}> : () -> ()
          %mul3A_276 = arith.constant 128 : i32
          %mul3A_277 = arith.muli %mul3A_276, %add3A_141 : i32
          %rem3A_278 = arith.constant 2 : i32
          %rem3A_279 = arith.remui %scan3A_135, %rem3A_278 : i32
          %dma_wait3A = arith.constant 0 : i32
          %dma_wait3A_280 = arith.constant 0 : i32
          %dma_wait3A_281 = tpu.memref_slice %run_scoped3A_11[%rem3A_279, %dma_wait3A, %dma_wait3A_280] : memref<2x1x128xi32, #tpu.memory_space<vmem>> -> memref<1x1x128xi32, #tpu.memory_space<vmem>>
          %dma_wait3A_282 = tpu.memref_squeeze %dma_wait3A_281 : memref<1x1x128xi32, #tpu.memory_space<vmem>> -> memref<1x128xi32, #tpu.memory_space<vmem>>
          %dma_wait3A_283 = arith.constant 0 : i32
          %dma_wait3A_284 = tpu.memref_slice %arg3[%dma_wait3A_283, %mul3A_277] : memref<1x1601536xi32, #tpu.memory_space<hbm>> -> memref<1x128xi32, #tpu.memory_space<hbm>>
          %dma_wait3A_285 = tpu.memref_slice %run_scoped3A_12[%rem3A_279] : memref<2x!tpu.dma_semaphore, #tpu.memory_space<semaphore_mem>> -> memref<1x!tpu.dma_semaphore, #tpu.memory_space<semaphore_mem>>
          %dma_wait3A_286 = tpu.memref_squeeze %dma_wait3A_285 : memref<1x!tpu.dma_semaphore, #tpu.memory_space<semaphore_mem>> -> memref<!tpu.dma_semaphore, #tpu.memory_space<semaphore_mem>>
          %dma_wait3A_287 = arith.constant 0 : i32
          %dma_wait3A_288 = arith.constant 0 : i32
          %dma_wait3A_289 = tpu.memref_slice %run_scoped3A_11[%rem3A_279, %dma_wait3A_287, %dma_wait3A_288] : memref<2x1x128xi32, #tpu.memory_space<vmem>> -> memref<1x1x128xi32, #tpu.memory_space<vmem>>
          %dma_wait3A_290 = tpu.memref_squeeze %dma_wait3A_289 : memref<1x1x128xi32, #tpu.memory_space<vmem>> -> memref<1x128xi32, #tpu.memory_space<vmem>>
          %dma_wait3A_291 = arith.constant 0 : i32
          %dma_wait3A_292 = tpu.memref_slice %arg3[%dma_wait3A_291, %mul3A_277] : memref<1x1601536xi32, #tpu.memory_space<hbm>> -> memref<1x128xi32, #tpu.memory_space<hbm>>
          tpu.wait_dma2 semaphore(%dma_wait3A_286 : memref<!tpu.dma_semaphore, #tpu.memory_space<semaphore_mem>>) src(%dma_wait3A_292 : memref<1x128xi32, #tpu.memory_space<hbm>>) dst(%dma_wait3A_290 : memref<1x128xi32, #tpu.memory_space<vmem>>)
          "tpu.trace_stop"() : () -> ()
        } else {
        }
        %rem3A_208 = arith.constant 2 : i32
        %rem3A_209 = arith.remui %scan3A_133, %rem3A_208 : i32
        %rem3A_210 = arith.constant 2 : i32
        %rem3A_211 = arith.remui %scan3A_135, %rem3A_210 : i32
        %run_scoped3A_212 = arith.constant 0 : i32
        "tpu.trace_start"() <{level = 10 : i32, message = "ep_run_kernel"}> : () -> ()
        "tpu.region"() ({
          %run_scoped3A_276 = tpu.sem_alloc : memref<!tpu.dma_semaphore, #tpu.memory_space<semaphore_mem>>
          %dma_start3A_277 = arith.constant 0 : i32
          %dma_start3A_278 = arith.constant 0 : i32
          %dma_start3A_279 = tpu.memref_slice %run_scoped3A[%rem3A_209, %dma_start3A_277, %dma_start3A_278] : memref<2x1x128xi32, #tpu.memory_space<vmem>> -> memref<1x1x128xi32, #tpu.memory_space<vmem>>
          %dma_start3A_280 = tpu.memref_squeeze %dma_start3A_279 : memref<1x1x128xi32, #tpu.memory_space<vmem>> -> memref<1x128xi32, #tpu.memory_space<vmem>>
          %dma_start3A_281 = arith.constant 0 : i32
          %dma_start3A_282 = tpu.memref_slice %dma_start3A_280[%run_scoped3A_212, %dma_start3A_281] : memref<1x128xi32, #tpu.memory_space<vmem>> -> memref<1x128xi32, #tpu.memory_space<vmem>>
          %dma_start3A_283 = tpu.memref_squeeze %dma_start3A_282 : memref<1x128xi32, #tpu.memory_space<vmem>> -> memref<128xi32, #tpu.memory_space<vmem>>
          %dma_start3A_284 = arith.constant 0 : i32
          %dma_start3A_285 = arith.constant 0 : i32
          %dma_start3A_286 = tpu.memref_slice %arg4[%dma_start3A_284, %dma_start3A_285] : memref<102400x8xf32, #tpu.memory_space<hbm>> -> memref<102400x8xf32, #tpu.memory_space<hbm>>
          tpu.enqueue_indirect_dma source(%dma_start3A_286 : memref<102400x8xf32, #tpu.memory_space<hbm>>) target(%arg8 : memref<128x8xf32, #tpu.memory_space<vmem>>) offsets(%dma_start3A_283 : memref<128xi32, #tpu.memory_space<vmem>>) semaphore(%run_scoped3A_276 : memref<!tpu.dma_semaphore, #tpu.memory_space<semaphore_mem>>)
          %dma_wait3A = arith.constant 0 : i32
          %dma_wait3A_287 = arith.constant 0 : i32
          %dma_wait3A_288 = tpu.memref_slice %run_scoped3A[%rem3A_209, %dma_wait3A, %dma_wait3A_287] : memref<2x1x128xi32, #tpu.memory_space<vmem>> -> memref<1x1x128xi32, #tpu.memory_space<vmem>>
          %dma_wait3A_289 = tpu.memref_squeeze %dma_wait3A_288 : memref<1x1x128xi32, #tpu.memory_space<vmem>> -> memref<1x128xi32, #tpu.memory_space<vmem>>
          %dma_wait3A_290 = arith.constant 0 : i32
          %dma_wait3A_291 = tpu.memref_slice %dma_wait3A_289[%run_scoped3A_212, %dma_wait3A_290] : memref<1x128xi32, #tpu.memory_space<vmem>> -> memref<1x128xi32, #tpu.memory_space<vmem>>
          %dma_wait3A_292 = tpu.memref_squeeze %dma_wait3A_291 : memref<1x128xi32, #tpu.memory_space<vmem>> -> memref<128xi32, #tpu.memory_space<vmem>>
          %dma_wait3A_293 = arith.constant 0 : i32
          %dma_wait3A_294 = arith.constant 0 : i32
          %dma_wait3A_295 = tpu.memref_slice %arg4[%dma_wait3A_293, %dma_wait3A_294] : memref<102400x8xf32, #tpu.memory_space<hbm>> -> memref<102400x8xf32, #tpu.memory_space<hbm>>
          tpu.wait_indirect_dma semaphore(%run_scoped3A_276 : memref<!tpu.dma_semaphore, #tpu.memory_space<semaphore_mem>>) src(%dma_wait3A_295 : memref<102400x8xf32, #tpu.memory_space<hbm>>) dst(%arg8 : memref<128x8xf32, #tpu.memory_space<vmem>>)
          tpu.yield
        }) : () -> ()
        %run_scoped3A_213 = arith.constant 0 : i32
        "tpu.region"() ({
          %run_scoped3A_276 = tpu.sem_alloc : memref<!tpu.dma_semaphore, #tpu.memory_space<semaphore_mem>>
          %dma_start3A_277 = arith.constant 0 : i32
          %dma_start3A_278 = arith.constant 0 : i32
          %dma_start3A_279 = tpu.memref_slice %run_scoped3A_11[%rem3A_211, %dma_start3A_277, %dma_start3A_278] : memref<2x1x128xi32, #tpu.memory_space<vmem>> -> memref<1x1x128xi32, #tpu.memory_space<vmem>>
          %dma_start3A_280 = tpu.memref_squeeze %dma_start3A_279 : memref<1x1x128xi32, #tpu.memory_space<vmem>> -> memref<1x128xi32, #tpu.memory_space<vmem>>
          %dma_start3A_281 = arith.constant 0 : i32
          %dma_start3A_282 = tpu.memref_slice %dma_start3A_280[%run_scoped3A_213, %dma_start3A_281] : memref<1x128xi32, #tpu.memory_space<vmem>> -> memref<1x128xi32, #tpu.memory_space<vmem>>
          %dma_start3A_283 = tpu.memref_squeeze %dma_start3A_282 : memref<1x128xi32, #tpu.memory_space<vmem>> -> memref<128xi32, #tpu.memory_space<vmem>>
          %dma_start3A_284 = arith.constant 0 : i32
          %dma_start3A_285 = arith.constant 0 : i32
          %dma_start3A_286 = tpu.memref_slice %arg7[%dma_start3A_284, %dma_start3A_285] : memref<102400x8xf32, #tpu.memory_space<vmem_shared>> -> memref<102400x8xf32, #tpu.memory_space<vmem_shared>>
          tpu.enqueue_indirect_dma source(%arg8 : memref<128x8xf32, #tpu.memory_space<vmem>>) target(%dma_start3A_286 : memref<102400x8xf32, #tpu.memory_space<vmem_shared>>) offsets(%dma_start3A_283 : memref<128xi32, #tpu.memory_space<vmem>>) semaphore(%run_scoped3A_276 : memref<!tpu.dma_semaphore, #tpu.memory_space<semaphore_mem>>) {add = true}
          %dma_wait3A = arith.constant 0 : i32
          %dma_wait3A_287 = arith.constant 0 : i32
          %dma_wait3A_288 = tpu.memref_slice %run_scoped3A_11[%rem3A_211, %dma_wait3A, %dma_wait3A_287] : memref<2x1x128xi32, #tpu.memory_space<vmem>> -> memref<1x1x128xi32, #tpu.memory_space<vmem>>
          %dma_wait3A_289 = tpu.memref_squeeze %dma_wait3A_288 : memref<1x1x128xi32, #tpu.memory_space<vmem>> -> memref<1x128xi32, #tpu.memory_space<vmem>>
          %dma_wait3A_290 = arith.constant 0 : i32
          %dma_wait3A_291 = tpu.memref_slice %dma_wait3A_289[%run_scoped3A_213, %dma_wait3A_290] : memref<1x128xi32, #tpu.memory_space<vmem>> -> memref<1x128xi32, #tpu.memory_space<vmem>>
          %dma_wait3A_292 = tpu.memref_squeeze %dma_wait3A_291 : memref<1x128xi32, #tpu.memory_space<vmem>> -> memref<128xi32, #tpu.memory_space<vmem>>
          %dma_wait3A_293 = arith.constant 0 : i32
          %dma_wait3A_294 = arith.constant 0 : i32
          %dma_wait3A_295 = tpu.memref_slice %arg7[%dma_wait3A_293, %dma_wait3A_294] : memref<102400x8xf32, #tpu.memory_space<vmem_shared>> -> memref<102400x8xf32, #tpu.memory_space<vmem_shared>>
          tpu.wait_indirect_dma semaphore(%run_scoped3A_276 : memref<!tpu.dma_semaphore, #tpu.memory_space<semaphore_mem>>) src(%arg8 : memref<128x8xf32, #tpu.memory_space<vmem>>) dst(%dma_wait3A_295 : memref<102400x8xf32, #tpu.memory_space<vmem_shared>>)
          tpu.yield
        }) : () -> ()
        "tpu.trace_stop"() : () -> ()
        %ne3A_214 = arith.cmpi ne, %add3A_141, %add3A_159 : i32
        %or3A_215 = arith.constant false
        %or3A_216 = arith.ori %or3A_215, %ne3A_214 : i1
        %or3A_217 = arith.ori %or3A_216, %eq3A_140 : i1
        %convert_element_type3A_218 = arith.extui %or3A_217 : i1 to i32
        %cond3A_219 = arith.constant 0 : i32
        %cond3A_220 = arith.cmpi ne, %convert_element_type3A_218, %cond3A_219 : i32
        scf.if %cond3A_220 {
        } else {
        }
        %and3A_221 = arith.constant false
        %and3A_222 = arith.andi %or3A_217, %and3A_221 : i1
        %ne3A_223 = arith.cmpi ne, %add3A_141, %add3A_159 : i32
        %or3A_224 = arith.constant false
        %or3A_225 = arith.ori %or3A_224, %ne3A_223 : i1
        %or3A_226 = arith.ori %or3A_225, %eq3A_140 : i1
        %convert_element_type3A_227 = arith.extui %or3A_226 : i1 to i32
        %cond3A_228 = arith.constant 0 : i32
        %cond3A_229 = arith.cmpi ne, %convert_element_type3A_227, %cond3A_228 : i32
        scf.if %cond3A_229 {
        } else {
        }
        %and3A_230 = arith.constant false
        %and3A_231 = arith.andi %or3A_226, %and3A_230 : i1
        %ne3A_232 = arith.cmpi ne, %add3A_141, %add3A_150 : i32
        %or3A_233 = arith.constant false
        %or3A_234 = arith.ori %or3A_233, %ne3A_232 : i1
        %not3A_235 = arith.constant true
        %not3A_236 = arith.xori %eq3A_138, %not3A_235 : i1
        %and3A_237 = arith.andi %or3A_234, %not3A_236 : i1
        %convert_element_type3A_238 = arith.extui %and3A_237 : i1 to i32
        %cond3A_239 = arith.constant 0 : i32
        %cond3A_240 = arith.cmpi ne, %convert_element_type3A_238, %cond3A_239 : i32
        scf.if %cond3A_240 {
        } else {
        }
        %and3A_241 = arith.constant false
        %and3A_242 = arith.andi %and3A_237, %and3A_241 : i1
        %ne3A_243 = arith.cmpi ne, %add3A_141, %add3A_150 : i32
        %or3A_244 = arith.constant false
        %or3A_245 = arith.ori %or3A_244, %ne3A_243 : i1
        %not3A_246 = arith.constant true
        %not3A_247 = arith.xori %eq3A_138, %not3A_246 : i1
        %and3A_248 = arith.andi %or3A_245, %not3A_247 : i1
        %convert_element_type3A_249 = arith.extui %and3A_248 : i1 to i32
        %cond3A_250 = arith.constant 0 : i32
        %cond3A_251 = arith.cmpi ne, %convert_element_type3A_249, %cond3A_250 : i32
        scf.if %cond3A_251 {
        } else {
        }
        %and3A_252 = arith.constant false
        %and3A_253 = arith.andi %and3A_248, %and3A_252 : i1
        %ne3A_254 = arith.cmpi ne, %add3A_141, %add3A_159 : i32
        %or3A_255 = arith.constant false
        %or3A_256 = arith.ori %or3A_255, %ne3A_254 : i1
        %or3A_257 = arith.ori %or3A_256, %eq3A_140 : i1
        %add3A_258 = arith.constant 1 : i32
        %add3A_259 = arith.addi %scan3A_133, %add3A_258 : i32
        %select_n3A_260 = arith.select %or3A_257, %add3A_259, %scan3A_133 : i32
        %ne3A_261 = arith.cmpi ne, %add3A_141, %add3A_159 : i32
        %or3A_262 = arith.constant false
        %or3A_263 = arith.ori %or3A_262, %ne3A_261 : i1
        %or3A_264 = arith.ori %or3A_263, %eq3A_140 : i1
        %add3A_265 = arith.constant 1 : i32
        %add3A_266 = arith.addi %scan3A_135, %add3A_265 : i32
        %select_n3A_267 = arith.select %or3A_264, %add3A_266, %scan3A_135 : i32
        %add3A_268 = arith.constant 1 : i32
        %add3A_269 = arith.addi %scan3A_136, %add3A_268 : i32
        %select_n3A_270 = arith.constant true
        %select_n3A_271 = arith.select %select_n3A_270, %add3A_269, %scan3A_136 : i32
        %eq3A_272 = arith.constant 391 : i32
        %eq3A_273 = arith.cmpi eq, %select_n3A_271, %eq3A_272 : i32
        %select_n3A_274 = arith.constant 0 : i32
        %select_n3A_275 = arith.select %eq3A_273, %select_n3A_274, %select_n3A_271 : i32
        scf.yield %select_n3A_177, %select_n3A_260, %select_n3A_193, %select_n3A_267, %select_n3A_275 : i32, i32, i32, i32, i32
      }
      %scan3A_95 = arith.constant 391 : i32
      %sub3A = arith.constant 1 : i32
      %sub3A_96 = arith.subi %scan3A_94#4, %sub3A : i32
      %select_n3A_97 = arith.constant true
      %select_n3A_98 = arith.select %select_n3A_97, %sub3A_96, %scan3A_94#4 : i32
      %eq3A_99 = arith.constant -1 : i32
      %eq3A_100 = arith.cmpi eq, %select_n3A_98, %eq3A_99 : i32
      %select_n3A_101 = arith.constant 390 : i32
      %select_n3A_102 = arith.select %eq3A_100, %select_n3A_101, %select_n3A_98 : i32
      %add3A_103 = arith.addi %select_n3A_102, %mul3A_8 : i32
      %sub3A_104 = arith.constant 1 : i32
      %sub3A_105 = arith.subi %select_n3A_102, %sub3A_104 : i32
      %select_n3A_106 = arith.constant true
      %select_n3A_107 = arith.select %select_n3A_106, %sub3A_105, %select_n3A_102 : i32
      %eq3A_108 = arith.constant -1 : i32
      %eq3A_109 = arith.cmpi eq, %select_n3A_107, %eq3A_108 : i32
      %select_n3A_110 = arith.constant 390 : i32
      %select_n3A_111 = arith.select %eq3A_109, %select_n3A_110, %select_n3A_107 : i32
      %add3A_112 = arith.addi %select_n3A_111, %mul3A_8 : i32
      %add3A_113 = arith.constant 1 : i32
      %add3A_114 = arith.addi %select_n3A_102, %add3A_113 : i32
      %select_n3A_115 = arith.constant true
      %select_n3A_116 = arith.select %select_n3A_115, %add3A_114, %select_n3A_102 : i32
      %eq3A_117 = arith.constant 391 : i32
      %eq3A_118 = arith.cmpi eq, %select_n3A_116, %eq3A_117 : i32
      %select_n3A_119 = arith.constant 0 : i32
      %select_n3A_120 = arith.select %eq3A_118, %select_n3A_119, %select_n3A_116 : i32
      %add3A_121 = arith.addi %select_n3A_120, %mul3A_8 : i32
      %add3A_122 = arith.constant 1 : i32
      %add3A_123 = arith.addi %select_n3A_120, %add3A_122 : i32
      %select_n3A_124 = arith.constant true
      %select_n3A_125 = arith.select %select_n3A_124, %add3A_123, %select_n3A_120 : i32
      %eq3A_126 = arith.constant 391 : i32
      %eq3A_127 = arith.cmpi eq, %select_n3A_125, %eq3A_126 : i32
      %select_n3A_128 = arith.constant 0 : i32
      %select_n3A_129 = arith.select %eq3A_127, %select_n3A_128, %select_n3A_125 : i32
      %add3A_130 = arith.addi %select_n3A_129, %mul3A_8 : i32
      tpu.yield
    }) : () -> ()
    %barrier3A_9 = arith.constant 0 : index
    tpu.barrier barrier_id(%barrier3A_9)
    "tpu.region"() ({
      %run_scoped3A = tpu.sem_alloc : memref<!tpu.dma_semaphore, #tpu.memory_space<semaphore_mem>>
      %dma_start3A = arith.constant 0 : i32
      %dma_start3A_10 = tpu.memref_slice %arg6[%arg0, %multiple_of3A, %dma_start3A] : memref<2x102400x8xf32, #tpu.memory_space<hbm>> -> memref<1x6400x8xf32, #tpu.memory_space<hbm>>
      %dma_start3A_11 = tpu.memref_squeeze %dma_start3A_10 : memref<1x6400x8xf32, #tpu.memory_space<hbm>> -> memref<6400x8xf32, #tpu.memory_space<hbm>>
      %dma_start3A_12 = arith.constant 0 : i32
      %dma_start3A_13 = tpu.memref_slice %arg7[%multiple_of3A, %dma_start3A_12] : memref<102400x8xf32, #tpu.memory_space<vmem_shared>> -> memref<6400x8xf32, #tpu.memory_space<vmem_shared>>
      tpu.enqueue_dma source(%dma_start3A_13 : memref<6400x8xf32, #tpu.memory_space<vmem_shared>>) target(%dma_start3A_11 : memref<6400x8xf32, #tpu.memory_space<hbm>>) target_semaphore(%run_scoped3A : memref<!tpu.dma_semaphore, #tpu.memory_space<semaphore_mem>>)
      %dma_wait3A = arith.constant 0 : i32
      %dma_wait3A_14 = tpu.memref_slice %arg6[%arg0, %multiple_of3A, %dma_wait3A] : memref<2x102400x8xf32, #tpu.memory_space<hbm>> -> memref<1x6400x8xf32, #tpu.memory_space<hbm>>
      %dma_wait3A_15 = tpu.memref_squeeze %dma_wait3A_14 : memref<1x6400x8xf32, #tpu.memory_space<hbm>> -> memref<6400x8xf32, #tpu.memory_space<hbm>>
      %dma_wait3A_16 = arith.constant 0 : i32
      %dma_wait3A_17 = tpu.memref_slice %arg7[%multiple_of3A, %dma_wait3A_16] : memref<102400x8xf32, #tpu.memory_space<vmem_shared>> -> memref<6400x8xf32, #tpu.memory_space<vmem_shared>>
      tpu.wait_dma2 semaphore(%run_scoped3A : memref<!tpu.dma_semaphore, #tpu.memory_space<semaphore_mem>>) src(%dma_wait3A_17 : memref<6400x8xf32, #tpu.memory_space<vmem_shared>>) dst(%dma_wait3A_15 : memref<6400x8xf32, #tpu.memory_space<hbm>>)
      tpu.yield
    }) : () -> ()
    return
  }
}

#map = affine_map<(d0, d1) -> (0, 0)>
#map1 = affine_map<(d0, d1) -> (0, 0, 0)>
module attributes {stable_mosaic.version = 14 : i64} {
  func.func @_agg2_body(%arg0: i32, %arg1: i32, %arg2: memref<1x1601536xi32, #tpu.memory_space<hbm>>, %arg3: memref<1x1601536xi32, #tpu.memory_space<hbm>>, %arg4: memref<204800x16xf32, #tpu.memory_space<hbm>>, %arg5: memref<6400x16xf32, #tpu.memory_space<hbm>>, %arg6: memref<2x102400x16xf32, #tpu.memory_space<hbm>>, %arg7: memref<102400x16xf32, #tpu.memory_space<vmem_shared>>, %arg8: memref<128x16xf32, #tpu.memory_space<vmem>>, %arg9: memref<128xi32, #tpu.memory_space<vmem>>) attributes {dimension_semantics = [#tpu.dimension_semantics<core_parallel>, #tpu.dimension_semantics<subcore_parallel>], iteration_bounds = array<i64: 2, 16>, scalar_prefetch = 0 : i64, scratch_operands = 3 : i64, tpu.core_type = #tpu.core_type<sc_vector_subcore>, window_params = [{transform_indices = #map}, {transform_indices = #map}, {transform_indices = #map}, {transform_indices = #map}, {transform_indices = #map1}]} {
    %mul3A = arith.constant 6400 : i32
    %mul3A_0 = arith.muli %arg1, %mul3A : i32
    %multiple_of3A = tpu.assume_multiple %mul3A_0, 128 : i32
    "tpu.region"() ({
      %run_scoped3A = tpu.sem_alloc : memref<!tpu.dma_semaphore, #tpu.memory_space<semaphore_mem>>
      %dma_start3A = arith.constant 0 : i32
      %dma_start3A_6 = tpu.memref_slice %arg7[%multiple_of3A, %dma_start3A] : memref<102400x16xf32, #tpu.memory_space<vmem_shared>> -> memref<6400x16xf32, #tpu.memory_space<vmem_shared>>
      tpu.enqueue_dma source(%arg5 : memref<6400x16xf32, #tpu.memory_space<hbm>>) target(%dma_start3A_6 : memref<6400x16xf32, #tpu.memory_space<vmem_shared>>) target_semaphore(%run_scoped3A : memref<!tpu.dma_semaphore, #tpu.memory_space<semaphore_mem>>)
      %dma_wait3A = arith.constant 0 : i32
      %dma_wait3A_7 = tpu.memref_slice %arg7[%multiple_of3A, %dma_wait3A] : memref<102400x16xf32, #tpu.memory_space<vmem_shared>> -> memref<6400x16xf32, #tpu.memory_space<vmem_shared>>
      tpu.wait_dma2 semaphore(%run_scoped3A : memref<!tpu.dma_semaphore, #tpu.memory_space<semaphore_mem>>) src(%arg5 : memref<6400x16xf32, #tpu.memory_space<hbm>>) dst(%dma_wait3A_7 : memref<6400x16xf32, #tpu.memory_space<vmem_shared>>)
      tpu.yield
    }) : () -> ()
    %barrier3A = arith.constant 0 : index
    tpu.barrier barrier_id(%barrier3A)
    %mul3A_1 = arith.constant 102400 : i32
    %mul3A_2 = arith.muli %arg0, %mul3A_1 : i32
    %mul3A_3 = arith.constant 782 : i32
    %mul3A_4 = arith.muli %arg1, %mul3A_3 : i32
    "tpu.region"() ({
      %run_scoped3A = memref.alloca() : memref<2x1x128xi32, #tpu.memory_space<vmem>>
      %run_scoped3A_6 = tpu.sem_alloc : memref<2x!tpu.dma_semaphore, #tpu.memory_space<semaphore_mem>>
      %run_scoped3A_7 = memref.alloca() : memref<2x1x128xi32, #tpu.memory_space<vmem>>
      %run_scoped3A_8 = tpu.sem_alloc : memref<2x!tpu.dma_semaphore, #tpu.memory_space<semaphore_mem>>
      %add3A = arith.constant 0 : i32
      %add3A_9 = arith.addi %add3A, %mul3A_4 : i32
      %select_n3A = arith.constant true
      %select_n3A_10 = arith.constant 0 : i32
      %select_n3A_11 = arith.constant -1 : i32
      %select_n3A_12 = arith.select %select_n3A, %select_n3A_11, %select_n3A_10 : i32
      %eq3A = arith.constant -1 : i32
      %eq3A_13 = arith.cmpi eq, %select_n3A_12, %eq3A : i32
      %select_n3A_14 = arith.constant 781 : i32
      %select_n3A_15 = arith.select %eq3A_13, %select_n3A_14, %select_n3A_12 : i32
      %add3A_16 = arith.addi %select_n3A_15, %mul3A_4 : i32
      %select_n3A_17 = arith.constant true
      %select_n3A_18 = arith.constant 0 : i32
      %select_n3A_19 = arith.constant 1 : i32
      %select_n3A_20 = arith.select %select_n3A_17, %select_n3A_19, %select_n3A_18 : i32
      %eq3A_21 = arith.constant 782 : i32
      %eq3A_22 = arith.cmpi eq, %select_n3A_20, %eq3A_21 : i32
      %select_n3A_23 = arith.constant 0 : i32
      %select_n3A_24 = arith.select %eq3A_22, %select_n3A_23, %select_n3A_20 : i32
      %add3A_25 = arith.addi %select_n3A_24, %mul3A_4 : i32
      %add3A_26 = arith.constant 1 : i32
      %add3A_27 = arith.addi %select_n3A_24, %add3A_26 : i32
      %select_n3A_28 = arith.constant true
      %select_n3A_29 = arith.select %select_n3A_28, %add3A_27, %select_n3A_24 : i32
      %eq3A_30 = arith.constant 782 : i32
      %eq3A_31 = arith.cmpi eq, %select_n3A_29, %eq3A_30 : i32
      %select_n3A_32 = arith.constant 0 : i32
      %select_n3A_33 = arith.select %eq3A_31, %select_n3A_32, %select_n3A_29 : i32
      %add3A_34 = arith.addi %select_n3A_33, %mul3A_4 : i32
      "tpu.trace_start"() <{level = 10 : i32, message = "ep_initialize_0"}> : () -> ()
      %rem3A = arith.constant 0 : i32
      %rem3A_35 = arith.constant 2 : i32
      %rem3A_36 = arith.remui %rem3A, %rem3A_35 : i32
      %mul3A_37 = arith.constant 128 : i32
      %mul3A_38 = arith.muli %mul3A_37, %add3A_9 : i32
      %dma_start3A = arith.constant 0 : i32
      %dma_start3A_39 = arith.constant 0 : i32
      %dma_start3A_40 = tpu.memref_slice %run_scoped3A[%rem3A_36, %dma_start3A, %dma_start3A_39] : memref<2x1x128xi32, #tpu.memory_space<vmem>> -> memref<1x1x128xi32, #tpu.memory_space<vmem>>
      %dma_start3A_41 = tpu.memref_squeeze %dma_start3A_40 : memref<1x1x128xi32, #tpu.memory_space<vmem>> -> memref<1x128xi32, #tpu.memory_space<vmem>>
      %dma_start3A_42 = arith.constant 0 : i32
      %dma_start3A_43 = tpu.memref_slice %arg2[%dma_start3A_42, %mul3A_38] : memref<1x1601536xi32, #tpu.memory_space<hbm>> -> memref<1x128xi32, #tpu.memory_space<hbm>>
      %dma_start3A_44 = tpu.memref_slice %run_scoped3A_6[%rem3A_36] : memref<2x!tpu.dma_semaphore, #tpu.memory_space<semaphore_mem>> -> memref<1x!tpu.dma_semaphore, #tpu.memory_space<semaphore_mem>>
      %dma_start3A_45 = tpu.memref_squeeze %dma_start3A_44 : memref<1x!tpu.dma_semaphore, #tpu.memory_space<semaphore_mem>> -> memref<!tpu.dma_semaphore, #tpu.memory_space<semaphore_mem>>
      %dma_start3A_46 = arith.constant 0 : i32
      %dma_start3A_47 = arith.constant 0 : i32
      %dma_start3A_48 = tpu.memref_slice %run_scoped3A[%rem3A_36, %dma_start3A_46, %dma_start3A_47] : memref<2x1x128xi32, #tpu.memory_space<vmem>> -> memref<1x1x128xi32, #tpu.memory_space<vmem>>
      %dma_start3A_49 = tpu.memref_squeeze %dma_start3A_48 : memref<1x1x128xi32, #tpu.memory_space<vmem>> -> memref<1x128xi32, #tpu.memory_space<vmem>>
      %dma_start3A_50 = arith.constant 0 : i32
      %dma_start3A_51 = tpu.memref_slice %arg2[%dma_start3A_50, %mul3A_38] : memref<1x1601536xi32, #tpu.memory_space<hbm>> -> memref<1x128xi32, #tpu.memory_space<hbm>>
      tpu.enqueue_dma source(%dma_start3A_51 : memref<1x128xi32, #tpu.memory_space<hbm>>) target(%dma_start3A_49 : memref<1x128xi32, #tpu.memory_space<vmem>>) target_semaphore(%dma_start3A_45 : memref<!tpu.dma_semaphore, #tpu.memory_space<semaphore_mem>>)
      %add3A_52 = arith.constant 0 : i32
      %add3A_53 = arith.constant 1 : i32
      %add3A_54 = arith.addi %add3A_52, %add3A_53 : i32
      %select_n3A_55 = arith.constant true
      %select_n3A_56 = arith.constant 0 : i32
      %select_n3A_57 = arith.select %select_n3A_55, %add3A_54, %select_n3A_56 : i32
      %rem3A_58 = arith.constant 0 : i32
      %rem3A_59 = arith.constant 2 : i32
      %rem3A_60 = arith.remui %rem3A_58, %rem3A_59 : i32
      %mul3A_61 = arith.constant 128 : i32
      %mul3A_62 = arith.muli %mul3A_61, %add3A_9 : i32
      %dma_start3A_63 = arith.constant 0 : i32
      %dma_start3A_64 = arith.constant 0 : i32
      %dma_start3A_65 = tpu.memref_slice %run_scoped3A_7[%rem3A_60, %dma_start3A_63, %dma_start3A_64] : memref<2x1x128xi32, #tpu.memory_space<vmem>> -> memref<1x1x128xi32, #tpu.memory_space<vmem>>
      %dma_start3A_66 = tpu.memref_squeeze %dma_start3A_65 : memref<1x1x128xi32, #tpu.memory_space<vmem>> -> memref<1x128xi32, #tpu.memory_space<vmem>>
      %dma_start3A_67 = arith.constant 0 : i32
      %dma_start3A_68 = tpu.memref_slice %arg3[%dma_start3A_67, %mul3A_62] : memref<1x1601536xi32, #tpu.memory_space<hbm>> -> memref<1x128xi32, #tpu.memory_space<hbm>>
      %dma_start3A_69 = tpu.memref_slice %run_scoped3A_8[%rem3A_60] : memref<2x!tpu.dma_semaphore, #tpu.memory_space<semaphore_mem>> -> memref<1x!tpu.dma_semaphore, #tpu.memory_space<semaphore_mem>>
      %dma_start3A_70 = tpu.memref_squeeze %dma_start3A_69 : memref<1x!tpu.dma_semaphore, #tpu.memory_space<semaphore_mem>> -> memref<!tpu.dma_semaphore, #tpu.memory_space<semaphore_mem>>
      %dma_start3A_71 = arith.constant 0 : i32
      %dma_start3A_72 = arith.constant 0 : i32
      %dma_start3A_73 = tpu.memref_slice %run_scoped3A_7[%rem3A_60, %dma_start3A_71, %dma_start3A_72] : memref<2x1x128xi32, #tpu.memory_space<vmem>> -> memref<1x1x128xi32, #tpu.memory_space<vmem>>
      %dma_start3A_74 = tpu.memref_squeeze %dma_start3A_73 : memref<1x1x128xi32, #tpu.memory_space<vmem>> -> memref<1x128xi32, #tpu.memory_space<vmem>>
      %dma_start3A_75 = arith.constant 0 : i32
      %dma_start3A_76 = tpu.memref_slice %arg3[%dma_start3A_75, %mul3A_62] : memref<1x1601536xi32, #tpu.memory_space<hbm>> -> memref<1x128xi32, #tpu.memory_space<hbm>>
      tpu.enqueue_dma source(%dma_start3A_76 : memref<1x128xi32, #tpu.memory_space<hbm>>) target(%dma_start3A_74 : memref<1x128xi32, #tpu.memory_space<vmem>>) target_semaphore(%dma_start3A_70 : memref<!tpu.dma_semaphore, #tpu.memory_space<semaphore_mem>>)
      %add3A_77 = arith.constant 0 : i32
      %add3A_78 = arith.constant 1 : i32
      %add3A_79 = arith.addi %add3A_77, %add3A_78 : i32
      %select_n3A_80 = arith.constant true
      %select_n3A_81 = arith.constant 0 : i32
      %select_n3A_82 = arith.select %select_n3A_80, %add3A_79, %select_n3A_81 : i32
      "tpu.trace_stop"() : () -> ()
      %scan3A = arith.constant 0 : i32
      %scan3A_83 = arith.constant 0 : i32
      %scan3A_84 = arith.constant 0 : i32
      %scan3A_85 = arith.constant 0 : i32
      %scan3A_86 = arith.constant 782 : i32
      %scan3A_87 = arith.addi %scan3A_85, %scan3A_86 : i32
      %scan3A_88 = arith.constant 1 : i32
      %scan3A_89:5 = scf.for %scan3A_126 = %scan3A_85 to %scan3A_87 step %scan3A_88 iter_args(%scan3A_127 = %select_n3A_57, %scan3A_128 = %scan3A, %scan3A_129 = %select_n3A_82, %scan3A_130 = %scan3A_83, %scan3A_131 = %scan3A_84) -> (i32, i32, i32, i32, i32)  : i32 {
        %eq3A_132 = arith.constant 0 : i32
        %eq3A_133 = arith.cmpi eq, %scan3A_126, %eq3A_132 : i32
        %eq3A_134 = arith.constant 781 : i32
        %eq3A_135 = arith.cmpi eq, %scan3A_126, %eq3A_134 : i32
        %add3A_136 = arith.addi %scan3A_131, %mul3A_4 : i32
        %sub3A_137 = arith.constant 1 : i32
        %sub3A_138 = arith.subi %scan3A_131, %sub3A_137 : i32
        %select_n3A_139 = arith.constant true
        %select_n3A_140 = arith.select %select_n3A_139, %sub3A_138, %scan3A_131 : i32
        %eq3A_141 = arith.constant -1 : i32
        %eq3A_142 = arith.cmpi eq, %select_n3A_140, %eq3A_141 : i32
        %select_n3A_143 = arith.constant 781 : i32
        %select_n3A_144 = arith.select %eq3A_142, %select_n3A_143, %select_n3A_140 : i32
        %add3A_145 = arith.addi %select_n3A_144, %mul3A_4 : i32
        %add3A_146 = arith.constant 1 : i32
        %add3A_147 = arith.addi %scan3A_131, %add3A_146 : i32
        %select_n3A_148 = arith.constant true
        %select_n3A_149 = arith.select %select_n3A_148, %add3A_147, %scan3A_131 : i32
        %eq3A_150 = arith.constant 782 : i32
        %eq3A_151 = arith.cmpi eq, %select_n3A_149, %eq3A_150 : i32
        %select_n3A_152 = arith.constant 0 : i32
        %select_n3A_153 = arith.select %eq3A_151, %select_n3A_152, %select_n3A_149 : i32
        %add3A_154 = arith.addi %select_n3A_153, %mul3A_4 : i32
        %add3A_155 = arith.constant 1 : i32
        %add3A_156 = arith.addi %select_n3A_153, %add3A_155 : i32
        %select_n3A_157 = arith.constant true
        %select_n3A_158 = arith.select %select_n3A_157, %add3A_156, %select_n3A_153 : i32
        %eq3A_159 = arith.constant 782 : i32
        %eq3A_160 = arith.cmpi eq, %select_n3A_158, %eq3A_159 : i32
        %select_n3A_161 = arith.constant 0 : i32
        %select_n3A_162 = arith.select %eq3A_160, %select_n3A_161, %select_n3A_158 : i32
        %add3A_163 = arith.addi %select_n3A_162, %mul3A_4 : i32
        %ne3A = arith.cmpi ne, %add3A_136, %add3A_154 : i32
        %or3A = arith.constant false
        %or3A_164 = arith.ori %or3A, %ne3A : i1
        %ge3A = arith.constant 781 : i32
        %ge3A_165 = arith.cmpi sge, %scan3A_126, %ge3A : i32
        %not3A = arith.constant true
        %not3A_166 = arith.xori %ge3A_165, %not3A : i1
        %and3A = arith.andi %or3A_164, %not3A_166 : i1
        %convert_element_type3A = arith.extui %and3A : i1 to i32
        %cond3A = arith.constant 0 : i32
        %cond3A_167 = arith.cmpi ne, %convert_element_type3A, %cond3A : i32
        scf.if %cond3A_167 {
          "tpu.trace_start"() <{level = 10 : i32, message = "ep_copy_in"}> : () -> ()
          %rem3A_388 = arith.constant 2 : i32
          %rem3A_389 = arith.remui %scan3A_127, %rem3A_388 : i32
          %mul3A_390 = arith.constant 128 : i32
          %mul3A_391 = arith.muli %mul3A_390, %add3A_154 : i32
          %dma_start3A_392 = arith.constant 0 : i32
          %dma_start3A_393 = arith.constant 0 : i32
          %dma_start3A_394 = tpu.memref_slice %run_scoped3A[%rem3A_389, %dma_start3A_392, %dma_start3A_393] : memref<2x1x128xi32, #tpu.memory_space<vmem>> -> memref<1x1x128xi32, #tpu.memory_space<vmem>>
          %dma_start3A_395 = tpu.memref_squeeze %dma_start3A_394 : memref<1x1x128xi32, #tpu.memory_space<vmem>> -> memref<1x128xi32, #tpu.memory_space<vmem>>
          %dma_start3A_396 = arith.constant 0 : i32
          %dma_start3A_397 = tpu.memref_slice %arg2[%dma_start3A_396, %mul3A_391] : memref<1x1601536xi32, #tpu.memory_space<hbm>> -> memref<1x128xi32, #tpu.memory_space<hbm>>
          %dma_start3A_398 = tpu.memref_slice %run_scoped3A_6[%rem3A_389] : memref<2x!tpu.dma_semaphore, #tpu.memory_space<semaphore_mem>> -> memref<1x!tpu.dma_semaphore, #tpu.memory_space<semaphore_mem>>
          %dma_start3A_399 = tpu.memref_squeeze %dma_start3A_398 : memref<1x!tpu.dma_semaphore, #tpu.memory_space<semaphore_mem>> -> memref<!tpu.dma_semaphore, #tpu.memory_space<semaphore_mem>>
          %dma_start3A_400 = arith.constant 0 : i32
          %dma_start3A_401 = arith.constant 0 : i32
          %dma_start3A_402 = tpu.memref_slice %run_scoped3A[%rem3A_389, %dma_start3A_400, %dma_start3A_401] : memref<2x1x128xi32, #tpu.memory_space<vmem>> -> memref<1x1x128xi32, #tpu.memory_space<vmem>>
          %dma_start3A_403 = tpu.memref_squeeze %dma_start3A_402 : memref<1x1x128xi32, #tpu.memory_space<vmem>> -> memref<1x128xi32, #tpu.memory_space<vmem>>
          %dma_start3A_404 = arith.constant 0 : i32
          %dma_start3A_405 = tpu.memref_slice %arg2[%dma_start3A_404, %mul3A_391] : memref<1x1601536xi32, #tpu.memory_space<hbm>> -> memref<1x128xi32, #tpu.memory_space<hbm>>
          tpu.enqueue_dma source(%dma_start3A_405 : memref<1x128xi32, #tpu.memory_space<hbm>>) target(%dma_start3A_403 : memref<1x128xi32, #tpu.memory_space<vmem>>) target_semaphore(%dma_start3A_399 : memref<!tpu.dma_semaphore, #tpu.memory_space<semaphore_mem>>)
          "tpu.trace_stop"() : () -> ()
        } else {
        }
        %and3A_168 = arith.constant true
        %and3A_169 = arith.andi %and3A, %and3A_168 : i1
        %add3A_170 = arith.constant 1 : i32
        %add3A_171 = arith.addi %scan3A_127, %add3A_170 : i32
        %select_n3A_172 = arith.select %and3A_169, %add3A_171, %scan3A_127 : i32
        %ne3A_173 = arith.cmpi ne, %add3A_136, %add3A_154 : i32
        %or3A_174 = arith.constant false
        %or3A_175 = arith.ori %or3A_174, %ne3A_173 : i1
        %ge3A_176 = arith.constant 781 : i32
        %ge3A_177 = arith.cmpi sge, %scan3A_126, %ge3A_176 : i32
        %not3A_178 = arith.constant true
        %not3A_179 = arith.xori %ge3A_177, %not3A_178 : i1
        %and3A_180 = arith.andi %or3A_175, %not3A_179 : i1
        %convert_element_type3A_181 = arith.extui %and3A_180 : i1 to i32
        %cond3A_182 = arith.constant 0 : i32
        %cond3A_183 = arith.cmpi ne, %convert_element_type3A_181, %cond3A_182 : i32
        scf.if %cond3A_183 {
          "tpu.trace_start"() <{level = 10 : i32, message = "ep_copy_in"}> : () -> ()
          %rem3A_388 = arith.constant 2 : i32
          %rem3A_389 = arith.remui %scan3A_129, %rem3A_388 : i32
          %mul3A_390 = arith.constant 128 : i32
          %mul3A_391 = arith.muli %mul3A_390, %add3A_154 : i32
          %dma_start3A_392 = arith.constant 0 : i32
          %dma_start3A_393 = arith.constant 0 : i32
          %dma_start3A_394 = tpu.memref_slice %run_scoped3A_7[%rem3A_389, %dma_start3A_392, %dma_start3A_393] : memref<2x1x128xi32, #tpu.memory_space<vmem>> -> memref<1x1x128xi32, #tpu.memory_space<vmem>>
          %dma_start3A_395 = tpu.memref_squeeze %dma_start3A_394 : memref<1x1x128xi32, #tpu.memory_space<vmem>> -> memref<1x128xi32, #tpu.memory_space<vmem>>
          %dma_start3A_396 = arith.constant 0 : i32
          %dma_start3A_397 = tpu.memref_slice %arg3[%dma_start3A_396, %mul3A_391] : memref<1x1601536xi32, #tpu.memory_space<hbm>> -> memref<1x128xi32, #tpu.memory_space<hbm>>
          %dma_start3A_398 = tpu.memref_slice %run_scoped3A_8[%rem3A_389] : memref<2x!tpu.dma_semaphore, #tpu.memory_space<semaphore_mem>> -> memref<1x!tpu.dma_semaphore, #tpu.memory_space<semaphore_mem>>
          %dma_start3A_399 = tpu.memref_squeeze %dma_start3A_398 : memref<1x!tpu.dma_semaphore, #tpu.memory_space<semaphore_mem>> -> memref<!tpu.dma_semaphore, #tpu.memory_space<semaphore_mem>>
          %dma_start3A_400 = arith.constant 0 : i32
          %dma_start3A_401 = arith.constant 0 : i32
          %dma_start3A_402 = tpu.memref_slice %run_scoped3A_7[%rem3A_389, %dma_start3A_400, %dma_start3A_401] : memref<2x1x128xi32, #tpu.memory_space<vmem>> -> memref<1x1x128xi32, #tpu.memory_space<vmem>>
          %dma_start3A_403 = tpu.memref_squeeze %dma_start3A_402 : memref<1x1x128xi32, #tpu.memory_space<vmem>> -> memref<1x128xi32, #tpu.memory_space<vmem>>
          %dma_start3A_404 = arith.constant 0 : i32
          %dma_start3A_405 = tpu.memref_slice %arg3[%dma_start3A_404, %mul3A_391] : memref<1x1601536xi32, #tpu.memory_space<hbm>> -> memref<1x128xi32, #tpu.memory_space<hbm>>
          tpu.enqueue_dma source(%dma_start3A_405 : memref<1x128xi32, #tpu.memory_space<hbm>>) target(%dma_start3A_403 : memref<1x128xi32, #tpu.memory_space<vmem>>) target_semaphore(%dma_start3A_399 : memref<!tpu.dma_semaphore, #tpu.memory_space<semaphore_mem>>)
          "tpu.trace_stop"() : () -> ()
        } else {
        }
        %and3A_184 = arith.constant true
        %and3A_185 = arith.andi %and3A_180, %and3A_184 : i1
        %add3A_186 = arith.constant 1 : i32
        %add3A_187 = arith.addi %scan3A_129, %add3A_186 : i32
        %select_n3A_188 = arith.select %and3A_185, %add3A_187, %scan3A_129 : i32
        %ne3A_189 = arith.cmpi ne, %add3A_136, %add3A_145 : i32
        %or3A_190 = arith.constant false
        %or3A_191 = arith.ori %or3A_190, %ne3A_189 : i1
        %or3A_192 = arith.ori %or3A_191, %eq3A_133 : i1
        %convert_element_type3A_193 = arith.extui %or3A_192 : i1 to i32
        %cond3A_194 = arith.constant 0 : i32
        %cond3A_195 = arith.cmpi ne, %convert_element_type3A_193, %cond3A_194 : i32
        scf.if %cond3A_195 {
          "tpu.trace_start"() <{level = 10 : i32, message = "ep_wait_in"}> : () -> ()
          %mul3A_388 = arith.constant 128 : i32
          %mul3A_389 = arith.muli %mul3A_388, %add3A_136 : i32
          %rem3A_390 = arith.constant 2 : i32
          %rem3A_391 = arith.remui %scan3A_128, %rem3A_390 : i32
          %dma_wait3A = arith.constant 0 : i32
          %dma_wait3A_392 = arith.constant 0 : i32
          %dma_wait3A_393 = tpu.memref_slice %run_scoped3A[%rem3A_391, %dma_wait3A, %dma_wait3A_392] : memref<2x1x128xi32, #tpu.memory_space<vmem>> -> memref<1x1x128xi32, #tpu.memory_space<vmem>>
          %dma_wait3A_394 = tpu.memref_squeeze %dma_wait3A_393 : memref<1x1x128xi32, #tpu.memory_space<vmem>> -> memref<1x128xi32, #tpu.memory_space<vmem>>
          %dma_wait3A_395 = arith.constant 0 : i32
          %dma_wait3A_396 = tpu.memref_slice %arg2[%dma_wait3A_395, %mul3A_389] : memref<1x1601536xi32, #tpu.memory_space<hbm>> -> memref<1x128xi32, #tpu.memory_space<hbm>>
          %dma_wait3A_397 = tpu.memref_slice %run_scoped3A_6[%rem3A_391] : memref<2x!tpu.dma_semaphore, #tpu.memory_space<semaphore_mem>> -> memref<1x!tpu.dma_semaphore, #tpu.memory_space<semaphore_mem>>
          %dma_wait3A_398 = tpu.memref_squeeze %dma_wait3A_397 : memref<1x!tpu.dma_semaphore, #tpu.memory_space<semaphore_mem>> -> memref<!tpu.dma_semaphore, #tpu.memory_space<semaphore_mem>>
          %dma_wait3A_399 = arith.constant 0 : i32
          %dma_wait3A_400 = arith.constant 0 : i32
          %dma_wait3A_401 = tpu.memref_slice %run_scoped3A[%rem3A_391, %dma_wait3A_399, %dma_wait3A_400] : memref<2x1x128xi32, #tpu.memory_space<vmem>> -> memref<1x1x128xi32, #tpu.memory_space<vmem>>
          %dma_wait3A_402 = tpu.memref_squeeze %dma_wait3A_401 : memref<1x1x128xi32, #tpu.memory_space<vmem>> -> memref<1x128xi32, #tpu.memory_space<vmem>>
          %dma_wait3A_403 = arith.constant 0 : i32
          %dma_wait3A_404 = tpu.memref_slice %arg2[%dma_wait3A_403, %mul3A_389] : memref<1x1601536xi32, #tpu.memory_space<hbm>> -> memref<1x128xi32, #tpu.memory_space<hbm>>
          tpu.wait_dma2 semaphore(%dma_wait3A_398 : memref<!tpu.dma_semaphore, #tpu.memory_space<semaphore_mem>>) src(%dma_wait3A_404 : memref<1x128xi32, #tpu.memory_space<hbm>>) dst(%dma_wait3A_402 : memref<1x128xi32, #tpu.memory_space<vmem>>)
          "tpu.trace_stop"() : () -> ()
        } else {
        }
        %ne3A_196 = arith.cmpi ne, %add3A_136, %add3A_145 : i32
        %or3A_197 = arith.constant false
        %or3A_198 = arith.ori %or3A_197, %ne3A_196 : i1
        %or3A_199 = arith.ori %or3A_198, %eq3A_133 : i1
        %convert_element_type3A_200 = arith.extui %or3A_199 : i1 to i32
        %cond3A_201 = arith.constant 0 : i32
        %cond3A_202 = arith.cmpi ne, %convert_element_type3A_200, %cond3A_201 : i32
        scf.if %cond3A_202 {
          "tpu.trace_start"() <{level = 10 : i32, message = "ep_wait_in"}> : () -> ()
          %mul3A_388 = arith.constant 128 : i32
          %mul3A_389 = arith.muli %mul3A_388, %add3A_136 : i32
          %rem3A_390 = arith.constant 2 : i32
          %rem3A_391 = arith.remui %scan3A_130, %rem3A_390 : i32
          %dma_wait3A = arith.constant 0 : i32
          %dma_wait3A_392 = arith.constant 0 : i32
          %dma_wait3A_393 = tpu.memref_slice %run_scoped3A_7[%rem3A_391, %dma_wait3A, %dma_wait3A_392] : memref<2x1x128xi32, #tpu.memory_space<vmem>> -> memref<1x1x128xi32, #tpu.memory_space<vmem>>
          %dma_wait3A_394 = tpu.memref_squeeze %dma_wait3A_393 : memref<1x1x128xi32, #tpu.memory_space<vmem>> -> memref<1x128xi32, #tpu.memory_space<vmem>>
          %dma_wait3A_395 = arith.constant 0 : i32
          %dma_wait3A_396 = tpu.memref_slice %arg3[%dma_wait3A_395, %mul3A_389] : memref<1x1601536xi32, #tpu.memory_space<hbm>> -> memref<1x128xi32, #tpu.memory_space<hbm>>
          %dma_wait3A_397 = tpu.memref_slice %run_scoped3A_8[%rem3A_391] : memref<2x!tpu.dma_semaphore, #tpu.memory_space<semaphore_mem>> -> memref<1x!tpu.dma_semaphore, #tpu.memory_space<semaphore_mem>>
          %dma_wait3A_398 = tpu.memref_squeeze %dma_wait3A_397 : memref<1x!tpu.dma_semaphore, #tpu.memory_space<semaphore_mem>> -> memref<!tpu.dma_semaphore, #tpu.memory_space<semaphore_mem>>
          %dma_wait3A_399 = arith.constant 0 : i32
          %dma_wait3A_400 = arith.constant 0 : i32
          %dma_wait3A_401 = tpu.memref_slice %run_scoped3A_7[%rem3A_391, %dma_wait3A_399, %dma_wait3A_400] : memref<2x1x128xi32, #tpu.memory_space<vmem>> -> memref<1x1x128xi32, #tpu.memory_space<vmem>>
          %dma_wait3A_402 = tpu.memref_squeeze %dma_wait3A_401 : memref<1x1x128xi32, #tpu.memory_space<vmem>> -> memref<1x128xi32, #tpu.memory_space<vmem>>
          %dma_wait3A_403 = arith.constant 0 : i32
          %dma_wait3A_404 = tpu.memref_slice %arg3[%dma_wait3A_403, %mul3A_389] : memref<1x1601536xi32, #tpu.memory_space<hbm>> -> memref<1x128xi32, #tpu.memory_space<hbm>>
          tpu.wait_dma2 semaphore(%dma_wait3A_398 : memref<!tpu.dma_semaphore, #tpu.memory_space<semaphore_mem>>) src(%dma_wait3A_404 : memref<1x128xi32, #tpu.memory_space<hbm>>) dst(%dma_wait3A_402 : memref<1x128xi32, #tpu.memory_space<vmem>>)
          "tpu.trace_stop"() : () -> ()
        } else {
        }
        %rem3A_203 = arith.constant 2 : i32
        %rem3A_204 = arith.remui %scan3A_128, %rem3A_203 : i32
        %rem3A_205 = arith.constant 2 : i32
        %rem3A_206 = arith.remui %scan3A_130, %rem3A_205 : i32
        %get3A = arith.constant 0 : i32
        "tpu.trace_start"() <{level = 10 : i32, message = "ep_run_kernel"}> : () -> ()
        %get3A_207 = arith.constant 0 : i32
        %get3A_208 = arith.constant 0 : i32
        %get3A_209 = tpu.memref_slice %run_scoped3A[%rem3A_204, %get3A_207, %get3A_208] : memref<2x1x128xi32, #tpu.memory_space<vmem>> -> memref<1x1x128xi32, #tpu.memory_space<vmem>>
        %get3A_210 = tpu.memref_squeeze %get3A_209 : memref<1x1x128xi32, #tpu.memory_space<vmem>> -> memref<1x128xi32, #tpu.memory_space<vmem>>
        %get3A_211 = arith.index_cast %get3A : i32 to index
        %get3A_212 = arith.constant 0 : index
        %get3A_213 = tpu.vector_load %get3A_210[%get3A_211, %get3A_212] {strides = array<i32>} : memref<1x128xi32, #tpu.memory_space<vmem>>, vector<1x16xi32>,
        %get3A_214 = vector.shape_cast %get3A_213 : vector<1x16xi32> to vector<16xi32>
        %add3A_215 = vector.broadcast %mul3A_2 : i32 to vector<16xi32>
        %add3A_216 = arith.addi %get3A_214, %add3A_215 : vector<16xi32>
        %swap3A = arith.constant 0 : index
        %swap3A_217 = tpu.vector_load %arg9[%swap3A] {strides = array<i32>} : memref<128xi32, #tpu.memory_space<vmem>>, vector<16xi32>,
        %swap3A_218 = vector.shape_cast %swap3A_217 : vector<16xi32> to vector<16xi32>
        %swap3A_219 = vector.shape_cast %add3A_216 : vector<16xi32> to vector<16xi32>
        tpu.vector_store %arg9[%swap3A], %swap3A_219 {strides = array<i32>} : memref<128xi32, #tpu.memory_space<vmem>>, vector<16xi32>,
        %get3A_220 = arith.constant 0 : i32
        %get3A_221 = arith.constant 0 : i32
        %get3A_222 = arith.constant 0 : i32
        %get3A_223 = tpu.memref_slice %run_scoped3A[%rem3A_204, %get3A_221, %get3A_222] : memref<2x1x128xi32, #tpu.memory_space<vmem>> -> memref<1x1x128xi32, #tpu.memory_space<vmem>>
        %get3A_224 = tpu.memref_squeeze %get3A_223 : memref<1x1x128xi32, #tpu.memory_space<vmem>> -> memref<1x128xi32, #tpu.memory_space<vmem>>
        %get3A_225 = arith.index_cast %get3A_220 : i32 to index
        %get3A_226 = arith.constant 16 : index
        %get3A_227 = tpu.vector_load %get3A_224[%get3A_225, %get3A_226] {strides = array<i32>} : memref<1x128xi32, #tpu.memory_space<vmem>>, vector<1x16xi32>,
        %get3A_228 = vector.shape_cast %get3A_227 : vector<1x16xi32> to vector<16xi32>
        %add3A_229 = vector.broadcast %mul3A_2 : i32 to vector<16xi32>
        %add3A_230 = arith.addi %get3A_228, %add3A_229 : vector<16xi32>
        %swap3A_231 = arith.constant 16 : index
        %swap3A_232 = tpu.vector_load %arg9[%swap3A_231] {strides = array<i32>} : memref<128xi32, #tpu.memory_space<vmem>>, vector<16xi32>,
        %swap3A_233 = vector.shape_cast %swap3A_232 : vector<16xi32> to vector<16xi32>
        %swap3A_234 = vector.shape_cast %add3A_230 : vector<16xi32> to vector<16xi32>
        tpu.vector_store %arg9[%swap3A_231], %swap3A_234 {strides = array<i32>} : memref<128xi32, #tpu.memory_space<vmem>>, vector<16xi32>,
        %get3A_235 = arith.constant 0 : i32
        %get3A_236 = arith.constant 0 : i32
        %get3A_237 = arith.constant 0 : i32
        %get3A_238 = tpu.memref_slice %run_scoped3A[%rem3A_204, %get3A_236, %get3A_237] : memref<2x1x128xi32, #tpu.memory_space<vmem>> -> memref<1x1x128xi32, #tpu.memory_space<vmem>>
        %get3A_239 = tpu.memref_squeeze %get3A_238 : memref<1x1x128xi32, #tpu.memory_space<vmem>> -> memref<1x128xi32, #tpu.memory_space<vmem>>
        %get3A_240 = arith.index_cast %get3A_235 : i32 to index
        %get3A_241 = arith.constant 32 : index
        %get3A_242 = tpu.vector_load %get3A_239[%get3A_240, %get3A_241] {strides = array<i32>} : memref<1x128xi32, #tpu.memory_space<vmem>>, vector<1x16xi32>,
        %get3A_243 = vector.shape_cast %get3A_242 : vector<1x16xi32> to vector<16xi32>
        %add3A_244 = vector.broadcast %mul3A_2 : i32 to vector<16xi32>
        %add3A_245 = arith.addi %get3A_243, %add3A_244 : vector<16xi32>
        %swap3A_246 = arith.constant 32 : index
        %swap3A_247 = tpu.vector_load %arg9[%swap3A_246] {strides = array<i32>} : memref<128xi32, #tpu.memory_space<vmem>>, vector<16xi32>,
        %swap3A_248 = vector.shape_cast %swap3A_247 : vector<16xi32> to vector<16xi32>
        %swap3A_249 = vector.shape_cast %add3A_245 : vector<16xi32> to vector<16xi32>
        tpu.vector_store %arg9[%swap3A_246], %swap3A_249 {strides = array<i32>} : memref<128xi32, #tpu.memory_space<vmem>>, vector<16xi32>,
        %get3A_250 = arith.constant 0 : i32
        %get3A_251 = arith.constant 0 : i32
        %get3A_252 = arith.constant 0 : i32
        %get3A_253 = tpu.memref_slice %run_scoped3A[%rem3A_204, %get3A_251, %get3A_252] : memref<2x1x128xi32, #tpu.memory_space<vmem>> -> memref<1x1x128xi32, #tpu.memory_space<vmem>>
        %get3A_254 = tpu.memref_squeeze %get3A_253 : memref<1x1x128xi32, #tpu.memory_space<vmem>> -> memref<1x128xi32, #tpu.memory_space<vmem>>
        %get3A_255 = arith.index_cast %get3A_250 : i32 to index
        %get3A_256 = arith.constant 48 : index
        %get3A_257 = tpu.vector_load %get3A_254[%get3A_255, %get3A_256] {strides = array<i32>} : memref<1x128xi32, #tpu.memory_space<vmem>>, vector<1x16xi32>,
        %get3A_258 = vector.shape_cast %get3A_257 : vector<1x16xi32> to vector<16xi32>
        %add3A_259 = vector.broadcast %mul3A_2 : i32 to vector<16xi32>
        %add3A_260 = arith.addi %get3A_258, %add3A_259 : vector<16xi32>
        %swap3A_261 = arith.constant 48 : index
        %swap3A_262 = tpu.vector_load %arg9[%swap3A_261] {strides = array<i32>} : memref<128xi32, #tpu.memory_space<vmem>>, vector<16xi32>,
        %swap3A_263 = vector.shape_cast %swap3A_262 : vector<16xi32> to vector<16xi32>
        %swap3A_264 = vector.shape_cast %add3A_260 : vector<16xi32> to vector<16xi32>
        tpu.vector_store %arg9[%swap3A_261], %swap3A_264 {strides = array<i32>} : memref<128xi32, #tpu.memory_space<vmem>>, vector<16xi32>,
        %get3A_265 = arith.constant 0 : i32
        %get3A_266 = arith.constant 0 : i32
        %get3A_267 = arith.constant 0 : i32
        %get3A_268 = tpu.memref_slice %run_scoped3A[%rem3A_204, %get3A_266, %get3A_267] : memref<2x1x128xi32, #tpu.memory_space<vmem>> -> memref<1x1x128xi32, #tpu.memory_space<vmem>>
        %get3A_269 = tpu.memref_squeeze %get3A_268 : memref<1x1x128xi32, #tpu.memory_space<vmem>> -> memref<1x128xi32, #tpu.memory_space<vmem>>
        %get3A_270 = arith.index_cast %get3A_265 : i32 to index
        %get3A_271 = arith.constant 64 : index
        %get3A_272 = tpu.vector_load %get3A_269[%get3A_270, %get3A_271] {strides = array<i32>} : memref<1x128xi32, #tpu.memory_space<vmem>>, vector<1x16xi32>,
        %get3A_273 = vector.shape_cast %get3A_272 : vector<1x16xi32> to vector<16xi32>
        %add3A_274 = vector.broadcast %mul3A_2 : i32 to vector<16xi32>
        %add3A_275 = arith.addi %get3A_273, %add3A_274 : vector<16xi32>
        %swap3A_276 = arith.constant 64 : index
        %swap3A_277 = tpu.vector_load %arg9[%swap3A_276] {strides = array<i32>} : memref<128xi32, #tpu.memory_space<vmem>>, vector<16xi32>,
        %swap3A_278 = vector.shape_cast %swap3A_277 : vector<16xi32> to vector<16xi32>
        %swap3A_279 = vector.shape_cast %add3A_275 : vector<16xi32> to vector<16xi32>
        tpu.vector_store %arg9[%swap3A_276], %swap3A_279 {strides = array<i32>} : memref<128xi32, #tpu.memory_space<vmem>>, vector<16xi32>,
        %get3A_280 = arith.constant 0 : i32
        %get3A_281 = arith.constant 0 : i32
        %get3A_282 = arith.constant 0 : i32
        %get3A_283 = tpu.memref_slice %run_scoped3A[%rem3A_204, %get3A_281, %get3A_282] : memref<2x1x128xi32, #tpu.memory_space<vmem>> -> memref<1x1x128xi32, #tpu.memory_space<vmem>>
        %get3A_284 = tpu.memref_squeeze %get3A_283 : memref<1x1x128xi32, #tpu.memory_space<vmem>> -> memref<1x128xi32, #tpu.memory_space<vmem>>
        %get3A_285 = arith.index_cast %get3A_280 : i32 to index
        %get3A_286 = arith.constant 80 : index
        %get3A_287 = tpu.vector_load %get3A_284[%get3A_285, %get3A_286] {strides = array<i32>} : memref<1x128xi32, #tpu.memory_space<vmem>>, vector<1x16xi32>,
        %get3A_288 = vector.shape_cast %get3A_287 : vector<1x16xi32> to vector<16xi32>
        %add3A_289 = vector.broadcast %mul3A_2 : i32 to vector<16xi32>
        %add3A_290 = arith.addi %get3A_288, %add3A_289 : vector<16xi32>
        %swap3A_291 = arith.constant 80 : index
        %swap3A_292 = tpu.vector_load %arg9[%swap3A_291] {strides = array<i32>} : memref<128xi32, #tpu.memory_space<vmem>>, vector<16xi32>,
        %swap3A_293 = vector.shape_cast %swap3A_292 : vector<16xi32> to vector<16xi32>
        %swap3A_294 = vector.shape_cast %add3A_290 : vector<16xi32> to vector<16xi32>
        tpu.vector_store %arg9[%swap3A_291], %swap3A_294 {strides = array<i32>} : memref<128xi32, #tpu.memory_space<vmem>>, vector<16xi32>,
        %get3A_295 = arith.constant 0 : i32
        %get3A_296 = arith.constant 0 : i32
        %get3A_297 = arith.constant 0 : i32
        %get3A_298 = tpu.memref_slice %run_scoped3A[%rem3A_204, %get3A_296, %get3A_297] : memref<2x1x128xi32, #tpu.memory_space<vmem>> -> memref<1x1x128xi32, #tpu.memory_space<vmem>>
        %get3A_299 = tpu.memref_squeeze %get3A_298 : memref<1x1x128xi32, #tpu.memory_space<vmem>> -> memref<1x128xi32, #tpu.memory_space<vmem>>
        %get3A_300 = arith.index_cast %get3A_295 : i32 to index
        %get3A_301 = arith.constant 96 : index
        %get3A_302 = tpu.vector_load %get3A_299[%get3A_300, %get3A_301] {strides = array<i32>} : memref<1x128xi32, #tpu.memory_space<vmem>>, vector<1x16xi32>,
        %get3A_303 = vector.shape_cast %get3A_302 : vector<1x16xi32> to vector<16xi32>
        %add3A_304 = vector.broadcast %mul3A_2 : i32 to vector<16xi32>
        %add3A_305 = arith.addi %get3A_303, %add3A_304 : vector<16xi32>
        %swap3A_306 = arith.constant 96 : index
        %swap3A_307 = tpu.vector_load %arg9[%swap3A_306] {strides = array<i32>} : memref<128xi32, #tpu.memory_space<vmem>>, vector<16xi32>,
        %swap3A_308 = vector.shape_cast %swap3A_307 : vector<16xi32> to vector<16xi32>
        %swap3A_309 = vector.shape_cast %add3A_305 : vector<16xi32> to vector<16xi32>
        tpu.vector_store %arg9[%swap3A_306], %swap3A_309 {strides = array<i32>} : memref<128xi32, #tpu.memory_space<vmem>>, vector<16xi32>,
        %get3A_310 = arith.constant 0 : i32
        %get3A_311 = arith.constant 0 : i32
        %get3A_312 = arith.constant 0 : i32
        %get3A_313 = tpu.memref_slice %run_scoped3A[%rem3A_204, %get3A_311, %get3A_312] : memref<2x1x128xi32, #tpu.memory_space<vmem>> -> memref<1x1x128xi32, #tpu.memory_space<vmem>>
        %get3A_314 = tpu.memref_squeeze %get3A_313 : memref<1x1x128xi32, #tpu.memory_space<vmem>> -> memref<1x128xi32, #tpu.memory_space<vmem>>
        %get3A_315 = arith.index_cast %get3A_310 : i32 to index
        %get3A_316 = arith.constant 112 : index
        %get3A_317 = tpu.vector_load %get3A_314[%get3A_315, %get3A_316] {strides = array<i32>} : memref<1x128xi32, #tpu.memory_space<vmem>>, vector<1x16xi32>,
        %get3A_318 = vector.shape_cast %get3A_317 : vector<1x16xi32> to vector<16xi32>
        %add3A_319 = vector.broadcast %mul3A_2 : i32 to vector<16xi32>
        %add3A_320 = arith.addi %get3A_318, %add3A_319 : vector<16xi32>
        %swap3A_321 = arith.constant 112 : index
        %swap3A_322 = tpu.vector_load %arg9[%swap3A_321] {strides = array<i32>} : memref<128xi32, #tpu.memory_space<vmem>>, vector<16xi32>,
        %swap3A_323 = vector.shape_cast %swap3A_322 : vector<16xi32> to vector<16xi32>
        %swap3A_324 = vector.shape_cast %add3A_320 : vector<16xi32> to vector<16xi32>
        tpu.vector_store %arg9[%swap3A_321], %swap3A_324 {strides = array<i32>} : memref<128xi32, #tpu.memory_space<vmem>>, vector<16xi32>,
        "tpu.region"() ({
          %run_scoped3A_388 = tpu.sem_alloc : memref<!tpu.dma_semaphore, #tpu.memory_space<semaphore_mem>>
          %dma_start3A_389 = arith.constant 0 : i32
          %dma_start3A_390 = arith.constant 0 : i32
          %dma_start3A_391 = tpu.memref_slice %arg4[%dma_start3A_389, %dma_start3A_390] : memref<204800x16xf32, #tpu.memory_space<hbm>> -> memref<204800x16xf32, #tpu.memory_space<hbm>>
          tpu.enqueue_indirect_dma source(%dma_start3A_391 : memref<204800x16xf32, #tpu.memory_space<hbm>>) target(%arg8 : memref<128x16xf32, #tpu.memory_space<vmem>>) offsets(%arg9 : memref<128xi32, #tpu.memory_space<vmem>>) semaphore(%run_scoped3A_388 : memref<!tpu.dma_semaphore, #tpu.memory_space<semaphore_mem>>)
          %dma_wait3A = arith.constant 0 : i32
          %dma_wait3A_392 = arith.constant 0 : i32
          %dma_wait3A_393 = tpu.memref_slice %arg4[%dma_wait3A, %dma_wait3A_392] : memref<204800x16xf32, #tpu.memory_space<hbm>> -> memref<204800x16xf32, #tpu.memory_space<hbm>>
          tpu.wait_indirect_dma semaphore(%run_scoped3A_388 : memref<!tpu.dma_semaphore, #tpu.memory_space<semaphore_mem>>) src(%dma_wait3A_393 : memref<204800x16xf32, #tpu.memory_space<hbm>>) dst(%arg8 : memref<128x16xf32, #tpu.memory_space<vmem>>)
          tpu.yield
        }) : () -> ()
        %run_scoped3A_325 = arith.constant 0 : i32
        "tpu.region"() ({
          %run_scoped3A_388 = tpu.sem_alloc : memref<!tpu.dma_semaphore, #tpu.memory_space<semaphore_mem>>
          %dma_start3A_389 = arith.constant 0 : i32
          %dma_start3A_390 = arith.constant 0 : i32
          %dma_start3A_391 = tpu.memref_slice %run_scoped3A_7[%rem3A_206, %dma_start3A_389, %dma_start3A_390] : memref<2x1x128xi32, #tpu.memory_space<vmem>> -> memref<1x1x128xi32, #tpu.memory_space<vmem>>
          %dma_start3A_392 = tpu.memref_squeeze %dma_start3A_391 : memref<1x1x128xi32, #tpu.memory_space<vmem>> -> memref<1x128xi32, #tpu.memory_space<vmem>>
          %dma_start3A_393 = arith.constant 0 : i32
          %dma_start3A_394 = tpu.memref_slice %dma_start3A_392[%run_scoped3A_325, %dma_start3A_393] : memref<1x128xi32, #tpu.memory_space<vmem>> -> memref<1x128xi32, #tpu.memory_space<vmem>>
          %dma_start3A_395 = tpu.memref_squeeze %dma_start3A_394 : memref<1x128xi32, #tpu.memory_space<vmem>> -> memref<128xi32, #tpu.memory_space<vmem>>
          %dma_start3A_396 = arith.constant 0 : i32
          %dma_start3A_397 = arith.constant 0 : i32
          %dma_start3A_398 = tpu.memref_slice %arg7[%dma_start3A_396, %dma_start3A_397] : memref<102400x16xf32, #tpu.memory_space<vmem_shared>> -> memref<102400x16xf32, #tpu.memory_space<vmem_shared>>
          tpu.enqueue_indirect_dma source(%arg8 : memref<128x16xf32, #tpu.memory_space<vmem>>) target(%dma_start3A_398 : memref<102400x16xf32, #tpu.memory_space<vmem_shared>>) offsets(%dma_start3A_395 : memref<128xi32, #tpu.memory_space<vmem>>) semaphore(%run_scoped3A_388 : memref<!tpu.dma_semaphore, #tpu.memory_space<semaphore_mem>>) {add = true}
          %dma_wait3A = arith.constant 0 : i32
          %dma_wait3A_399 = arith.constant 0 : i32
          %dma_wait3A_400 = tpu.memref_slice %run_scoped3A_7[%rem3A_206, %dma_wait3A, %dma_wait3A_399] : memref<2x1x128xi32, #tpu.memory_space<vmem>> -> memref<1x1x128xi32, #tpu.memory_space<vmem>>
          %dma_wait3A_401 = tpu.memref_squeeze %dma_wait3A_400 : memref<1x1x128xi32, #tpu.memory_space<vmem>> -> memref<1x128xi32, #tpu.memory_space<vmem>>
          %dma_wait3A_402 = arith.constant 0 : i32
          %dma_wait3A_403 = tpu.memref_slice %dma_wait3A_401[%run_scoped3A_325, %dma_wait3A_402] : memref<1x128xi32, #tpu.memory_space<vmem>> -> memref<1x128xi32, #tpu.memory_space<vmem>>
          %dma_wait3A_404 = tpu.memref_squeeze %dma_wait3A_403 : memref<1x128xi32, #tpu.memory_space<vmem>> -> memref<128xi32, #tpu.memory_space<vmem>>
          %dma_wait3A_405 = arith.constant 0 : i32
          %dma_wait3A_406 = arith.constant 0 : i32
          %dma_wait3A_407 = tpu.memref_slice %arg7[%dma_wait3A_405, %dma_wait3A_406] : memref<102400x16xf32, #tpu.memory_space<vmem_shared>> -> memref<102400x16xf32, #tpu.memory_space<vmem_shared>>
          tpu.wait_indirect_dma semaphore(%run_scoped3A_388 : memref<!tpu.dma_semaphore, #tpu.memory_space<semaphore_mem>>) src(%arg8 : memref<128x16xf32, #tpu.memory_space<vmem>>) dst(%dma_wait3A_407 : memref<102400x16xf32, #tpu.memory_space<vmem_shared>>)
          tpu.yield
        }) : () -> ()
        "tpu.trace_stop"() : () -> ()
        %ne3A_326 = arith.cmpi ne, %add3A_136, %add3A_154 : i32
        %or3A_327 = arith.constant false
        %or3A_328 = arith.ori %or3A_327, %ne3A_326 : i1
        %or3A_329 = arith.ori %or3A_328, %eq3A_135 : i1
        %convert_element_type3A_330 = arith.extui %or3A_329 : i1 to i32
        %cond3A_331 = arith.constant 0 : i32
        %cond3A_332 = arith.cmpi ne, %convert_element_type3A_330, %cond3A_331 : i32
        scf.if %cond3A_332 {
        } else {
        }
        %and3A_333 = arith.constant false
        %and3A_334 = arith.andi %or3A_329, %and3A_333 : i1
        %ne3A_335 = arith.cmpi ne, %add3A_136, %add3A_154 : i32
        %or3A_336 = arith.constant false
        %or3A_337 = arith.ori %or3A_336, %ne3A_335 : i1
        %or3A_338 = arith.ori %or3A_337, %eq3A_135 : i1
        %convert_element_type3A_339 = arith.extui %or3A_338 : i1 to i32
        %cond3A_340 = arith.constant 0 : i32
        %cond3A_341 = arith.cmpi ne, %convert_element_type3A_339, %cond3A_340 : i32
        scf.if %cond3A_341 {
        } else {
        }
        %and3A_342 = arith.constant false
        %and3A_343 = arith.andi %or3A_338, %and3A_342 : i1
        %ne3A_344 = arith.cmpi ne, %add3A_136, %add3A_145 : i32
        %or3A_345 = arith.constant false
        %or3A_346 = arith.ori %or3A_345, %ne3A_344 : i1
        %not3A_347 = arith.constant true
        %not3A_348 = arith.xori %eq3A_133, %not3A_347 : i1
        %and3A_349 = arith.andi %or3A_346, %not3A_348 : i1
        %convert_element_type3A_350 = arith.extui %and3A_349 : i1 to i32
        %cond3A_351 = arith.constant 0 : i32
        %cond3A_352 = arith.cmpi ne, %convert_element_type3A_350, %cond3A_351 : i32
        scf.if %cond3A_352 {
        } else {
        }
        %and3A_353 = arith.constant false
        %and3A_354 = arith.andi %and3A_349, %and3A_353 : i1
        %ne3A_355 = arith.cmpi ne, %add3A_136, %add3A_145 : i32
        %or3A_356 = arith.constant false
        %or3A_357 = arith.ori %or3A_356, %ne3A_355 : i1
        %not3A_358 = arith.constant true
        %not3A_359 = arith.xori %eq3A_133, %not3A_358 : i1
        %and3A_360 = arith.andi %or3A_357, %not3A_359 : i1
        %convert_element_type3A_361 = arith.extui %and3A_360 : i1 to i32
        %cond3A_362 = arith.constant 0 : i32
        %cond3A_363 = arith.cmpi ne, %convert_element_type3A_361, %cond3A_362 : i32
        scf.if %cond3A_363 {
        } else {
        }
        %and3A_364 = arith.constant false
        %and3A_365 = arith.andi %and3A_360, %and3A_364 : i1
        %ne3A_366 = arith.cmpi ne, %add3A_136, %add3A_154 : i32
        %or3A_367 = arith.constant false
        %or3A_368 = arith.ori %or3A_367, %ne3A_366 : i1
        %or3A_369 = arith.ori %or3A_368, %eq3A_135 : i1
        %add3A_370 = arith.constant 1 : i32
        %add3A_371 = arith.addi %scan3A_128, %add3A_370 : i32
        %select_n3A_372 = arith.select %or3A_369, %add3A_371, %scan3A_128 : i32
        %ne3A_373 = arith.cmpi ne, %add3A_136, %add3A_154 : i32
        %or3A_374 = arith.constant false
        %or3A_375 = arith.ori %or3A_374, %ne3A_373 : i1
        %or3A_376 = arith.ori %or3A_375, %eq3A_135 : i1
        %add3A_377 = arith.constant 1 : i32
        %add3A_378 = arith.addi %scan3A_130, %add3A_377 : i32
        %select_n3A_379 = arith.select %or3A_376, %add3A_378, %scan3A_130 : i32
        %add3A_380 = arith.constant 1 : i32
        %add3A_381 = arith.addi %scan3A_131, %add3A_380 : i32
        %select_n3A_382 = arith.constant true
        %select_n3A_383 = arith.select %select_n3A_382, %add3A_381, %scan3A_131 : i32
        %eq3A_384 = arith.constant 782 : i32
        %eq3A_385 = arith.cmpi eq, %select_n3A_383, %eq3A_384 : i32
        %select_n3A_386 = arith.constant 0 : i32
        %select_n3A_387 = arith.select %eq3A_385, %select_n3A_386, %select_n3A_383 : i32
        scf.yield %select_n3A_172, %select_n3A_372, %select_n3A_188, %select_n3A_379, %select_n3A_387 : i32, i32, i32, i32, i32
      }
      %scan3A_90 = arith.constant 782 : i32
      %sub3A = arith.constant 1 : i32
      %sub3A_91 = arith.subi %scan3A_89#4, %sub3A : i32
      %select_n3A_92 = arith.constant true
      %select_n3A_93 = arith.select %select_n3A_92, %sub3A_91, %scan3A_89#4 : i32
      %eq3A_94 = arith.constant -1 : i32
      %eq3A_95 = arith.cmpi eq, %select_n3A_93, %eq3A_94 : i32
      %select_n3A_96 = arith.constant 781 : i32
      %select_n3A_97 = arith.select %eq3A_95, %select_n3A_96, %select_n3A_93 : i32
      %add3A_98 = arith.addi %select_n3A_97, %mul3A_4 : i32
      %sub3A_99 = arith.constant 1 : i32
      %sub3A_100 = arith.subi %select_n3A_97, %sub3A_99 : i32
      %select_n3A_101 = arith.constant true
      %select_n3A_102 = arith.select %select_n3A_101, %sub3A_100, %select_n3A_97 : i32
      %eq3A_103 = arith.constant -1 : i32
      %eq3A_104 = arith.cmpi eq, %select_n3A_102, %eq3A_103 : i32
      %select_n3A_105 = arith.constant 781 : i32
      %select_n3A_106 = arith.select %eq3A_104, %select_n3A_105, %select_n3A_102 : i32
      %add3A_107 = arith.addi %select_n3A_106, %mul3A_4 : i32
      %add3A_108 = arith.constant 1 : i32
      %add3A_109 = arith.addi %select_n3A_97, %add3A_108 : i32
      %select_n3A_110 = arith.constant true
      %select_n3A_111 = arith.select %select_n3A_110, %add3A_109, %select_n3A_97 : i32
      %eq3A_112 = arith.constant 782 : i32
      %eq3A_113 = arith.cmpi eq, %select_n3A_111, %eq3A_112 : i32
      %select_n3A_114 = arith.constant 0 : i32
      %select_n3A_115 = arith.select %eq3A_113, %select_n3A_114, %select_n3A_111 : i32
      %add3A_116 = arith.addi %select_n3A_115, %mul3A_4 : i32
      %add3A_117 = arith.constant 1 : i32
      %add3A_118 = arith.addi %select_n3A_115, %add3A_117 : i32
      %select_n3A_119 = arith.constant true
      %select_n3A_120 = arith.select %select_n3A_119, %add3A_118, %select_n3A_115 : i32
      %eq3A_121 = arith.constant 782 : i32
      %eq3A_122 = arith.cmpi eq, %select_n3A_120, %eq3A_121 : i32
      %select_n3A_123 = arith.constant 0 : i32
      %select_n3A_124 = arith.select %eq3A_122, %select_n3A_123, %select_n3A_120 : i32
      %add3A_125 = arith.addi %select_n3A_124, %mul3A_4 : i32
      tpu.yield
    }) : () -> ()
    %barrier3A_5 = arith.constant 0 : index
    tpu.barrier barrier_id(%barrier3A_5)
    "tpu.region"() ({
      %run_scoped3A = tpu.sem_alloc : memref<!tpu.dma_semaphore, #tpu.memory_space<semaphore_mem>>
      %dma_start3A = arith.constant 0 : i32
      %dma_start3A_6 = tpu.memref_slice %arg6[%arg0, %multiple_of3A, %dma_start3A] : memref<2x102400x16xf32, #tpu.memory_space<hbm>> -> memref<1x6400x16xf32, #tpu.memory_space<hbm>>
      %dma_start3A_7 = tpu.memref_squeeze %dma_start3A_6 : memref<1x6400x16xf32, #tpu.memory_space<hbm>> -> memref<6400x16xf32, #tpu.memory_space<hbm>>
      %dma_start3A_8 = arith.constant 0 : i32
      %dma_start3A_9 = tpu.memref_slice %arg7[%multiple_of3A, %dma_start3A_8] : memref<102400x16xf32, #tpu.memory_space<vmem_shared>> -> memref<6400x16xf32, #tpu.memory_space<vmem_shared>>
      tpu.enqueue_dma source(%dma_start3A_9 : memref<6400x16xf32, #tpu.memory_space<vmem_shared>>) target(%dma_start3A_7 : memref<6400x16xf32, #tpu.memory_space<hbm>>) target_semaphore(%run_scoped3A : memref<!tpu.dma_semaphore, #tpu.memory_space<semaphore_mem>>)
      %dma_wait3A = arith.constant 0 : i32
      %dma_wait3A_10 = tpu.memref_slice %arg6[%arg0, %multiple_of3A, %dma_wait3A] : memref<2x102400x16xf32, #tpu.memory_space<hbm>> -> memref<1x6400x16xf32, #tpu.memory_space<hbm>>
      %dma_wait3A_11 = tpu.memref_squeeze %dma_wait3A_10 : memref<1x6400x16xf32, #tpu.memory_space<hbm>> -> memref<6400x16xf32, #tpu.memory_space<hbm>>
      %dma_wait3A_12 = arith.constant 0 : i32
      %dma_wait3A_13 = tpu.memref_slice %arg7[%multiple_of3A, %dma_wait3A_12] : memref<102400x16xf32, #tpu.memory_space<vmem_shared>> -> memref<6400x16xf32, #tpu.memory_space<vmem_shared>>
      tpu.wait_dma2 semaphore(%run_scoped3A : memref<!tpu.dma_semaphore, #tpu.memory_space<semaphore_mem>>) src(%dma_wait3A_13 : memref<6400x16xf32, #tpu.memory_space<vmem_shared>>) dst(%dma_wait3A_11 : memref<6400x16xf32, #tpu.memory_space<hbm>>)
      tpu.yield
    }) : () -> ()
    return
  }
}

module attributes {stable_mosaic.version = 14 : i64} {
  func.func @_tc1_body(%arg0: i32, %arg1: memref<3200x1xf32, #tpu.memory_space<vmem>>, %arg2: memref<3200x1xf32, #tpu.memory_space<vmem>>, %arg3: memref<3200x4xf32, #tpu.memory_space<vmem>>, %arg4: memref<3200x8xf32, #tpu.memory_space<vmem>>, %arg5: memref<3200x1xf32, #tpu.memory_space<vmem>>) attributes {dimension_semantics = [#tpu.dimension_semantics<arbitrary>], iteration_bounds = array<i64: 32>, scalar_prefetch = 0 : i64, scratch_operands = 0 : i64, tpu.core_type = #tpu.core_type<tc>, window_params = [{transform_indices = @transform_0, window_bounds = array<i64: 3200, 1>}, {transform_indices = @transform_1, window_bounds = array<i64: 3200, 1>}, {transform_indices = @transform_2, window_bounds = array<i64: 3200, 4>}, {transform_indices = @transform_3, window_bounds = array<i64: 3200, 8>}, {transform_indices = @transform_4, window_bounds = array<i64: 3200, 1>}]} {
    %get3A = arith.constant 0 : index
    %get3A_0 = arith.constant 0 : index
    %get3A_1 = vector.load %arg1[%get3A, %get3A_0] : memref<3200x1xf32, #tpu.memory_space<vmem>>, vector<3200x1xf32>
    %add3A = arith.constant 1.000000e+00 : f32
    %add3A_2 = vector.broadcast %add3A : f32 to vector<3200x1xf32>
    %add3A_3 = arith.addf %add3A_2, %get3A_1 : vector<3200x1xf32>
    %get3A_4 = arith.constant 0 : index
    %get3A_5 = arith.constant 0 : index
    %get3A_6 = vector.load %arg2[%get3A_4, %get3A_5] : memref<3200x1xf32, #tpu.memory_space<vmem>>, vector<3200x1xf32>
    %add3A_7 = arith.addf %add3A_3, %get3A_6 : vector<3200x1xf32>
    %rsqrt3A = math.rsqrt %add3A_7 : vector<3200x1xf32>
    %swap3A = arith.constant 0 : index
    %swap3A_8 = arith.constant 0 : index
    %swap3A_9 = vector.load %arg5[%swap3A, %swap3A_8] : memref<3200x1xf32, #tpu.memory_space<vmem>>, vector<3200x1xf32>
    tpu.vector_store %arg5[%swap3A, %swap3A_8], %rsqrt3A {strides = array<i32>} : memref<3200x1xf32, #tpu.memory_space<vmem>>, vector<3200x1xf32>,
    %get3A_10 = arith.constant 0 : index
    %get3A_11 = arith.constant 0 : index
    %get3A_12 = vector.load %arg3[%get3A_10, %get3A_11] : memref<3200x4xf32, #tpu.memory_space<vmem>>, vector<3200x4xf32>
    %mul3A = vector.broadcast %rsqrt3A : vector<3200x1xf32> to vector<3200x4xf32>
    %mul3A_13 = arith.mulf %get3A_12, %mul3A : vector<3200x4xf32>
    %jit3A = arith.constant 0 : i32
    %convert_element_type3A = arith.sitofp %jit3A : i32 to f32
    %pad3A = vector.broadcast %convert_element_type3A : f32 to vector<3200x4xf32>
    %pad3A_14 = tpu.concatenate %mul3A_13, %pad3A in 1 : vector<3200x4xf32>, vector<3200x4xf32> -> vector<3200x8xf32>
    %swap3A_15 = arith.constant 0 : index
    %swap3A_16 = arith.constant 0 : index
    %swap3A_17 = vector.load %arg4[%swap3A_15, %swap3A_16] : memref<3200x8xf32, #tpu.memory_space<vmem>>, vector<3200x8xf32>
    tpu.vector_store %arg4[%swap3A_15, %swap3A_16], %pad3A_14 {strides = array<i32>} : memref<3200x8xf32, #tpu.memory_space<vmem>>, vector<3200x8xf32>,
    return
  }
  func.func @transform_0(%arg0: i32) -> (i32, i32) {
    %c0_i32 = arith.constant 0 : i32
    %c0_i32_0 = arith.constant 0 : i32
    return %arg0, %c0_i32 : i32, i32
  }
  func.func @transform_1(%arg0: i32) -> (i32, i32) {
    %c0_i32 = arith.constant 0 : i32
    %c0_i32_0 = arith.constant 0 : i32
    return %arg0, %c0_i32 : i32, i32
  }
  func.func @transform_2(%arg0: i32) -> (i32, i32) {
    %c0_i32 = arith.constant 0 : i32
    %c0_i32_0 = arith.constant 0 : i32
    return %arg0, %c0_i32 : i32, i32
  }
  func.func @transform_3(%arg0: i32) -> (i32, i32) {
    %c0_i32 = arith.constant 0 : i32
    %c0_i32_0 = arith.constant 0 : i32
    return %arg0, %c0_i32 : i32, i32
  }
  func.func @transform_4(%arg0: i32) -> (i32, i32) {
    %c0_i32 = arith.constant 0 : i32
    %c0_i32_0 = arith.constant 0 : i32
    return %arg0, %c0_i32 : i32, i32
  }
}

module attributes {stable_mosaic.version = 14 : i64} {
  func.func @_tc2_body(%arg0: i32, %arg1: memref<3200x8xf32, #tpu.memory_space<vmem>>, %arg2: memref<3200x8xf32, #tpu.memory_space<vmem>>, %arg3: memref<3200x8xf32, #tpu.memory_space<vmem>>, %arg4: memref<3200x1xf32, #tpu.memory_space<vmem>>, %arg5: memref<4x64xf32, #tpu.memory_space<vmem>>, %arg6: memref<64xf32, #tpu.memory_space<vmem>>, %arg7: memref<64x32xf32, #tpu.memory_space<vmem>>, %arg8: memref<2x3200x16xf32, #tpu.memory_space<vmem>>) attributes {dimension_semantics = [#tpu.dimension_semantics<arbitrary>], iteration_bounds = array<i64: 32>, scalar_prefetch = 0 : i64, scratch_operands = 0 : i64, tpu.core_type = #tpu.core_type<tc>, window_params = [{transform_indices = @transform_0, window_bounds = array<i64: 3200, 8>}, {transform_indices = @transform_1, window_bounds = array<i64: 3200, 8>}, {transform_indices = @transform_2, window_bounds = array<i64: 3200, 8>}, {transform_indices = @transform_3, window_bounds = array<i64: 3200, 1>}, {pipeline_mode = #tpu.pipeline_mode<synchronous>, transform_indices = @transform_4, window_bounds = array<i64: 4, 64>}, {pipeline_mode = #tpu.pipeline_mode<synchronous>, transform_indices = @transform_5, window_bounds = array<i64: 64>}, {pipeline_mode = #tpu.pipeline_mode<synchronous>, transform_indices = @transform_6, window_bounds = array<i64: 64, 32>}, {transform_indices = @transform_7, window_bounds = array<i64: 2, 3200, 16>}]} {
    %get3A = arith.constant 0 : index
    %get3A_0 = arith.constant 0 : index
    %get3A_1 = vector.load %arg1[%get3A, %get3A_0] : memref<3200x8xf32, #tpu.memory_space<vmem>>, vector<3200x8xf32>
    %get3A_2 = arith.constant 0 : index
    %get3A_3 = arith.constant 0 : index
    %get3A_4 = vector.load %arg2[%get3A_2, %get3A_3] : memref<3200x8xf32, #tpu.memory_space<vmem>>, vector<3200x8xf32>
    %add3A = arith.addf %get3A_1, %get3A_4 : vector<3200x8xf32>
    %get3A_5 = arith.constant 0 : index
    %get3A_6 = arith.constant 0 : index
    %get3A_7 = vector.load %arg3[%get3A_5, %get3A_6] : memref<3200x8xf32, #tpu.memory_space<vmem>>, vector<3200x8xf32>
    %add3A_8 = arith.addf %add3A, %get3A_7 : vector<3200x8xf32>
    %slice3A = vector.extract_strided_slice %add3A_8 {offsets = [0, 0], sizes = [3200, 4], strides = [1, 1]} : vector<3200x8xf32> to vector<3200x4xf32>
    %get3A_9 = arith.constant 0 : index
    %get3A_10 = arith.constant 0 : index
    %get3A_11 = vector.load %arg4[%get3A_9, %get3A_10] : memref<3200x1xf32, #tpu.memory_space<vmem>>, vector<3200x1xf32>
    %get3A_12 = arith.constant 0 : index
    %get3A_13 = arith.constant 0 : index
    %get3A_14 = vector.load %arg5[%get3A_12, %get3A_13] : memref<4x64xf32, #tpu.memory_space<vmem>>, vector<4x64xf32>
    %dot_general3A = arith.constant dense<0.000000e+00> : vector<3200x64xf32>
    %dot_general3A_15 = tpu.matmul %slice3A, %get3A_14, %dot_general3A {dimension_numbers = #tpu.dot_dimension_numbers<[1], [0], [0], [1], [0, 0, 1, 1], [], []>, transpose_lhs_hint = false} : vector<3200x4xf32>, vector<4x64xf32>, vector<3200x64xf32> -> vector<3200x64xf32>
    %mul3A = vector.broadcast %get3A_11 : vector<3200x1xf32> to vector<3200x64xf32>
    %mul3A_16 = arith.mulf %dot_general3A_15, %mul3A : vector<3200x64xf32>
    %get3A_17 = arith.constant 0 : index
    %get3A_18 = vector.load %arg6[%get3A_17] : memref<64xf32, #tpu.memory_space<vmem>>, vector<64xf32>
    %broadcast_in_dim3A = vector.shape_cast %get3A_18 : vector<64xf32> to vector<1x64xf32>
    %add3A_19 = vector.broadcast %broadcast_in_dim3A : vector<1x64xf32> to vector<3200x64xf32>
    %add3A_20 = arith.addf %mul3A_16, %add3A_19 : vector<3200x64xf32>
    %max3A = arith.constant 0.000000e+00 : f32
    %max3A_21 = vector.broadcast %max3A : f32 to vector<3200x64xf32>
    %max3A_22 = arith.maximumf %add3A_20, %max3A_21 : vector<3200x64xf32>
    %get3A_23 = arith.constant 0 : index
    %get3A_24 = arith.constant 0 : index
    %get3A_25 = vector.load %arg7[%get3A_23, %get3A_24] : memref<64x32xf32, #tpu.memory_space<vmem>>, vector<64x32xf32>
    %dot_general3A_26 = arith.constant dense<0.000000e+00> : vector<3200x32xf32>
    %dot_general3A_27 = tpu.matmul %max3A_22, %get3A_25, %dot_general3A_26 {dimension_numbers = #tpu.dot_dimension_numbers<[1], [0], [0], [1], [0, 0, 1, 1], [], []>, transpose_lhs_hint = false} : vector<3200x64xf32>, vector<64x32xf32>, vector<3200x32xf32> -> vector<3200x32xf32>
    %mul3A_28 = vector.broadcast %get3A_11 : vector<3200x1xf32> to vector<3200x32xf32>
    %mul3A_29 = arith.mulf %dot_general3A_27, %mul3A_28 : vector<3200x32xf32>
    %slice3A_30 = vector.extract_strided_slice %mul3A_29 {offsets = [0, 0], sizes = [3200, 16], strides = [1, 1]} : vector<3200x32xf32> to vector<3200x16xf32>
    %swap3A = arith.constant 0 : index
    %swap3A_31 = arith.constant 0 : index
    %swap3A_32 = arith.constant 0 : index
    %swap3A_33 = vector.load %arg8[%swap3A, %swap3A_31, %swap3A_32] : memref<2x3200x16xf32, #tpu.memory_space<vmem>>, vector<1x3200x16xf32>
    %swap3A_34 = vector.shape_cast %swap3A_33 : vector<1x3200x16xf32> to vector<3200x16xf32>
    %swap3A_35 = vector.shape_cast %slice3A_30 : vector<3200x16xf32> to vector<1x3200x16xf32>
    tpu.vector_store %arg8[%swap3A, %swap3A_31, %swap3A_32], %swap3A_35 {strides = array<i32>} : memref<2x3200x16xf32, #tpu.memory_space<vmem>>, vector<1x3200x16xf32>,
    %slice3A_36 = vector.extract_strided_slice %mul3A_29 {offsets = [0, 16], sizes = [3200, 16], strides = [1, 1]} : vector<3200x32xf32> to vector<3200x16xf32>
    %swap3A_37 = arith.constant 1 : index
    %swap3A_38 = arith.constant 0 : index
    %swap3A_39 = arith.constant 0 : index
    %swap3A_40 = vector.load %arg8[%swap3A_37, %swap3A_38, %swap3A_39] : memref<2x3200x16xf32, #tpu.memory_space<vmem>>, vector<1x3200x16xf32>
    %swap3A_41 = vector.shape_cast %swap3A_40 : vector<1x3200x16xf32> to vector<3200x16xf32>
    %swap3A_42 = vector.shape_cast %slice3A_36 : vector<3200x16xf32> to vector<1x3200x16xf32>
    tpu.vector_store %arg8[%swap3A_37, %swap3A_38, %swap3A_39], %swap3A_42 {strides = array<i32>} : memref<2x3200x16xf32, #tpu.memory_space<vmem>>, vector<1x3200x16xf32>,
    return
  }
  func.func @transform_0(%arg0: i32) -> (i32, i32) {
    %c0_i32 = arith.constant 0 : i32
    %c0_i32_0 = arith.constant 0 : i32
    return %arg0, %c0_i32 : i32, i32
  }
  func.func @transform_1(%arg0: i32) -> (i32, i32) {
    %c0_i32 = arith.constant 0 : i32
    %c0_i32_0 = arith.constant 0 : i32
    return %arg0, %c0_i32 : i32, i32
  }
  func.func @transform_2(%arg0: i32) -> (i32, i32) {
    %c0_i32 = arith.constant 0 : i32
    %c0_i32_0 = arith.constant 0 : i32
    return %arg0, %c0_i32 : i32, i32
  }
  func.func @transform_3(%arg0: i32) -> (i32, i32) {
    %c0_i32 = arith.constant 0 : i32
    %c0_i32_0 = arith.constant 0 : i32
    return %arg0, %c0_i32 : i32, i32
  }
  func.func @transform_4(%arg0: i32) -> (i32, i32) {
    %c0_i32 = arith.constant 0 : i32
    %c0_i32_0 = arith.constant 0 : i32
    %c0_i32_1 = arith.constant 0 : i32
    return %c0_i32, %c0_i32_0 : i32, i32
  }
  func.func @transform_5(%arg0: i32) -> i32 {
    %c0_i32 = arith.constant 0 : i32
    %c0_i32_0 = arith.constant 0 : i32
    return %c0_i32 : i32
  }
  func.func @transform_6(%arg0: i32) -> (i32, i32) {
    %c0_i32 = arith.constant 0 : i32
    %c0_i32_0 = arith.constant 0 : i32
    %c0_i32_1 = arith.constant 0 : i32
    return %c0_i32, %c0_i32_0 : i32, i32
  }
  func.func @transform_7(%arg0: i32) -> (i32, i32, i32) {
    %c0_i32 = arith.constant 0 : i32
    %c0_i32_0 = arith.constant 0 : i32
    %c0_i32_1 = arith.constant 0 : i32
    return %c0_i32, %arg0, %c0_i32_0 : i32, i32, i32
  }
}

module attributes {stable_mosaic.version = 14 : i64} {
  func.func @_tc3_body(%arg0: i32, %arg1: memref<3200x16xf32, #tpu.memory_space<vmem>>, %arg2: memref<3200x16xf32, #tpu.memory_space<vmem>>, %arg3: memref<3200x16xf32, #tpu.memory_space<vmem>>, %arg4: memref<3200x16xf32, #tpu.memory_space<vmem>>, %arg5: memref<3200x1xf32, #tpu.memory_space<vmem>>, %arg6: memref<32xf32, #tpu.memory_space<vmem>>, %arg7: memref<32x32xf32, #tpu.memory_space<vmem>>, %arg8: memref<32xf32, #tpu.memory_space<vmem>>, %arg9: memref<3200x32xf32, #tpu.memory_space<vmem>>) attributes {dimension_semantics = [#tpu.dimension_semantics<arbitrary>], iteration_bounds = array<i64: 32>, scalar_prefetch = 0 : i64, scratch_operands = 0 : i64, tpu.core_type = #tpu.core_type<tc>, window_params = [{transform_indices = @transform_0, window_bounds = array<i64: 3200, 16>}, {transform_indices = @transform_1, window_bounds = array<i64: 3200, 16>}, {transform_indices = @transform_2, window_bounds = array<i64: 3200, 16>}, {transform_indices = @transform_3, window_bounds = array<i64: 3200, 16>}, {transform_indices = @transform_4, window_bounds = array<i64: 3200, 1>}, {pipeline_mode = #tpu.pipeline_mode<synchronous>, transform_indices = @transform_5, window_bounds = array<i64: 32>}, {pipeline_mode = #tpu.pipeline_mode<synchronous>, transform_indices = @transform_6, window_bounds = array<i64: 32, 32>}, {pipeline_mode = #tpu.pipeline_mode<synchronous>, transform_indices = @transform_7, window_bounds = array<i64: 32>}, {transform_indices = @transform_8, window_bounds = array<i64: 3200, 32>}]} {
    %get3A = arith.constant 0 : index
    %get3A_0 = arith.constant 0 : index
    %get3A_1 = vector.load %arg1[%get3A, %get3A_0] : memref<3200x16xf32, #tpu.memory_space<vmem>>, vector<3200x16xf32>
    %get3A_2 = arith.constant 0 : index
    %get3A_3 = arith.constant 0 : index
    %get3A_4 = vector.load %arg3[%get3A_2, %get3A_3] : memref<3200x16xf32, #tpu.memory_space<vmem>>, vector<3200x16xf32>
    %add3A = arith.addf %get3A_1, %get3A_4 : vector<3200x16xf32>
    %get3A_5 = arith.constant 0 : index
    %get3A_6 = arith.constant 0 : index
    %get3A_7 = vector.load %arg2[%get3A_5, %get3A_6] : memref<3200x16xf32, #tpu.memory_space<vmem>>, vector<3200x16xf32>
    %get3A_8 = arith.constant 0 : index
    %get3A_9 = arith.constant 0 : index
    %get3A_10 = vector.load %arg4[%get3A_8, %get3A_9] : memref<3200x16xf32, #tpu.memory_space<vmem>>, vector<3200x16xf32>
    %add3A_11 = arith.addf %get3A_7, %get3A_10 : vector<3200x16xf32>
    %concatenate3A = tpu.concatenate %add3A, %add3A_11 in 1 : vector<3200x16xf32>, vector<3200x16xf32> -> vector<3200x32xf32>
    %get3A_12 = arith.constant 0 : index
    %get3A_13 = arith.constant 0 : index
    %get3A_14 = vector.load %arg5[%get3A_12, %get3A_13] : memref<3200x1xf32, #tpu.memory_space<vmem>>, vector<3200x1xf32>
    %mul3A = vector.broadcast %get3A_14 : vector<3200x1xf32> to vector<3200x32xf32>
    %mul3A_15 = arith.mulf %concatenate3A, %mul3A : vector<3200x32xf32>
    %get3A_16 = arith.constant 0 : index
    %get3A_17 = vector.load %arg6[%get3A_16] : memref<32xf32, #tpu.memory_space<vmem>>, vector<32xf32>
    %broadcast_in_dim3A = vector.shape_cast %get3A_17 : vector<32xf32> to vector<1x32xf32>
    %add3A_18 = vector.broadcast %broadcast_in_dim3A : vector<1x32xf32> to vector<3200x32xf32>
    %add3A_19 = arith.addf %mul3A_15, %add3A_18 : vector<3200x32xf32>
    %max3A = arith.constant 0.000000e+00 : f32
    %max3A_20 = vector.broadcast %max3A : f32 to vector<3200x32xf32>
    %max3A_21 = arith.maximumf %add3A_19, %max3A_20 : vector<3200x32xf32>
    %get3A_22 = arith.constant 0 : index
    %get3A_23 = arith.constant 0 : index
    %get3A_24 = vector.load %arg7[%get3A_22, %get3A_23] : memref<32x32xf32, #tpu.memory_space<vmem>>, vector<32x32xf32>
    %dot_general3A = arith.constant dense<0.000000e+00> : vector<3200x32xf32>
    %dot_general3A_25 = tpu.matmul %max3A_21, %get3A_24, %dot_general3A {dimension_numbers = #tpu.dot_dimension_numbers<[1], [0], [0], [1], [0, 0, 1, 1], [], []>, transpose_lhs_hint = false} : vector<3200x32xf32>, vector<32x32xf32>, vector<3200x32xf32> -> vector<3200x32xf32>
    %get3A_26 = arith.constant 0 : index
    %get3A_27 = vector.load %arg8[%get3A_26] : memref<32xf32, #tpu.memory_space<vmem>>, vector<32xf32>
    %broadcast_in_dim3A_28 = vector.shape_cast %get3A_27 : vector<32xf32> to vector<1x32xf32>
    %add3A_29 = vector.broadcast %broadcast_in_dim3A_28 : vector<1x32xf32> to vector<3200x32xf32>
    %add3A_30 = arith.addf %dot_general3A_25, %add3A_29 : vector<3200x32xf32>
    %max3A_31 = arith.constant 0.000000e+00 : f32
    %max3A_32 = vector.broadcast %max3A_31 : f32 to vector<3200x32xf32>
    %max3A_33 = arith.maximumf %add3A_30, %max3A_32 : vector<3200x32xf32>
    %swap3A = arith.constant 0 : index
    %swap3A_34 = arith.constant 0 : index
    %swap3A_35 = vector.load %arg9[%swap3A, %swap3A_34] : memref<3200x32xf32, #tpu.memory_space<vmem>>, vector<3200x32xf32>
    tpu.vector_store %arg9[%swap3A, %swap3A_34], %max3A_33 {strides = array<i32>} : memref<3200x32xf32, #tpu.memory_space<vmem>>, vector<3200x32xf32>,
    return
  }
  func.func @transform_0(%arg0: i32) -> (i32, i32) {
    %c0_i32 = arith.constant 0 : i32
    %c0_i32_0 = arith.constant 0 : i32
    return %arg0, %c0_i32 : i32, i32
  }
  func.func @transform_1(%arg0: i32) -> (i32, i32) {
    %c0_i32 = arith.constant 0 : i32
    %c0_i32_0 = arith.constant 0 : i32
    return %arg0, %c0_i32 : i32, i32
  }
  func.func @transform_2(%arg0: i32) -> (i32, i32) {
    %c0_i32 = arith.constant 0 : i32
    %c0_i32_0 = arith.constant 0 : i32
    return %arg0, %c0_i32 : i32, i32
  }
  func.func @transform_3(%arg0: i32) -> (i32, i32) {
    %c0_i32 = arith.constant 0 : i32
    %c0_i32_0 = arith.constant 0 : i32
    return %arg0, %c0_i32 : i32, i32
  }
  func.func @transform_4(%arg0: i32) -> (i32, i32) {
    %c0_i32 = arith.constant 0 : i32
    %c0_i32_0 = arith.constant 0 : i32
    return %arg0, %c0_i32 : i32, i32
  }
  func.func @transform_5(%arg0: i32) -> i32 {
    %c0_i32 = arith.constant 0 : i32
    %c0_i32_0 = arith.constant 0 : i32
    return %c0_i32 : i32
  }
  func.func @transform_6(%arg0: i32) -> (i32, i32) {
    %c0_i32 = arith.constant 0 : i32
    %c0_i32_0 = arith.constant 0 : i32
    %c0_i32_1 = arith.constant 0 : i32
    return %c0_i32, %c0_i32_0 : i32, i32
  }
  func.func @transform_7(%arg0: i32) -> i32 {
    %c0_i32 = arith.constant 0 : i32
    %c0_i32_0 = arith.constant 0 : i32
    return %c0_i32 : i32
  }
  func.func @transform_8(%arg0: i32) -> (i32, i32) {
    %c0_i32 = arith.constant 0 : i32
    %c0_i32_0 = arith.constant 0 : i32
    return %arg0, %c0_i32 : i32, i32
  }
}

</mosaic_0001>

<sc_bundles>
// kernel: kernel.11.cloned.1.call-start
scs
__scs_entry_jumppad:
0x0: {  	(pc) =	sbr.rel $0x88, $3  }
0x1: {  	(tag) =	ssettag $0x0;
	lr =	simm.s32 $0x1  }
0x2: {  	[smem:$0x3F99] =	sst lr;
	_ =	strace $0xD0000000  }
0x3: {  	_ = 	snop  }
0x4: {  	_ = 	snop  }
0x5: {  	_ = 	snop  }
0x6: {  	_ = 	snop  }
0x7: {  	_ = 	snop  }
__scs_overlays_trampoline_lowered:
0x8: {  	[smem:$0x3FA8] =	sst s0  }
0x9: {  	[smem:$0x3FA9] =	sst s1  }
0xa: {  	[smem:$0x3FAA] =	sst s2  }
0xb: {  	[smem:$0x3FAB] =	sst s3  }
0xc: {  	[smem:$0x3FAC] =	sst s4  }
0xd: {  	[smem:$0x3FAD] =	sst s5  }
0xe: {  	[smem:$0x3FAE] =	sst s6  }
0xf: {  	[smem:$0x3FAF] =	sst s7  }
0x10: {  	[smem:$0x3FB0] =	sst s8  }
0x11: {  	[smem:$0x3FB1] =	sst s9;
	s0 =	simm.s32 @!p0 $0x0  }
0x12: {  	s1 =	sld [smem:$0x3F97];
	s0 =	simm.s32 @p0 $0x1  }
0x13: {  	[smem:$0x3FB2] =	sst s0;
	s0 =	simm.s32 @!p1 $0x0  }
0x14: {  	s2 =	sld [smem:$0x3F96];
	s0 =	simm.s32 @p1 $0x1  }
0x15: {  	[smem:$0x3FB3] =	sst s0;
	s0 =	simm.s32 @!p2 $0x0  }
0x16: {  	s3 =	sld [smem:$0x3FDB];
	s0 =	simm.s32 @p2 $0x1  }
0x17: {  	s4 =	simm.s32 $0x1BF5;
	[smem:$0x3FB5] =	sst s0  }
0x18: {  	s0 =	sld [smem:$0x3F98];
	_ =	swait.ge [sflag:s4], $0x0  }
0x19: {  	s7 =	sld [smem:$0x3F99]  }
0x1a: {  	s8 =	sadd.s32 $0xFFFFE003, lr  }
0x1b: {  	s9 =	sadd.s32 $0xFFFFFEF7, lr;
	s5 =	simm.s32 $0xFFFFFFFF;
	p2 =	slt.u32 s8, $0xFFFFF086  }
0x1c: {  	p1 =	slt.u32 s9, $0xF7A;
	s5 =	simm.s32 @!p2 $0x0  }
0x1d: {  	s5 =	simm.s32 @p1 $0x1;
	p0 =	seq.s32 s7, s2  }
0x1e: {  	s7 =	smul.u32 @!p0 $0xF7A, s2;
	p2 =	seq.s32 @!p0 s5, $0x0  }
0x1f: {  	s9 =	smul.u32 $0xF7A, s1;
	s8 =	simm.s32 @!p0 $0x1BF5;
	p2 =	por !p2, p0  }
0x20: {  	[sflag:s8] =	ssyncset.s32 @!p0 $0xFFFFF086;
	s6 =	sadd.s32 @!p0 s3, s7;
	s7 =	simm.s32 @!p0 $0x108  }
0x21: {  	s3 =	sadd.s32 s3, s9;
	s6 =	sadd.s32 @!p0 $0x88, s6;
	s7 =	simm.s32 @p2 $0x1082  }
0x22: {  	[simem:s7], [sflag:s8] =	dma.local @!p0 [hbm:s6], $0xF7A  }
0x23: {  	s9 =	sor.u32 $0xD0000000, s2;
	s6 =	simm.s32 $0x108;
	_ =	swait.ge @!p0 [sflag:s8], $0x0  }
0x24: {  	s3 =	sadd.s32 $0x88, s3;
	s6 =	simm.s32 @!p1 $0x1082;
	[sflag:s4] =	ssyncset.s32 $0xFFFFF086  }
0x25: {  	[simem:s6], [sflag:s4] =	dma.local [hbm:s3], $0xF7A  }
0x26: {  	[smem:$0x3F99] =	sst s1;
	(tag) =	ssettag s2;
	_ =	strace s9  }
0x27: {  	s1 =	sld [smem:$0x3FA9]  }
0x28: {  	s2 =	sld [smem:$0x3FAA]  }
0x29: {  	s4 =	sld [smem:$0x3FAC]  }
0x2a: {  	p0 =	seq.s32 s5, $0x0;
	s5 =	sld [smem:$0x3FAD]  }
0x2b: {  	s6 =	sld [smem:$0x3FAE]  }
0x2c: {  	s7 =	sld [smem:$0x3FAF]  }
0x2d: {  	s3 =	simm.s32 $0x108;
	s8 =	sld [smem:$0x3FB0]  }
0x2e: {  	s3 =	simm.s32 @!p0 $0x1082;
	s9 =	sld [smem:$0x3FB1]  }
0x2f: {  	lr =	sadd.s32 s0, s3;
	s0 =	sld [smem:$0x3FA8]  }
0x30: {  	s3 =	sld [smem:$0x3FAB]  }
0x31: {  	[smem:$0x3FB4] =	sst s10  }
0x32: {  	s10 =	sld [smem:$0x3FB2];
	_ =	sdelay $0x3  }
0x33: {  	p0 =	seq.s32 s10, $0x1;
	s10 =	sld [smem:$0x3FB4];
	_ =	sdelay $0x3  }
0x34: {  	[smem:$0x3FB4] =	sst s10  }
0x35: {  	s10 =	sld [smem:$0x3FB3];
	_ =	sdelay $0x3  }
0x36: {  	p1 =	seq.s32 s10, $0x1;
	s10 =	sld [smem:$0x3FB4];
	_ =	sdelay $0x3  }
0x37: {  	[smem:$0x3FB4] =	sst s10  }
0x38: {  	s10 =	sld [smem:$0x3FB5]  }
0x39: {  	_ = 	snop;
	(pc) =	sbr.ind lr, $3  }
0x3a: {  	_ = 	snop  }
0x3b: {  	_ = 	snop  }
0x3c: {  	p2 =	seq.s32 s10, $0x1;
	s10 =	sld [smem:$0x3FB4]  }
0x3d: {  	_ =	shalt  }
0x3e: {  	_ =	shalt  }
0x3f: {  	_ =	shalt  }
0x40: {  	_ =	shalt  }
0x41: {  	_ =	shalt  }
0x42: {  	_ =	shalt  }
0x43: {  	_ =	shalt  }
0x44: {  	_ =	shalt  }
0x45: {  	_ =	shalt  }
0x46: {  	_ =	shalt  }
0x47: {  	_ =	shalt  }
0x48: {  	_ =	shalt  }
0x49: {  	_ =	shalt  }
0x4a: {  	_ =	shalt  }
0x4b: {  	_ =	shalt  }
0x4c: {  	_ =	shalt  }
0x4d: {  	_ =	shalt  }
0x4e: {  	_ =	shalt  }
0x4f: {  	_ =	shalt  }
0x50: {  	_ =	shalt  }
0x51: {  	_ =	shalt  }
0x52: {  	_ =	shalt  }
0x53: {  	_ =	shalt  }
0x54: {  	_ =	shalt  }
0x55: {  	_ =	shalt  }
0x56: {  	_ =	shalt  }
0x57: {  	_ =	shalt  }
0x58: {  	_ =	shalt  }
0x59: {  	_ =	shalt  }
0x5a: {  	_ =	shalt  }
0x5b: {  	_ =	shalt  }
0x5c: {  	_ =	shalt  }
0x5d: {  	_ =	shalt  }
0x5e: {  	_ =	shalt  }
0x5f: {  	_ =	shalt  }
0x60: {  	_ =	shalt  }
0x61: {  	_ =	shalt  }
0x62: {  	_ =	shalt  }
0x63: {  	_ =	shalt  }
0x64: {  	_ =	shalt  }
0x65: {  	_ =	shalt  }
0x66: {  	_ =	shalt  }
0x67: {  	_ =	shalt  }
0x68: {  	_ =	shalt  }
0x69: {  	_ =	shalt  }
0x6a: {  	_ =	shalt  }
0x6b: {  	_ =	shalt  }
0x6c: {  	_ =	shalt  }
0x6d: {  	_ =	shalt  }
0x6e: {  	_ =	shalt  }
0x6f: {  	_ =	shalt  }
0x70: {  	_ =	shalt  }
0x71: {  	_ =	shalt  }
0x72: {  	_ =	shalt  }
0x73: {  	_ =	shalt  }
0x74: {  	_ =	shalt  }
0x75: {  	_ =	shalt  }
0x76: {  	_ =	shalt  }
0x77: {  	_ =	shalt  }
0x78: {  	_ =	shalt  }
0x79: {  	_ =	shalt  }
0x7a: {  	_ =	shalt  }
0x7b: {  	_ =	shalt  }
0x7c: {  	_ =	shalt  }
0x7d: {  	_ =	shalt  }
0x7e: {  	_ =	shalt  }
0x7f: {  	_ =	shalt  }
0x80: {  	_ =	shalt  }
0x81: {  	_ =	shalt  }
0x82: {  	_ =	shalt  }
0x83: {  	_ =	shalt  }
0x84: {  	_ =	shalt  }
0x85: {  	_ =	shalt  }
0x86: {  	_ =	shalt  }
0x87: {  	_ =	shalt  }
.Lfunc_end0:
.L_simem_size_0:
called_computation.1_lowered:
.L_overlay_start_0:
0x88: {  	s2 =	sld [smem:$0x3FD9]  }
0x89: {  	s3 =	sld [smem:$0x3FFE];
	_ =	sdelay $0x1  }
0x8a: {  	s1 =	srdreg.scid  }
0x8b: {  	s0 =	sand.u32 $0x1, s1  }
0x8c: {  	s17 =	sshll.u32 s0, $0xA;
	s2 =	sadd.s32 s3, s2  }
0x8d: {  	s2 =	sadd.s32 s2, s17  }
0x8e: {  	[smem:$0x3FC0] =	sst s2  }
0x8f: {  	_ = 	snop  }
0x90: {  	s2 =	sld [smem:$0x3FD0];
	(tm) =	ssettm $0x1  }
0x91: {  	s18 =	sld [smem:$0x3FFB];
	_ =	sdelay $0x3  }
0x92: {  	_ =	strace s18  }
0x93: {  	s3 =	sld [smem:$0x3FFC];
	_ =	sdelay $0x3  }
0x94: {  	_ =	strace s3  }
0x95: {  	s3 =	sld [smem:$0x3FFD];
	_ =	sdelay $0x3  }
0x96: {  	_ =	strace s3  }
0x97: {  	_ =	strace $0x8FFFFFFF  }
0x98: {  	s19 =	sld [smem:$0x3FDB];
	_ =	sdelay $0x1  }
0x99: {  	s4 =	simm.s32 $_scs_section_size  }
0x9a: {  	s5 =	simm.s32 $_size__tile_overlayer_lowered;
	s6 =	simm.s32 $_tile_overlayer_lowered  }
0x9b: {  	s22 =	simm.s32 $0x1BFF;
	s21 =	sshll.u32 s6, $0x1;
	s3 =	sadd.s32 s4, s19  }
0x9c: {  	s7 =	simm.s32 $0x0;
	s20 =	sshll.u32 s5, $0x1;
	s5 =	sadd.s32 s21, s3  }
0x9d: {  	[timem:s7], [sflag:s22] =	dma.local [hbm:s5], s20  }
0x9e: {  	_ =	swait.ge [sflag:s22], s20  }
0x9f: {  	s4 =	ssub.s32 $0x0, s20;
	[sflag:s22] =	ssyncset.done $0x0  }
0xa0: {  	[sflag:s22] =	ssyncadd.s32 s4;
	_ =	sdelay $0x1  }
0xa1: {  	s23 =	simm.s32 $0x1B8B  }
0xa2: {  	_ =	swait.ge [sflag:s23], $0x1  }
0xa3: {  	[sflag:s23] =	ssyncset.done $0x0  }
0xa4: {  	s25 =	simm.s32 $0x1B8E;
	s24 =	sld [smem:$0x3FFE];
	[sflag:s23] =	ssyncadd.s32 $0xFFFFFFFF  }
0xa5: {  	s26 =	simm.s32 $execute0_lowered;
	[smem:$0x3FD2] =	sst s25  }
0xa6: {  	s5 =	sshll.u32 s26, $0x1;
	_ =	strace $0x8000004D;
	[dreg:$0x1] =	wrdreg $0xFFFFFFFF  }
0xa7: {  	s28 =	simm.s32 $_size_execute0_lowered;
	s3 =	sadd.s32 s3, s5;
	[dreg:$0x0] =	wrdreg $0x0  }
0xa8: {  	s5 =	sshll.u32 s28, $0x1;
	[dreg:$0x2] =	wrdreg s3  }
0xa9: {  	[dreg:$0x3] =	wrdreg s5  }
0xaa: {  	[dreg:$0x4] =	wrdreg $0xC0  }
0xab: {  	_ =	task [dreg:s7], $0x5FFFF  }
0xac: {  	[dreg:$0x1] =	wrdreg $0xFFFFFFFF  }
0xad: {  	[dreg:$0x0] =	wrdreg $0x60  }
0xae: {  	[dreg:$0x2] =	wrdreg s24  }
0xaf: {  	[dreg:$0x3] =	wrdreg s2  }
0xb0: {  	[dreg:$0x4] =	wrdreg $0x0  }
0xb1: {  	[dreg:$0x5] =	wrdreg $0x9  }
0xb2: {  	_ =	task.clear_ibuf [dreg:s7], $0x6FFFF;
	_ =	strace $0x9000004D  }
0xb3: {  	s29 =	simm.s32 $0x9;
	_ =	strace $0x80000055  }
0xb4: {  	_ =	swait.ge [sflag:s29], $0x1  }
0xb5: {  	[sflag:s29] =	ssyncadd.s32 $0xFFFFFFFF  }
0xb6: {  	_ =	strace $0x90000055  }
0xb7: {  	_ =	sfence  }
0xb8: {  	s30 =	sld [smem:$0x0];
	_ =	sdelay $0x2  }
0xb9: {  	s31 =	sshll.u32 s1, $0xD;
	s1 =	sshrl.u32 s1, $0x2  }
0xba: {  	s3 =	sand.u32 $0x4000, s31;
	s1 =	sadd.s32 s1, s30  }
0xbb: {  	s0 =	sor.u32 s3, s0;
	s1 =	sshll.u32 s1, $0x11  }
0xbc: {  	s0 =	sor.u32 s1, s0  }
0xbd: {  	s0 =	sadd.s32 $0x8F2B, s0  }
0xbe: {  	[sflag:s0] =	ssyncadd.remote.s32 $0x1  }
0xbf: {  	_ =	sfence.sel $0xFFFF  }
0xc0: {  	[dreg:$0x0] =	wrdreg $0xFFFFFFFF;
	(pc) =	sbr.abs _section_cstart, $3  }
0xc1: {  	[dreg:$0x1] =	wrdreg $0xFFFFFFFF  }
0xc2: {  	_ =	task.clear_ibuf [dreg:s7], $0x2FFFF;
	_ =	strace $0x9FFFFFFF  }
0xc3: {  	(tm) =	ssettm $0x7FFFFFFF  }
tec
execute0_lowered:
.L_overlay_start_1:
0x0: {  	(tag) =	ssettag $0x1  }
0x1: {  	s0 =	rddreg [dreg:$0x0]  }
0x2: {  	s11 =	rddreg [dreg:$0x1]  }
0x3: {  	s1 =	rddreg [dreg:$0x2];
	s2 =	simm.s32 $0x0;
	s8 =	srdreg.scid  }
0x4: {  	s4 =	stileid.u32;
	s16 =	simm.s32 $0x80;
	s17 =	simm.s32 $0xC800  }
0x5: {  	s18 =	simm.s32 $0x5;
	s19 =	simm.s32 $0x1;
	s20 =	simm.s32 $0x0  }
0x6: {  	[smem:$0x7FF] =	sst s2;
	s3 =	sadd.s32 $0x32A00, s0;
	s5 =	sadd.s32 $0x1C00, s0  }
0x7: {  	s6 =	sadd.s32 $0x63800, s0;
	s0 =	sadd.s32 $0x7C800, s0;
	s28 =	sand.u32 $0x1, s8  }
0x8: {  	s9 =	smul.u32 $0xC800, s4;
	_ =	strace $0x8000004E;
	s10 =	sshll.u32 s28, $0x4  }
0x9: {  	[dreg:$0x5] =	wrdreg s0;
	s0 =	smul.u32 $0xC8000, s28;
	s10 =	sor.u32 s4, s10  }
0xa: {  	s29 =	sshll.u32 s4, $0x6;
	s8 =	ssub.s32 $0x2, s28;
	s14 =	smul.u32 $0x187, s10  }
0xb: {  	s12 =	sshrl.u32 s8, $0x1;
	s13 =	sadd.s32 s9, s1;
	s10 =	smul.u32 $0x1870, s10  }
0xc: {  	s12 =	ssub.s32 s8, s12;
	s0 =	sadd.s32 s9, s0;
	s8 =	sor.u32 $0x1C01, s29  }
0xd: {  	s13 =	sshrl.u32 s13, $0x3;
	[dreg:$0x4] =	wrdreg s14;
	s30 =	sadd.s32 s3, s10  }
0xe: {  	s0 =	sshrl.u32 s0, $0x3;
	s31 =	sadd.s32 s5, s10;
	[dreg:$0x6] =	wrdreg s30  }
0xf: {  	s12 =	smax.u32 s12, $0x1;
	s11 =	sadd.s32 s11, s0;
	[dreg:$0x7] =	wrdreg s31  }
.LBB2_1:
0x10: {  	s0 =	rddreg [dreg:$0x5]  }
0x11: {  	[spmem:s13], [sflag:s8] =	dma.local [hbm:s0], $0x1900  }
0x12: {  	_ =	swait.ge [sflag:s19], $0x1900  }
0x13: {  	[sflag:s19] =	ssyncset.done $0x0  }
0x14: {  	[sflag:s19] =	ssyncadd.s32 $0xFFFFE700  }
0x15: {  	[bflag:$0x0] =	sbarrier.arrive $0xFFFF  }
0x16: {  	_ =	strace $0x8000004F  }
0x17: {  	s4 =	simm.s32 $0xCC00;
	s10 =	simm.s32 $0xCD00;
	s7 =	rddreg [dreg:$0x6]  }
0x18: {  	[tilespmem:s4], [sflag:$0x1] =	stream.linear.gather [hbm4b:s7+s2], $0x80, $0x200038;
	[tilespmem:$0xCE00] =	vst v63  }
0x19: {  	s22 =	simm.s32 $0x1;
	p0 =	por $0x0, $0x0;
	s9 =	rddreg [dreg:$0x7]  }
0x1a: {  	[tilespmem:s10], [sflag:$0x3] =	stream.linear.gather [hbm4b:s9+s2], $0x80, $0x200038;
	[tilespmem:$0xCE00] =	vst v63  }
0x1b: {  	s22 =	simm.s32 @p0 $0x0;
	_ =	strace $0x9000004F  }
0x1c: {  	p0 =	seq.s32 s22, $0x0;
	s0 =	rddreg [dreg:$0x4]  }
0x1d: {  	s0 =	sadd.s32 @!p0 s0, s22  }
0x1e: {  	s21 =	sand.u32 @!p0 $0x1, s19;
	s28 =	simm.s32 @!p0 $0x0;
	s0 =	sshll.u32 @!p0 s0, $0x4  }
0x1f: {  	s23 =	sshll.u32 @!p0 s21, $0x7;
	s24 =	sadd.s32 @!p0 $0x1, s21;
	s0 =	sand.u32 @!p0 $0x1FFFFFF0, s0  }
0x20: {  	s25 =	sor.u32 @!p0 $0xCC00, s23;
	_ =	strace @!p0 $0x80000050;
	s26 =	sadd.s32 @!p0 s3, s0  }
0x21: {  	[tilespmem:s25], [sflag:s24] =	stream.linear.gather @!p0 [hbm4b:s26+s28], $0x80, $0x200038;
	[tilespmem:$0xCE00] =	vst v63  }
0x22: {  	s21 =	sadd.s32 @!p0 $0x3, s21;
	_ =	strace @!p0 $0x90000050  }
0x23: {  	s23 =	sor.u32 @!p0 $0xCD00, s23;
	s0 =	sadd.s32 @!p0 s5, s0;
	_ =	strace @!p0 $0x80000051  }
0x24: {  	[tilespmem:s23], [sflag:s21] =	stream.linear.gather @!p0 [hbm4b:s0+s28], $0x80, $0x200038;
	[tilespmem:$0xCE00] =	vst v63  }
0x25: {  	s14 =	sand.u32 $0x1, s2;
	_ =	strace @!p0 $0x90000051  }
0x26: {  	s15 =	sadd.s32 $0x1, s14;
	_ =	strace $0x80000052  }
0x27: {  	_ =	swait.ge [sflag:s15], $0x80  }
0x28: {  	[sflag:s15] =	ssyncset.done $0x0  }
0x29: {  	[sflag:s15] =	ssyncadd.s32 $0xFFFFFF80  }
0x2a: {  	_ =	strace $0x90000052  }
0x2b: {  	s0 =	sadd.s32 $0x3, s14;
	_ =	strace $0x80000053  }
0x2c: {  	p1 =	sne.s32 s22, $0x0;
	_ =	swait.ge [sflag:s0], $0x80  }
0x2d: {  	s30 =	smov.u32 s22;
	s23 =	simm.s32 $0x0;
	[sflag:s0] =	ssyncset.done $0x0  }
0x2e: {  	s28 =	simm.s32 $0x184;
	s21 =	simm.s32 $0x1;
	[sflag:s0] =	ssyncadd.s32 $0xFFFFFF80  }
0x2f: {  	s24 =	sand.u32 $0x80, s23;
	s21 =	simm.s32 @!p1 $0x0;
	_ =	strace $0x90000053  }
0x30: {  	s25 =	sor.u32 $0xCC00, s24;
	s21 =	sadd.s32 $0x0, s21;
	_ =	strace $0x80000054  }
0x31: {  	[tilespmem:s17], [sflag:$0x5] =	stream.indirect.gather [hbm4b:s6+s16], $0x8, s25, s16, $0x2000b8;
	[tilespmem:$0xCE00] =	vst v63  }
0x32: {  	s23 =	sor.u32 $0xCD00, s24;
	s26 =	sshll.u32 s21, $0x7;
	_ =	swait.ge [sflag:s18], $0x400  }
0x33: {  	s31 =	sand.u32 $0x1, s21;
	s24 =	sand.u32 $0x80, s26;
	[sflag:s18] =	ssyncset.done $0x0  }
0x34: {  	s26 =	smov.u32 s31;
	s25 =	simm.s32 @!p0 $0x1;
	[sflag:s18] =	ssyncadd.s32 $0xFFFFFC00  }
0x35: {  	[spmem:s1] =	stream.indirect.scatter.add.f32 [tilespmem:s17], [sflag:$0x5], $0x8, s23, s16, $0x2000b8;
	[tilespmem:$0xCE00] =	vst v63  }
0x36: {  	s0 =	simm.s32 @!p0 $0x2;
	s25 =	simm.s32 @p0 $0x0;
	_ =	swait.ge [sflag:s18], $0x400  }
0x37: {  	s0 =	smov.u32 @p0 s19;
	s29 =	sadd.s32 $0x1, s25;
	[sflag:s18] =	ssyncset.done $0x0  }
0x38: {  	s25 =	smov.u32 s24;
	s23 =	smov.u32 s21;
	[sflag:s18] =	ssyncadd.s32 $0xFFFFFC00  }
.LBB2_2:
0x39: {  	s22 =	sadd.s32 $0x1, s22  }
0x3a: {  	_ =	strace $0x90000054;
	p1 =	seq.s32 s22, $0x187  }
0x3b: {  	s4 =	smov.u32 s0;
	s0 =	rddreg [dreg:$0x4];
	s22 =	simm.s32 @p1 $0x0  }
0x3c: {  	p1 =	seq.s32 s30, s22;
	p2 =	sne.s32 s30, s22;
	s30 =	sadd.s32 $0x1, s31  }
0x3d: {  	s0 =	sadd.s32 @!p1 s0, s22;
	s31 =	sand.u32 @!p1 $0x1, s4;
	s14 =	sand.u32 @!p1 $0x1, s29  }
0x3e: {  	_ =	strace @!p1 $0x80000050;
	s10 =	simm.s32 @!p1 $0x0;
	s0 =	sshll.u32 @!p1 s0, $0x4  }
0x3f: {  	s15 =	sshll.u32 @!p1 s31, $0x7;
	s31 =	sadd.s32 @!p1 $0x1, s31;
	s0 =	sand.u32 @!p1 $0x1FFFFFF0, s0  }
0x40: {  	s7 =	sshll.u32 @!p1 s14, $0x7;
	s15 =	sor.u32 @!p1 $0xCC00, s15;
	s9 =	sadd.s32 @!p1 s3, s0  }
0x41: {  	[tilespmem:s15], [sflag:s31] =	stream.linear.gather @!p1 [hbm4b:s9+s10], $0x80, $0x200038;
	[tilespmem:$0xCE00] =	vst v63  }
0x42: {  	s7 =	sor.u32 @!p1 $0xCD00, s7;
	_ =	strace @!p1 $0x90000050  }
0x43: {  	s0 =	sadd.s32 @!p1 s5, s0;
	s9 =	sadd.s32 @!p1 $0x3, s14;
	_ =	strace @!p1 $0x80000051  }
0x44: {  	[tilespmem:s7], [sflag:s9] =	stream.linear.gather @!p1 [hbm4b:s0+s10], $0x80, $0x200038;
	[tilespmem:$0xCE00] =	vst v63  }
0x45: {  	_ =	strace @!p1 $0x90000051  }
0x46: {  	_ =	strace $0x80000052  }
0x47: {  	_ =	swait.ge [sflag:s30], $0x80  }
0x48: {  	[sflag:s30] =	ssyncset.done $0x0  }
0x49: {  	s14 =	simm.s32 @!p1 $0x1;
	[sflag:s30] =	ssyncadd.s32 $0xFFFFFF80  }
0x4a: {  	s14 =	simm.s32 @p1 $0x0;
	_ =	strace $0x90000052  }
0x4b: {  	s29 =	sadd.s32 s29, s14;
	s14 =	sadd.s32 $0x3, s26;
	_ =	strace $0x80000053  }
0x4c: {  	s7 =	simm.s32 $0x1;
	_ =	swait.ge [sflag:s14], $0x80  }
0x4d: {  	s28 =	sadd.s32 $0xFFFFFFFF, s28;
	s7 =	simm.s32 @!p2 $0x0;
	[sflag:s14] =	ssyncset.done $0x0  }
0x4e: {  	s25 =	sor.u32 $0xCD00, s25;
	s21 =	sadd.s32 s7, s21;
	[sflag:s14] =	ssyncadd.s32 $0xFFFFFF80  }
0x4f: {  	p0 =	sne.s32 s28, $0x0;
	s15 =	sand.u32 $0x1, s21;
	_ =	strace $0x90000053  }
0x50: {  	s26 =	smov.u32 s15;
	s15 =	sor.u32 $0xCC00, s24;
	_ =	strace $0x80000054  }
0x51: {  	[tilespmem:s17], [sflag:$0x5] =	stream.indirect.gather [hbm4b:s6+s16], $0x8, s15, s16, $0x2000b8;
	[tilespmem:$0xCE00] =	vst v63  }
0x52: {  	s0 =	sadd.s32 @!p1 $0x1, s4;
	s23 =	sadd.s32 s7, s23;
	_ =	swait.ge [sflag:s18], $0x400  }
0x53: {  	s0 =	smov.u32 @p1 s4;
	s31 =	sand.u32 $0x1, s23;
	[sflag:s18] =	ssyncset.done $0x0  }
.Ltmp0:
0x54: {  	s7 =	sshll.u32 s23, $0x7;
	[sflag:s18] =	ssyncadd.s32 $0xFFFFFC00;
	(pc) =	sbr.rel @p0 .LBB2_2-.Ltmp0, $4  }
0x55: {  	[spmem:s1] =	stream.indirect.scatter.add.f32 [tilespmem:s17], [sflag:$0x5], $0x8, s25, s16, $0x2000b8;
	[tilespmem:$0xCE00] =	vst v63  }
0x56: {  	s10 =	sshll.u32 s21, $0x7;
	s7 =	sand.u32 $0x80, s7;
	_ =	swait.ge [sflag:s18], $0x400  }
0x57: {  	s9 =	sand.u32 $0x80, s10;
	s30 =	smov.u32 s22;
	[sflag:s18] =	ssyncset.done $0x0  }
0x58: {  	s24 =	smov.u32 s7;
	s25 =	smov.u32 s9;
	[sflag:s18] =	ssyncadd.s32 $0xFFFFFC00  }
0x59: {  	s4 =	sadd.s32 $0x1, s22  }
0x5a: {  	p0 =	seq.s32 s4, $0x187  }
0x5b: {  	_ =	strace $0x90000054;
	s4 =	simm.s32 @p0 $0x0  }
0x5c: {  	s7 =	rddreg [dreg:$0x4];
	p0 =	seq.s32 s30, s4  }
0x5d: {  	s7 =	sadd.s32 @!p0 s7, s4  }
0x5e: {  	s0 =	sand.u32 @!p0 $0x1, s0;
	_ =	strace @!p0 $0x80000050;
	s7 =	sshll.u32 @!p0 s7, $0x4  }
0x5f: {  	s14 =	simm.s32 @!p0 $0x0;
	s9 =	sshll.u32 @!p0 s0, $0x7;
	s7 =	sand.u32 @!p0 $0x1FFFFFF0, s7  }
0x60: {  	s0 =	sadd.s32 @!p0 $0x1, s0;
	s9 =	sor.u32 @!p0 $0xCC00, s9;
	s10 =	sadd.s32 @!p0 s3, s7  }
0x61: {  	[tilespmem:s9], [sflag:s0] =	stream.linear.gather @!p0 [hbm4b:s10+s14], $0x80, $0x200038;
	[tilespmem:$0xCE00] =	vst v63  }
0x62: {  	s0 =	sand.u32 @!p0 $0x1, s29  }
0x63: {  	s7 =	sadd.s32 @!p0 s5, s7;
	s9 =	sshll.u32 @!p0 s0, $0x7;
	_ =	strace @!p0 $0x90000050  }
0x64: {  	s0 =	sadd.s32 @!p0 $0x3, s0;
	s9 =	sor.u32 @!p0 $0xCD00, s9;
	_ =	strace @!p0 $0x80000051  }
0x65: {  	[tilespmem:s9], [sflag:s0] =	stream.linear.gather @!p0 [hbm4b:s7+s14], $0x80, $0x200038;
	[tilespmem:$0xCE00] =	vst v63  }
0x66: {  	_ =	strace @!p0 $0x90000051  }
0x67: {  	s15 =	sadd.s32 $0x1, s31;
	_ =	strace $0x80000052  }
0x68: {  	_ =	swait.ge [sflag:s15], $0x80  }
0x69: {  	[sflag:s15] =	ssyncset.done $0x0  }
0x6a: {  	[sflag:s15] =	ssyncadd.s32 $0xFFFFFF80  }
0x6b: {  	_ =	strace $0x90000052  }
0x6c: {  	s22 =	sadd.s32 $0x3, s26;
	_ =	strace $0x80000053  }
0x6d: {  	_ =	swait.ge [sflag:s22], $0x80  }
0x6e: {  	[sflag:s22] =	ssyncset.done $0x0  }
0x6f: {  	[sflag:s22] =	ssyncadd.s32 $0xFFFFFF80  }
0x70: {  	_ =	strace $0x90000053  }
0x71: {  	s26 =	sor.u32 $0xCC00, s24;
	_ =	strace $0x80000054  }
0x72: {  	[tilespmem:s17], [sflag:$0x5] =	stream.indirect.gather [hbm4b:s6+s16], $0x8, s26, s16, $0x2000b8;
	[tilespmem:$0xCE00] =	vst v63  }
0x73: {  	_ =	swait.ge [sflag:s18], $0x400  }
0x74: {  	[sflag:s18] =	ssyncset.done $0x0  }
0x75: {  	s28 =	sor.u32 $0xCD00, s25;
	[sflag:s18] =	ssyncadd.s32 $0xFFFFFC00  }
0x76: {  	[spmem:s1] =	stream.indirect.scatter.add.f32 [tilespmem:s17], [sflag:$0x5], $0x8, s28, s16, $0x2000b8;
	[tilespmem:$0xCE00] =	vst v63  }
0x77: {  	s0 =	simm.s32 $0x1;
	p0 =	sne.s32 s30, s4;
	_ =	swait.ge [sflag:s18], $0x400  }
0x78: {  	s0 =	simm.s32 @!p0 $0x0;
	[sflag:s18] =	ssyncset.done $0x0  }
0x79: {  	s29 =	sadd.s32 s0, s23;
	[sflag:s18] =	ssyncadd.s32 $0xFFFFFC00  }
0x7a: {  	s30 =	sand.u32 $0x1, s29;
	_ =	strace $0x90000054  }
0x7b: {  	s7 =	sadd.s32 $0x1, s30;
	_ =	strace $0x80000052  }
0x7c: {  	_ =	swait.ge [sflag:s7], $0x80  }
0x7d: {  	[sflag:s7] =	ssyncset.done $0x0  }
0x7e: {  	s0 =	sadd.s32 s0, s21;
	[sflag:s7] =	ssyncadd.s32 $0xFFFFFF80  }
0x7f: {  	s31 =	sand.u32 $0x1, s0;
	_ =	strace $0x90000052  }
0x80: {  	s7 =	sadd.s32 $0x3, s31;
	_ =	strace $0x80000053  }
0x81: {  	_ =	swait.ge [sflag:s7], $0x80  }
0x82: {  	[sflag:s7] =	ssyncset.done $0x0  }
0x83: {  	s4 =	sshll.u32 s29, $0x7;
	[sflag:s7] =	ssyncadd.s32 $0xFFFFFF80  }
0x84: {  	s4 =	sand.u32 $0x80, s4;
	_ =	strace $0x90000053  }
0x85: {  	s4 =	sor.u32 $0xCC00, s4;
	_ =	strace $0x80000054  }
0x86: {  	[tilespmem:s17], [sflag:$0x5] =	stream.indirect.gather [hbm4b:s6+s16], $0x8, s4, s16, $0x2000b8;
	[tilespmem:$0xCE00] =	vst v63  }
0x87: {  	s0 =	sshll.u32 s0, $0x7;
	_ =	swait.ge [sflag:s18], $0x400  }
0x88: {  	s0 =	sand.u32 $0x80, s0;
	[sflag:s18] =	ssyncset.done $0x0  }
0x89: {  	s0 =	sor.u32 $0xCD00, s0;
	[sflag:s18] =	ssyncadd.s32 $0xFFFFFC00  }
0x8a: {  	[spmem:s1] =	stream.indirect.scatter.add.f32 [tilespmem:s17], [sflag:$0x5], $0x8, s0, s16, $0x2000b8;
	[tilespmem:$0xCE00] =	vst v63  }
0x8b: {  	_ =	swait.ge [sflag:s18], $0x400  }
0x8c: {  	[sflag:s18] =	ssyncset.done $0x0  }
0x8d: {  	s20 =	sadd.s32 $0x1, s20;
	[sflag:s18] =	ssyncadd.s32 $0xFFFFFC00  }
0x8e: {  	p0 =	sne.s32 s20, s12;
	_ =	strace $0x90000054  }
.Ltmp1:
0x8f: {  	[bflag:$0x0] =	sbarrier.arrive $0xFFFF;
	(pc) =	sbr.rel @p0 .LBB2_1-.Ltmp1, $4  }
0x90: {  	[hbm:s11], [sflag:s8] =	dma.local [spmem:s13], $0x1900  }
0x91: {  	_ =	swait.ge [sflag:s19], $0x1900  }
0x92: {  	[sflag:s19] =	ssyncset.done $0x0  }
0x93: {  	[sflag:s19] =	ssyncadd.s32 $0xFFFFE700  }
0x94: {  	_ =	sfence.sel $0x180000  }
0x95: {  	[bflag:$0x0] =	sbarrier.arrive $0xFFFF  }
0x96: {  	_ =	strace $0x9000004E  }
0x97: {  	s0 =	stileid.u32;
	[bflag:$0x2] =	sbarrier.arrive $0xFFFF  }
0x98: {  	p0 =	sne.s32 s0, $0x0;
	s0 =	rddreg [dreg:$0x3]  }
0x99: {  	s0 =	sadd.s32 @!p0 $0x100000, s0  }
0x9a: {  	[sflag:s0] =	ssyncadd.tile.s32 @!p0 $0x1;
	_ =	shalt  }
.Lfunc_end2:
_tile_overlayer_lowered:
.L_overlay_start_2:
0x9b: {  	(tag) =	ssettag $0x2  }
0x9c: {  	s0 =	rddreg [dreg:$0x0];
	s2 =	stileid.u32  }
0x9d: {  	s1 =	rddreg [dreg:$0x1];
	p0 =	sne.s32 s2, $0x0  }
0x9e: {  	s3 =	rddreg [dreg:$0x2];
	[bflag:$0x3] =	sbarrier.arrive $0xFFFF;
	s2 =	simm.s32 @!p0 $0x1C01  }
0x9f: {  	[timem:s3], [sflag:s2] =	dma.local @!p0 [hbm:s0], s1  }
0xa0: {  	s0 =	simm.s32 @!p0 $0x1  }
0xa1: {  	_ =	swait.ge @!p0 [sflag:s0], s1  }
0xa2: {  	s1 =	ssub.s32 @!p0 $0x0, s1;
	[sflag:s0] =	ssyncset.done @!p0 $0x0  }
0xa3: {  	[sflag:s0] =	ssyncadd.s32 @!p0 s1  }
0xa4: {  	[bflag:$0x3] =	sbarrier.arrive $0xFFFF  }
0xa5: {  	_ =	shalt  }

// kernel: kernel.14.cloned.1.call-start
scs
__scs_entry_jumppad:
0x0: {  	(pc) =	sbr.rel $0x88, $3  }
0x1: {  	(tag) =	ssettag $0x0;
	lr =	simm.s32 $0x1  }
0x2: {  	[smem:$0x3F99] =	sst lr;
	_ =	strace $0xD0000000  }
0x3: {  	_ = 	snop  }
0x4: {  	_ = 	snop  }
0x5: {  	_ = 	snop  }
0x6: {  	_ = 	snop  }
0x7: {  	_ = 	snop  }
__scs_overlays_trampoline_lowered:
0x8: {  	[smem:$0x3FA8] =	sst s0  }
0x9: {  	[smem:$0x3FA9] =	sst s1  }
0xa: {  	[smem:$0x3FAA] =	sst s2  }
0xb: {  	[smem:$0x3FAB] =	sst s3  }
0xc: {  	[smem:$0x3FAC] =	sst s4  }
0xd: {  	[smem:$0x3FAD] =	sst s5  }
0xe: {  	[smem:$0x3FAE] =	sst s6  }
0xf: {  	[smem:$0x3FAF] =	sst s7  }
0x10: {  	[smem:$0x3FB0] =	sst s8  }
0x11: {  	[smem:$0x3FB1] =	sst s9;
	s0 =	simm.s32 @!p0 $0x0  }
0x12: {  	s1 =	sld [smem:$0x3F97];
	s0 =	simm.s32 @p0 $0x1  }
0x13: {  	[smem:$0x3FB2] =	sst s0;
	s0 =	simm.s32 @!p1 $0x0  }
0x14: {  	s2 =	sld [smem:$0x3F96];
	s0 =	simm.s32 @p1 $0x1  }
0x15: {  	[smem:$0x3FB3] =	sst s0;
	s0 =	simm.s32 @!p2 $0x0  }
0x16: {  	s3 =	sld [smem:$0x3FDB];
	s0 =	simm.s32 @p2 $0x1  }
0x17: {  	s4 =	simm.s32 $0x1BF5;
	[smem:$0x3FB5] =	sst s0  }
0x18: {  	s0 =	sld [smem:$0x3F98];
	_ =	swait.ge [sflag:s4], $0x0  }
0x19: {  	s7 =	sld [smem:$0x3F99]  }
0x1a: {  	s8 =	sadd.s32 $0xFFFFE003, lr  }
0x1b: {  	s9 =	sadd.s32 $0xFFFFFEF7, lr;
	s5 =	simm.s32 $0xFFFFFFFF;
	p2 =	slt.u32 s8, $0xFFFFF086  }
0x1c: {  	p1 =	slt.u32 s9, $0xF7A;
	s5 =	simm.s32 @!p2 $0x0  }
0x1d: {  	s5 =	simm.s32 @p1 $0x1;
	p0 =	seq.s32 s7, s2  }
0x1e: {  	s7 =	smul.u32 @!p0 $0xF7A, s2;
	p2 =	seq.s32 @!p0 s5, $0x0  }
0x1f: {  	s9 =	smul.u32 $0xF7A, s1;
	s8 =	simm.s32 @!p0 $0x1BF5;
	p2 =	por !p2, p0  }
0x20: {  	[sflag:s8] =	ssyncset.s32 @!p0 $0xFFFFF086;
	s6 =	sadd.s32 @!p0 s3, s7;
	s7 =	simm.s32 @!p0 $0x108  }
0x21: {  	s3 =	sadd.s32 s3, s9;
	s6 =	sadd.s32 @!p0 $0x88, s6;
	s7 =	simm.s32 @p2 $0x1082  }
0x22: {  	[simem:s7], [sflag:s8] =	dma.local @!p0 [hbm:s6], $0xF7A  }
0x23: {  	s9 =	sor.u32 $0xD0000000, s2;
	s6 =	simm.s32 $0x108;
	_ =	swait.ge @!p0 [sflag:s8], $0x0  }
0x24: {  	s3 =	sadd.s32 $0x88, s3;
	s6 =	simm.s32 @!p1 $0x1082;
	[sflag:s4] =	ssyncset.s32 $0xFFFFF086  }
0x25: {  	[simem:s6], [sflag:s4] =	dma.local [hbm:s3], $0xF7A  }
0x26: {  	[smem:$0x3F99] =	sst s1;
	(tag) =	ssettag s2;
	_ =	strace s9  }
0x27: {  	s1 =	sld [smem:$0x3FA9]  }
0x28: {  	s2 =	sld [smem:$0x3FAA]  }
0x29: {  	s4 =	sld [smem:$0x3FAC]  }
0x2a: {  	p0 =	seq.s32 s5, $0x0;
	s5 =	sld [smem:$0x3FAD]  }
0x2b: {  	s6 =	sld [smem:$0x3FAE]  }
0x2c: {  	s7 =	sld [smem:$0x3FAF]  }
0x2d: {  	s3 =	simm.s32 $0x108;
	s8 =	sld [smem:$0x3FB0]  }
0x2e: {  	s3 =	simm.s32 @!p0 $0x1082;
	s9 =	sld [smem:$0x3FB1]  }
0x2f: {  	lr =	sadd.s32 s0, s3;
	s0 =	sld [smem:$0x3FA8]  }
0x30: {  	s3 =	sld [smem:$0x3FAB]  }
0x31: {  	[smem:$0x3FB4] =	sst s10  }
0x32: {  	s10 =	sld [smem:$0x3FB2];
	_ =	sdelay $0x3  }
0x33: {  	p0 =	seq.s32 s10, $0x1;
	s10 =	sld [smem:$0x3FB4];
	_ =	sdelay $0x3  }
0x34: {  	[smem:$0x3FB4] =	sst s10  }
0x35: {  	s10 =	sld [smem:$0x3FB3];
	_ =	sdelay $0x3  }
0x36: {  	p1 =	seq.s32 s10, $0x1;
	s10 =	sld [smem:$0x3FB4];
	_ =	sdelay $0x3  }
0x37: {  	[smem:$0x3FB4] =	sst s10  }
0x38: {  	s10 =	sld [smem:$0x3FB5]  }
0x39: {  	_ = 	snop;
	(pc) =	sbr.ind lr, $3  }
0x3a: {  	_ = 	snop  }
0x3b: {  	_ = 	snop  }
0x3c: {  	p2 =	seq.s32 s10, $0x1;
	s10 =	sld [smem:$0x3FB4]  }
0x3d: {  	_ =	shalt  }
0x3e: {  	_ =	shalt  }
0x3f: {  	_ =	shalt  }
0x40: {  	_ =	shalt  }
0x41: {  	_ =	shalt  }
0x42: {  	_ =	shalt  }
0x43: {  	_ =	shalt  }
0x44: {  	_ =	shalt  }
0x45: {  	_ =	shalt  }
0x46: {  	_ =	shalt  }
0x47: {  	_ =	shalt  }
0x48: {  	_ =	shalt  }
0x49: {  	_ =	shalt  }
0x4a: {  	_ =	shalt  }
0x4b: {  	_ =	shalt  }
0x4c: {  	_ =	shalt  }
0x4d: {  	_ =	shalt  }
0x4e: {  	_ =	shalt  }
0x4f: {  	_ =	shalt  }
0x50: {  	_ =	shalt  }
0x51: {  	_ =	shalt  }
0x52: {  	_ =	shalt  }
0x53: {  	_ =	shalt  }
0x54: {  	_ =	shalt  }
0x55: {  	_ =	shalt  }
0x56: {  	_ =	shalt  }
0x57: {  	_ =	shalt  }
0x58: {  	_ =	shalt  }
0x59: {  	_ =	shalt  }
0x5a: {  	_ =	shalt  }
0x5b: {  	_ =	shalt  }
0x5c: {  	_ =	shalt  }
0x5d: {  	_ =	shalt  }
0x5e: {  	_ =	shalt  }
0x5f: {  	_ =	shalt  }
0x60: {  	_ =	shalt  }
0x61: {  	_ =	shalt  }
0x62: {  	_ =	shalt  }
0x63: {  	_ =	shalt  }
0x64: {  	_ =	shalt  }
0x65: {  	_ =	shalt  }
0x66: {  	_ =	shalt  }
0x67: {  	_ =	shalt  }
0x68: {  	_ =	shalt  }
0x69: {  	_ =	shalt  }
0x6a: {  	_ =	shalt  }
0x6b: {  	_ =	shalt  }
0x6c: {  	_ =	shalt  }
0x6d: {  	_ =	shalt  }
0x6e: {  	_ =	shalt  }
0x6f: {  	_ =	shalt  }
0x70: {  	_ =	shalt  }
0x71: {  	_ =	shalt  }
0x72: {  	_ =	shalt  }
0x73: {  	_ =	shalt  }
0x74: {  	_ =	shalt  }
0x75: {  	_ =	shalt  }
0x76: {  	_ =	shalt  }
0x77: {  	_ =	shalt  }
0x78: {  	_ =	shalt  }
0x79: {  	_ =	shalt  }
0x7a: {  	_ =	shalt  }
0x7b: {  	_ =	shalt  }
0x7c: {  	_ =	shalt  }
0x7d: {  	_ =	shalt  }
0x7e: {  	_ =	shalt  }
0x7f: {  	_ =	shalt  }
0x80: {  	_ =	shalt  }
0x81: {  	_ =	shalt  }
0x82: {  	_ =	shalt  }
0x83: {  	_ =	shalt  }
0x84: {  	_ =	shalt  }
0x85: {  	_ =	shalt  }
0x86: {  	_ =	shalt  }
0x87: {  	_ =	shalt  }
.Lfunc_end0:
.L_simem_size_0:
called_computation.2_lowered:
.L_overlay_start_0:
0x88: {  	s2 =	sld [smem:$0x3FD9]  }
0x89: {  	s3 =	sld [smem:$0x3FFE];
	_ =	sdelay $0x1  }
0x8a: {  	s1 =	srdreg.scid  }
0x8b: {  	s0 =	sand.u32 $0x1, s1  }
0x8c: {  	s17 =	sshll.u32 s0, $0xA;
	s2 =	sadd.s32 s3, s2  }
0x8d: {  	s2 =	sadd.s32 s2, s17  }
0x8e: {  	[smem:$0x3FC0] =	sst s2  }
0x8f: {  	_ = 	snop  }
0x90: {  	s2 =	sld [smem:$0x3FD0];
	(tm) =	ssettm $0x1  }
0x91: {  	s18 =	sld [smem:$0x3FFB];
	_ =	sdelay $0x3  }
0x92: {  	_ =	strace s18  }
0x93: {  	s3 =	sld [smem:$0x3FFC];
	_ =	sdelay $0x3  }
0x94: {  	_ =	strace s3  }
0x95: {  	s3 =	sld [smem:$0x3FFD];
	_ =	sdelay $0x3  }
0x96: {  	_ =	strace s3  }
0x97: {  	_ =	strace $0x8FFFFFFF  }
0x98: {  	s19 =	sld [smem:$0x3FDB];
	_ =	sdelay $0x1  }
0x99: {  	s4 =	simm.s32 $_scs_section_size  }
0x9a: {  	s5 =	simm.s32 $_size__tile_overlayer_lowered;
	s6 =	simm.s32 $_tile_overlayer_lowered  }
0x9b: {  	s22 =	simm.s32 $0x1BFF;
	s21 =	sshll.u32 s6, $0x1;
	s3 =	sadd.s32 s4, s19  }
0x9c: {  	s7 =	simm.s32 $0x0;
	s20 =	sshll.u32 s5, $0x1;
	s5 =	sadd.s32 s21, s3  }
0x9d: {  	[timem:s7], [sflag:s22] =	dma.local [hbm:s5], s20  }
0x9e: {  	_ =	swait.ge [sflag:s22], s20  }
0x9f: {  	s4 =	ssub.s32 $0x0, s20;
	[sflag:s22] =	ssyncset.done $0x0  }
0xa0: {  	[sflag:s22] =	ssyncadd.s32 s4;
	_ =	sdelay $0x1  }
0xa1: {  	s23 =	simm.s32 $0x1B8B  }
0xa2: {  	_ =	swait.ge [sflag:s23], $0x1  }
0xa3: {  	[sflag:s23] =	ssyncset.done $0x0  }
0xa4: {  	s25 =	simm.s32 $0x1B8E;
	s24 =	sld [smem:$0x3FFE];
	[sflag:s23] =	ssyncadd.s32 $0xFFFFFFFF  }
0xa5: {  	s26 =	simm.s32 $execute0_lowered;
	[smem:$0x3FD2] =	sst s25  }
0xa6: {  	s5 =	sshll.u32 s26, $0x1;
	_ =	strace $0x80000056;
	[dreg:$0x1] =	wrdreg $0xFFFFFFFF  }
0xa7: {  	s28 =	simm.s32 $_size_execute0_lowered;
	s3 =	sadd.s32 s3, s5;
	[dreg:$0x0] =	wrdreg $0x0  }
0xa8: {  	s5 =	sshll.u32 s28, $0x1;
	[dreg:$0x2] =	wrdreg s3  }
0xa9: {  	[dreg:$0x3] =	wrdreg s5  }
0xaa: {  	[dreg:$0x4] =	wrdreg $0xC0  }
0xab: {  	_ =	task [dreg:s7], $0x5FFFF  }
0xac: {  	[dreg:$0x1] =	wrdreg $0xFFFFFFFF  }
0xad: {  	[dreg:$0x0] =	wrdreg $0x60  }
0xae: {  	[dreg:$0x2] =	wrdreg s24  }
0xaf: {  	[dreg:$0x3] =	wrdreg s2  }
0xb0: {  	[dreg:$0x4] =	wrdreg $0x0  }
0xb1: {  	[dreg:$0x5] =	wrdreg $0x9  }
0xb2: {  	_ =	task.clear_ibuf [dreg:s7], $0x6FFFF;
	_ =	strace $0x90000056  }
0xb3: {  	s29 =	simm.s32 $0x9;
	_ =	strace $0x8000005E  }
0xb4: {  	_ =	swait.ge [sflag:s29], $0x1  }
0xb5: {  	[sflag:s29] =	ssyncadd.s32 $0xFFFFFFFF  }
0xb6: {  	_ =	strace $0x9000005E  }
0xb7: {  	_ =	sfence  }
0xb8: {  	s30 =	sld [smem:$0x0];
	_ =	sdelay $0x2  }
0xb9: {  	s31 =	sshll.u32 s1, $0xD;
	s1 =	sshrl.u32 s1, $0x2  }
0xba: {  	s3 =	sand.u32 $0x4000, s31;
	s1 =	sadd.s32 s1, s30  }
0xbb: {  	s0 =	sor.u32 s3, s0;
	s1 =	sshll.u32 s1, $0x11  }
0xbc: {  	s0 =	sor.u32 s1, s0  }
0xbd: {  	s0 =	sadd.s32 $0x8F2B, s0  }
0xbe: {  	[sflag:s0] =	ssyncadd.remote.s32 $0x1  }
0xbf: {  	_ =	sfence.sel $0xFFFF  }
0xc0: {  	[dreg:$0x0] =	wrdreg $0xFFFFFFFF;
	(pc) =	sbr.abs _section_cstart, $3  }
0xc1: {  	[dreg:$0x1] =	wrdreg $0xFFFFFFFF  }
0xc2: {  	_ =	task.clear_ibuf [dreg:s7], $0x2FFFF;
	_ =	strace $0x9FFFFFFF  }
0xc3: {  	(tm) =	ssettm $0x7FFFFFFF  }
tec
execute0_lowered:
.L_overlay_start_1:
0x0: {  	(tag) =	ssettag $0x1  }
0x1: {  	s0 =	rddreg [dreg:$0x0]  }
0x2: {  	s3 =	rddreg [dreg:$0x2];
	s1 =	srdreg.scid  }
0x3: {  	s10 =	stileid.u32;
	s4 =	simm.s32 $0x0;
	s31 =	simm.s32 $0x19800  }
0x4: {  	s15 =	simm.s32 $0x80;
	s16 =	simm.s32 $0x19000;
	s17 =	simm.s32 $0x5  }
0x5: {  	s18 =	simm.s32 $0x1;
	s19 =	simm.s32 $0x0;
	s2 =	smul.u32 $0x19000, s10  }
0x6: {  	s1 =	sand.u32 $0x1, s1;
	[smem:$0x7FF] =	sst s4;
	s9 =	smul.u32 $0x30E, s10  }
0x7: {  	s5 =	sadd.s32 $0x32A00, s0;
	s28 =	sshll.u32 s10, $0x6;
	s10 =	smul.u32 $0x30E0, s10  }
0x8: {  	s6 =	sadd.s32 $0x1C00, s0;
	s8 =	sadd.s32 $0x383800, s0;
	s7 =	smul.u32 $0x190000, s1  }
0x9: {  	_ =	strace $0x80000057;
	[dreg:$0x5] =	wrdreg s8;
	s25 =	ssub.s32 $0x2, s1  }
0xa: {  	s1 =	smul.u32 $0x19000, s1;
	[dreg:$0x6] =	wrdreg s31;
	s26 =	sshrl.u32 s25, $0x1  }
0xb: {  	[dreg:$0x4] =	wrdreg s9;
	s29 =	sadd.s32 s5, s10;
	s7 =	sadd.s32 s2, s7  }
0xc: {  	s30 =	sadd.s32 s6, s10;
	s11 =	ssub.s32 s25, s26;
	s7 =	sshrl.u32 s7, $0x3  }
0xd: {  	s2 =	sadd.s32 s2, s3;
	[dreg:$0x7] =	wrdreg s29;
	s0 =	sadd.s32 s7, s0  }
0xe: {  	[dreg:$0x8] =	wrdreg s30;
	s11 =	smax.u32 s11, $0x1;
	s0 =	sadd.s32 $0x3E7800, s0  }
0xf: {  	v0 =	vmov s1;
	s12 =	sshrl.u32 s2, $0x3;
	s7 =	sor.u32 $0x1C01, s28;
	[dreg:$0x9] =	wrdreg s0  }
.LBB2_1:
0x10: {  	s0 =	rddreg [dreg:$0x1]  }
0x11: {  	[spmem:s12], [sflag:s7] =	dma.local [hbm:s0], $0x3200  }
0x12: {  	_ =	swait.ge [sflag:s18], $0x3200  }
0x13: {  	[sflag:s18] =	ssyncset.done $0x0  }
0x14: {  	[sflag:s18] =	ssyncadd.s32 $0xFFFFCE00  }
0x15: {  	[bflag:$0x0] =	sbarrier.arrive $0xFFFF  }
0x16: {  	s1 =	simm.s32 $0x19880;
	s8 =	simm.s32 $0x19980;
	_ =	strace $0x80000058  }
0x17: {  	s23 =	simm.s32 $0x1;
	p0 =	por $0x0, $0x0;
	s26 =	rddreg [dreg:$0x7]  }
0x18: {  	[tilespmem:s1], [sflag:$0x1] =	stream.linear.gather [hbm4b:s26+s4], $0x80, $0x200038;
	[tilespmem:$0x19A80] =	vst v63  }
0x19: {  	s23 =	simm.s32 @p0 $0x0;
	p0 =	por $0x0, $0x0;
	s2 =	rddreg [dreg:$0x8]  }
0x1a: {  	[tilespmem:s8], [sflag:$0x3] =	stream.linear.gather [hbm4b:s2+s4], $0x80, $0x200038;
	[tilespmem:$0x19A80] =	vst v63  }
0x1b: {  	p2 =	seq.s32 @!p0 s23, $0x0;
	_ =	strace $0x90000058  }
0x1c: {  	p1 =	por p2, p0;
	s0 =	rddreg [dreg:$0x4]  }
0x1d: {  	s0 =	sadd.s32 @!p1 s0, s23  }
0x1e: {  	s24 =	simm.s32 @!p1 $0x0;
	s1 =	sand.u32 @!p1 $0x1, s18;
	s0 =	sshll.u32 @!p1 s0, $0x4  }
0x1f: {  	s20 =	sadd.s32 @!p1 $0x1, s1;
	s2 =	sshll.u32 @!p1 s1, $0x7;
	s0 =	sand.u32 @!p1 $0x1FFFFFF0, s0  }
0x20: {  	s21 =	sadd.s32 @!p1 $0x19880, s2;
	_ =	strace @!p1 $0x80000059;
	s22 =	sadd.s32 @!p1 s5, s0  }
0x21: {  	[tilespmem:s21], [sflag:s20] =	stream.linear.gather @!p1 [hbm4b:s22+s24], $0x80, $0x200038;
	[tilespmem:$0x19A80] =	vst v63  }
0x22: {  	s1 =	sadd.s32 @!p1 $0x3, s1;
	_ =	strace @!p1 $0x90000059  }
0x23: {  	s2 =	sadd.s32 @!p1 $0x19980, s2;
	s0 =	sadd.s32 @!p1 s6, s0;
	_ =	strace @!p1 $0x8000005A  }
0x24: {  	[tilespmem:s2], [sflag:s1] =	stream.linear.gather @!p1 [hbm4b:s0+s24], $0x80, $0x200038;
	[tilespmem:$0x19A80] =	vst v63  }
0x25: {  	s9 =	sand.u32 $0x1, s4;
	_ =	strace @!p1 $0x9000005A  }
0x26: {  	s10 =	sadd.s32 $0x1, s9;
	_ =	strace $0x8000005B  }
0x27: {  	_ =	swait.ge [sflag:s10], $0x80  }
0x28: {  	[sflag:s10] =	ssyncset.done $0x0  }
0x29: {  	[sflag:s10] =	ssyncadd.s32 $0xFFFFFF80  }
0x2a: {  	_ =	strace $0x9000005B  }
0x2b: {  	s0 =	sadd.s32 $0x3, s9;
	_ =	strace $0x8000005C  }
0x2c: {  	_ =	swait.ge [sflag:s0], $0x80  }
0x2d: {  	[sflag:s0] =	ssyncset.done $0x0  }
0x2e: {  	[sflag:s0] =	ssyncadd.s32 $0xFFFFFF80  }
0x2f: {  	s13 =	simm.s32 $0x0;
	_ =	strace $0x9000005C  }
0x30: {  	s14 =	sand.u32 $0x80, s13;
	_ =	strace $0x8000005D  }
0x31: {  	v1 =	vld [tilespmem:s14+$0x19880];
	_ =	sdelay $0x4  }
0x32: {  	v1 =	vadd.s32 v0, v1  }
0x33: {  	[tilespmem:$0x19800] =	vst v1  }
0x34: {  	v1 =	vld [tilespmem:s14+$0x19890];
	_ =	sdelay $0x4  }
0x35: {  	v1 =	vadd.s32 v0, v1  }
0x36: {  	[tilespmem:$0x19810] =	vst v1  }
0x37: {  	v1 =	vld [tilespmem:s14+$0x198A0];
	_ =	sdelay $0x4  }
0x38: {  	v1 =	vadd.s32 v0, v1  }
0x39: {  	[tilespmem:$0x19820] =	vst v1  }
0x3a: {  	v1 =	vld [tilespmem:s14+$0x198B0];
	_ =	sdelay $0x4  }
0x3b: {  	v1 =	vadd.s32 v0, v1  }
0x3c: {  	[tilespmem:$0x19830] =	vst v1  }
0x3d: {  	v1 =	vld [tilespmem:s14+$0x198C0];
	_ =	sdelay $0x4  }
0x3e: {  	v1 =	vadd.s32 v0, v1  }
0x3f: {  	[tilespmem:$0x19840] =	vst v1  }
0x40: {  	v1 =	vld [tilespmem:s14+$0x198D0];
	_ =	sdelay $0x4  }
0x41: {  	v1 =	vadd.s32 v0, v1  }
0x42: {  	[tilespmem:$0x19850] =	vst v1  }
0x43: {  	v1 =	vld [tilespmem:s14+$0x198E0];
	_ =	sdelay $0x4  }
0x44: {  	v1 =	vadd.s32 v0, v1  }
0x45: {  	[tilespmem:$0x19860] =	vst v1  }
0x46: {  	v1 =	vld [tilespmem:s14+$0x198F0];
	_ =	sdelay $0x1  }
0x47: {  	p2 =	por !p2, p0;
	s21 =	simm.s32 @!p1 $0x2;
	s22 =	simm.s32 $0x1  }
0x48: {  	s25 =	simm.s32 $0x30C;
	s22 =	smov.u32 @p2 s21  }
0x49: {  	p3 =	sne.s32 s23, $0x0;
	s29 =	sadd.s32 $0x1, s23;
	s22 =	smov.u32 @p0 s18  }
0x4a: {  	s1 =	sand.u32 $0x80, s13;
	s24 =	simm.s32 $0x0;
	s20 =	rddreg [dreg:$0x6];
	v1 =	vadd.s32 v0, v1  }
0x4b: {  	s2 =	simm.s32 $0x1;
	p1 =	por p0, p3;
	s26 =	rddreg [dreg:$0x5];
	[tilespmem:$0x19870] =	vst v1  }
0x4c: {  	[tilespmem:s16], [sflag:$0x5] =	stream.indirect.gather [hbm4b:s26+s15], $0x10, s20, s15, $0x2000b8;
	[tilespmem:$0x19A80] =	vst v63  }
0x4d: {  	s24 =	simm.s32 @p2 $0x1;
	s2 =	simm.s32 @!p1 $0x0;
	_ =	swait.ge [sflag:s17], $0x800  }
0x4e: {  	s1 =	sadd.s32 $0x19980, s1;
	s28 =	sadd.s32 $0x0, s2;
	[sflag:s17] =	ssyncset.done $0x0  }
0x4f: {  	s24 =	simm.s32 @p0 $0x0;
	s31 =	sand.u32 $0x1, s28;
	[sflag:s17] =	ssyncadd.s32 $0xFFFFF800  }
0x50: {  	[spmem:s3] =	stream.indirect.scatter.add.f32 [tilespmem:s16], [sflag:$0x5], $0x10, s1, s15, $0x2000b8;
	[tilespmem:$0x19A80] =	vst v63  }
0x51: {  	s21 =	sshll.u32 s28, $0x7;
	s30 =	smov.u32 s28;
	_ =	swait.ge [sflag:s17], $0x800  }
0x52: {  	s0 =	simm.s32 $0x30D;
	s26 =	sadd.s32 $0x1, s24;
	[sflag:s17] =	ssyncset.done $0x0  }
0x53: {  	s24 =	sand.u32 $0x1, s28;
	s20 =	sand.u32 $0x80, s21;
	[sflag:s17] =	ssyncadd.s32 $0xFFFFF800  }
.LBB2_2:
0x54: {  	p0 =	seq.s32 s29, $0x30E  }
0x55: {  	s29 =	simm.s32 @p0 $0x0;
	p0 =	seq.s32 s0, $0x1  }
0x56: {  	_ =	strace $0x9000005D;
	p1 =	seq.s32 @!p0 s23, s29  }
0x57: {  	s0 =	rddreg [dreg:$0x4];
	p4 =	sne.s32 s23, s29;
	p3 =	por p1, p0  }
0x58: {  	s23 =	sadd.s32 $0x1, s31;
	s0 =	sadd.s32 @!p3 s0, s29;
	s31 =	sand.u32 @!p3 $0x1, s22  }
0x59: {  	s13 =	sand.u32 @!p3 $0x1, s26;
	_ =	strace @!p3 $0x80000059;
	s0 =	sshll.u32 @!p3 s0, $0x4  }
0x5a: {  	s10 =	simm.s32 @!p3 $0x0;
	s14 =	sshll.u32 @!p3 s31, $0x7;
	s0 =	sand.u32 @!p3 $0x1FFFFFF0, s0  }
0x5b: {  	s31 =	sadd.s32 @!p3 $0x1, s31;
	s14 =	sadd.s32 @!p3 $0x19880, s14;
	s9 =	sadd.s32 @!p3 s5, s0  }
0x5c: {  	[tilespmem:s14], [sflag:s31] =	stream.linear.gather @!p3 [hbm4b:s9+s10], $0x80, $0x200038;
	[tilespmem:$0x19A80] =	vst v63  }
0x5d: {  	s8 =	sshll.u32 @!p3 s13, $0x7;
	s13 =	sadd.s32 @!p3 $0x3, s13;
	_ =	strace @!p3 $0x90000059  }
0x5e: {  	s8 =	sadd.s32 @!p3 $0x19980, s8;
	s0 =	sadd.s32 @!p3 s6, s0;
	_ =	strace @!p3 $0x8000005A  }
0x5f: {  	[tilespmem:s8], [sflag:s13] =	stream.linear.gather @!p3 [hbm4b:s0+s10], $0x80, $0x200038;
	[tilespmem:$0x19A80] =	vst v63  }
0x60: {  	_ =	strace @!p3 $0x9000005A  }
0x61: {  	_ =	strace $0x8000005B  }
0x62: {  	_ =	swait.ge [sflag:s23], $0x80  }
0x63: {  	[sflag:s23] =	ssyncset.done $0x0  }
0x64: {  	p2 =	por !p1, p0;
	s0 =	simm.s32 $0x0;
	[sflag:s23] =	ssyncadd.s32 $0xFFFFFF80  }
0x65: {  	p1 =	por p0, p4;
	s0 =	simm.s32 @p2 $0x1;
	_ =	strace $0x9000005B  }
0x66: {  	s14 =	sadd.s32 $0x3, s24;
	s0 =	simm.s32 @p0 $0x0;
	_ =	strace $0x8000005C  }
0x67: {  	s26 =	sadd.s32 s26, s0;
	s0 =	simm.s32 $0x1;
	_ =	swait.ge [sflag:s14], $0x80  }
0x68: {  	s0 =	simm.s32 @!p1 $0x0;
	[sflag:s14] =	ssyncset.done $0x0  }
0x69: {  	s30 =	sadd.s32 s0, s30;
	[sflag:s14] =	ssyncadd.s32 $0xFFFFFF80  }
0x6a: {  	s10 =	sand.u32 $0x1, s30;
	_ =	strace $0x9000005C  }
0x6b: {  	s24 =	smov.u32 s10;
	s10 =	sand.u32 $0x80, s21;
	_ =	strace $0x8000005D  }
0x6c: {  	v1 =	vld [tilespmem:s10+$0x19880];
	_ =	sdelay $0x4  }
0x6d: {  	v1 =	vadd.s32 v0, v1  }
0x6e: {  	[tilespmem:$0x19800] =	vst v1  }
0x6f: {  	v1 =	vld [tilespmem:s10+$0x19890];
	_ =	sdelay $0x4  }
0x70: {  	v1 =	vadd.s32 v0, v1  }
0x71: {  	[tilespmem:$0x19810] =	vst v1  }
0x72: {  	v1 =	vld [tilespmem:s10+$0x198A0];
	_ =	sdelay $0x4  }
0x73: {  	v1 =	vadd.s32 v0, v1  }
0x74: {  	[tilespmem:$0x19820] =	vst v1  }
0x75: {  	v1 =	vld [tilespmem:s10+$0x198B0];
	_ =	sdelay $0x4  }
0x76: {  	v1 =	vadd.s32 v0, v1  }
0x77: {  	[tilespmem:$0x19830] =	vst v1  }
0x78: {  	v1 =	vld [tilespmem:s10+$0x198C0];
	_ =	sdelay $0x4  }
0x79: {  	v1 =	vadd.s32 v0, v1  }
0x7a: {  	[tilespmem:$0x19840] =	vst v1  }
0x7b: {  	v1 =	vld [tilespmem:s10+$0x198D0];
	_ =	sdelay $0x4  }
0x7c: {  	v1 =	vadd.s32 v0, v1  }
0x7d: {  	[tilespmem:$0x19850] =	vst v1  }
0x7e: {  	v1 =	vld [tilespmem:s10+$0x198E0];
	_ =	sdelay $0x4  }
0x7f: {  	v1 =	vadd.s32 v0, v1  }
0x80: {  	[tilespmem:$0x19860] =	vst v1  }
0x81: {  	v1 =	vld [tilespmem:s10+$0x198F0];
	_ =	sdelay $0x2  }
0x82: {  	s28 =	sadd.s32 s0, s28  }
0x83: {  	s1 =	smov.u32 s22;
	s13 =	sshll.u32 s28, $0x7  }
0x84: {  	s2 =	smov.u32 s25;
	s21 =	smov.u32 s13;
	s13 =	rddreg [dreg:$0x6];
	v1 =	vadd.s32 v0, v1  }
0x85: {  	s25 =	sadd.s32 $0xFFFFFFFF, s25;
	s9 =	sadd.s32 @!p3 $0x1, s22;
	s14 =	rddreg [dreg:$0x5];
	[tilespmem:$0x19870] =	vst v1  }
0x86: {  	[tilespmem:s16], [sflag:$0x5] =	stream.indirect.gather [hbm4b:s14+s15], $0x10, s13, s15, $0x2000b8;
	[tilespmem:$0x19A80] =	vst v63  }
0x87: {  	s20 =	sadd.s32 $0x19980, s20;
	s22 =	smov.u32 @p2 s9;
	_ =	swait.ge [sflag:s17], $0x800  }
0x88: {  	s22 =	smov.u32 @p0 s1;
	p0 =	sne.s32 s25, $0x0;
	[sflag:s17] =	ssyncset.done $0x0  }
.Ltmp0:
0x89: {  	s23 =	smov.u32 s29;
	[sflag:s17] =	ssyncadd.s32 $0xFFFFF800;
	(pc) =	sbr.rel @p0 .LBB2_2-.Ltmp0, $4  }
0x8a: {  	[spmem:s3] =	stream.indirect.scatter.add.f32 [tilespmem:s16], [sflag:$0x5], $0x10, s20, s15, $0x2000b8;
	[tilespmem:$0x19A80] =	vst v63  }
0x8b: {  	s29 =	sadd.s32 $0x1, s29;
	s0 =	sshll.u32 s30, $0x7;
	_ =	swait.ge [sflag:s17], $0x800  }
0x8c: {  	s31 =	sand.u32 $0x1, s28;
	s1 =	sand.u32 $0x80, s0;
	[sflag:s17] =	ssyncset.done $0x0  }
0x8d: {  	s0 =	smov.u32 s2;
	s20 =	smov.u32 s1;
	[sflag:s17] =	ssyncadd.s32 $0xFFFFF800  }
0x8e: {  	p0 =	seq.s32 s29, $0x30E  }
0x8f: {  	s29 =	simm.s32 @p0 $0x0;
	p0 =	seq.s32 s0, $0x1  }
0x90: {  	_ =	strace $0x9000005D;
	p1 =	seq.s32 @!p0 s23, s29  }
0x91: {  	s0 =	rddreg [dreg:$0x4];
	p0 =	por p1, p0  }
0x92: {  	s0 =	sadd.s32 @!p0 s0, s29;
	s1 =	sand.u32 @!p0 $0x1, s22  }
0x93: {  	s2 =	sand.u32 @!p0 $0x1, s26;
	_ =	strace @!p0 $0x80000059;
	s0 =	sshll.u32 @!p0 s0, $0x4  }
0x94: {  	s13 =	simm.s32 @!p0 $0x0;
	s8 =	sshll.u32 @!p0 s1, $0x7;
	s0 =	sand.u32 @!p0 $0x1FFFFFF0, s0  }
0x95: {  	s1 =	sadd.s32 @!p0 $0x1, s1;
	s8 =	sadd.s32 @!p0 $0x19880, s8;
	s10 =	sadd.s32 @!p0 s5, s0  }
0x96: {  	[tilespmem:s8], [sflag:s1] =	stream.linear.gather @!p0 [hbm4b:s10+s13], $0x80, $0x200038;
	[tilespmem:$0x19A80] =	vst v63  }
0x97: {  	s9 =	sshll.u32 @!p0 s2, $0x7;
	s2 =	sadd.s32 @!p0 $0x3, s2;
	_ =	strace @!p0 $0x90000059  }
0x98: {  	s0 =	sadd.s32 @!p0 s6, s0;
	s1 =	sadd.s32 @!p0 $0x19980, s9;
	_ =	strace @!p0 $0x8000005A  }
0x99: {  	[tilespmem:s1], [sflag:s2] =	stream.linear.gather @!p0 [hbm4b:s0+s13], $0x80, $0x200038;
	[tilespmem:$0x19A80] =	vst v63  }
0x9a: {  	_ =	strace @!p0 $0x9000005A  }
0x9b: {  	s23 =	sadd.s32 $0x1, s31;
	_ =	strace $0x8000005B  }
0x9c: {  	_ =	swait.ge [sflag:s23], $0x80  }
0x9d: {  	[sflag:s23] =	ssyncset.done $0x0  }
0x9e: {  	[sflag:s23] =	ssyncadd.s32 $0xFFFFFF80  }
0x9f: {  	_ =	strace $0x9000005B  }
0xa0: {  	s25 =	sadd.s32 $0x3, s24;
	_ =	strace $0x8000005C  }
0xa1: {  	_ =	swait.ge [sflag:s25], $0x80  }
0xa2: {  	[sflag:s25] =	ssyncset.done $0x0  }
0xa3: {  	[sflag:s25] =	ssyncadd.s32 $0xFFFFFF80  }
0xa4: {  	_ =	strace $0x9000005C  }
0xa5: {  	s26 =	sand.u32 $0x80, s21;
	_ =	strace $0x8000005D  }
0xa6: {  	v1 =	vld [tilespmem:s26+$0x19880];
	_ =	sdelay $0x4  }
0xa7: {  	v1 =	vadd.s32 v0, v1  }
0xa8: {  	[tilespmem:$0x19800] =	vst v1  }
0xa9: {  	v1 =	vld [tilespmem:s26+$0x19890];
	_ =	sdelay $0x4  }
0xaa: {  	v1 =	vadd.s32 v0, v1  }
0xab: {  	[tilespmem:$0x19810] =	vst v1  }
0xac: {  	v1 =	vld [tilespmem:s26+$0x198A0];
	_ =	sdelay $0x4  }
0xad: {  	v1 =	vadd.s32 v0, v1  }
0xae: {  	[tilespmem:$0x19820] =	vst v1  }
0xaf: {  	v1 =	vld [tilespmem:s26+$0x198B0];
	_ =	sdelay $0x4  }
0xb0: {  	v1 =	vadd.s32 v0, v1  }
0xb1: {  	[tilespmem:$0x19830] =	vst v1  }
0xb2: {  	v1 =	vld [tilespmem:s26+$0x198C0];
	_ =	sdelay $0x4  }
0xb3: {  	v1 =	vadd.s32 v0, v1  }
0xb4: {  	[tilespmem:$0x19840] =	vst v1  }
0xb5: {  	v1 =	vld [tilespmem:s26+$0x198D0];
	_ =	sdelay $0x4  }
0xb6: {  	v1 =	vadd.s32 v0, v1  }
0xb7: {  	[tilespmem:$0x19850] =	vst v1  }
0xb8: {  	v1 =	vld [tilespmem:s26+$0x198E0];
	_ =	sdelay $0x4  }
0xb9: {  	v1 =	vadd.s32 v0, v1  }
0xba: {  	[tilespmem:$0x19860] =	vst v1  }
0xbb: {  	v1 =	vld [tilespmem:s26+$0x198F0];
	_ =	sdelay $0x4  }
0xbc: {  	s28 =	rddreg [dreg:$0x6];
	v1 =	vadd.s32 v0, v1  }
0xbd: {  	s29 =	rddreg [dreg:$0x5];
	[tilespmem:$0x19870] =	vst v1  }
0xbe: {  	[tilespmem:s16], [sflag:$0x5] =	stream.indirect.gather [hbm4b:s29+s15], $0x10, s28, s15, $0x2000b8;
	[tilespmem:$0x19A80] =	vst v63  }
0xbf: {  	_ =	swait.ge [sflag:s17], $0x800  }
0xc0: {  	[sflag:s17] =	ssyncset.done $0x0  }
0xc1: {  	s30 =	sadd.s32 $0x19980, s20;
	[sflag:s17] =	ssyncadd.s32 $0xFFFFF800  }
0xc2: {  	[spmem:s3] =	stream.indirect.scatter.add.f32 [tilespmem:s16], [sflag:$0x5], $0x10, s30, s15, $0x2000b8;
	[tilespmem:$0x19A80] =	vst v63  }
0xc3: {  	_ =	swait.ge [sflag:s17], $0x800  }
0xc4: {  	[sflag:s17] =	ssyncset.done $0x0  }
0xc5: {  	[sflag:s17] =	ssyncadd.s32 $0xFFFFF800  }
0xc6: {  	s19 =	sadd.s32 $0x1, s19;
	_ =	strace $0x9000005D  }
0xc7: {  	p0 =	sne.s32 s19, s11;
	[bflag:$0x0] =	sbarrier.arrive $0xFFFF  }
.Ltmp1:
0xc8: {  	s31 =	rddreg [dreg:$0x9];
	(pc) =	sbr.rel @p0 .LBB2_1-.Ltmp1, $4  }
0xc9: {  	[hbm:s31], [sflag:s7] =	dma.local [spmem:s12], $0x3200  }
0xca: {  	_ =	swait.ge [sflag:s18], $0x3200  }
0xcb: {  	[sflag:s18] =	ssyncset.done $0x0  }
0xcc: {  	[sflag:s18] =	ssyncadd.s32 $0xFFFFCE00  }
0xcd: {  	_ =	sfence.sel $0x180000  }
0xce: {  	[bflag:$0x0] =	sbarrier.arrive $0xFFFF  }
0xcf: {  	_ =	strace $0x90000057  }
0xd0: {  	s0 =	stileid.u32;
	[bflag:$0x2] =	sbarrier.arrive $0xFFFF  }
0xd1: {  	p0 =	sne.s32 s0, $0x0;
	s0 =	rddreg [dreg:$0x3]  }
0xd2: {  	s0 =	sadd.s32 @!p0 $0x100000, s0  }
0xd3: {  	[sflag:s0] =	ssyncadd.tile.s32 @!p0 $0x1;
	_ =	shalt  }
.Lfunc_end2:
_tile_overlayer_lowered:
.L_overlay_start_2:
0xd4: {  	(tag) =	ssettag $0x2  }
0xd5: {  	s0 =	rddreg [dreg:$0x0];
	s2 =	stileid.u32  }
0xd6: {  	s1 =	rddreg [dreg:$0x1];
	p0 =	sne.s32 s2, $0x0  }
0xd7: {  	s3 =	rddreg [dreg:$0x2];
	[bflag:$0x3] =	sbarrier.arrive $0xFFFF;
	s2 =	simm.s32 @!p0 $0x1C01  }
0xd8: {  	[timem:s3], [sflag:s2] =	dma.local @!p0 [hbm:s0], s1  }
0xd9: {  	s0 =	simm.s32 @!p0 $0x1  }
0xda: {  	_ =	swait.ge @!p0 [sflag:s0], s1  }
0xdb: {  	s1 =	ssub.s32 @!p0 $0x0, s1;
	[sflag:s0] =	ssyncset.done @!p0 $0x0  }
0xdc: {  	[sflag:s0] =	ssyncadd.s32 @!p0 s1  }
0xdd: {  	[bflag:$0x3] =	sbarrier.arrive $0xFFFF  }
0xde: {  	_ =	shalt  }

// kernel: kernel.8.cloned.1.call-start
scs
__scs_entry_jumppad:
0x0: {  	(pc) =	sbr.rel $0x88, $3  }
0x1: {  	(tag) =	ssettag $0x0;
	lr =	simm.s32 $0x1  }
0x2: {  	[smem:$0x3F99] =	sst lr;
	_ =	strace $0xD0000000  }
0x3: {  	_ = 	snop  }
0x4: {  	_ = 	snop  }
0x5: {  	_ = 	snop  }
0x6: {  	_ = 	snop  }
0x7: {  	_ = 	snop  }
__scs_overlays_trampoline_lowered:
0x8: {  	[smem:$0x3FA8] =	sst s0  }
0x9: {  	[smem:$0x3FA9] =	sst s1  }
0xa: {  	[smem:$0x3FAA] =	sst s2  }
0xb: {  	[smem:$0x3FAB] =	sst s3  }
0xc: {  	[smem:$0x3FAC] =	sst s4  }
0xd: {  	[smem:$0x3FAD] =	sst s5  }
0xe: {  	[smem:$0x3FAE] =	sst s6  }
0xf: {  	[smem:$0x3FAF] =	sst s7  }
0x10: {  	[smem:$0x3FB0] =	sst s8  }
0x11: {  	[smem:$0x3FB1] =	sst s9;
	s0 =	simm.s32 @!p0 $0x0  }
0x12: {  	s1 =	sld [smem:$0x3F97];
	s0 =	simm.s32 @p0 $0x1  }
0x13: {  	[smem:$0x3FB2] =	sst s0;
	s0 =	simm.s32 @!p1 $0x0  }
0x14: {  	s2 =	sld [smem:$0x3F96];
	s0 =	simm.s32 @p1 $0x1  }
0x15: {  	[smem:$0x3FB3] =	sst s0;
	s0 =	simm.s32 @!p2 $0x0  }
0x16: {  	s3 =	sld [smem:$0x3FDB];
	s0 =	simm.s32 @p2 $0x1  }
0x17: {  	s4 =	simm.s32 $0x1BF5;
	[smem:$0x3FB5] =	sst s0  }
0x18: {  	s0 =	sld [smem:$0x3F98];
	_ =	swait.ge [sflag:s4], $0x0  }
0x19: {  	s7 =	sld [smem:$0x3F99]  }
0x1a: {  	s8 =	sadd.s32 $0xFFFFE003, lr  }
0x1b: {  	s9 =	sadd.s32 $0xFFFFFEF7, lr;
	s5 =	simm.s32 $0xFFFFFFFF;
	p2 =	slt.u32 s8, $0xFFFFF086  }
0x1c: {  	p1 =	slt.u32 s9, $0xF7A;
	s5 =	simm.s32 @!p2 $0x0  }
0x1d: {  	s5 =	simm.s32 @p1 $0x1;
	p0 =	seq.s32 s7, s2  }
0x1e: {  	s7 =	smul.u32 @!p0 $0xF7A, s2;
	p2 =	seq.s32 @!p0 s5, $0x0  }
0x1f: {  	s9 =	smul.u32 $0xF7A, s1;
	s8 =	simm.s32 @!p0 $0x1BF5;
	p2 =	por !p2, p0  }
0x20: {  	[sflag:s8] =	ssyncset.s32 @!p0 $0xFFFFF086;
	s6 =	sadd.s32 @!p0 s3, s7;
	s7 =	simm.s32 @!p0 $0x108  }
0x21: {  	s3 =	sadd.s32 s3, s9;
	s6 =	sadd.s32 @!p0 $0x88, s6;
	s7 =	simm.s32 @p2 $0x1082  }
0x22: {  	[simem:s7], [sflag:s8] =	dma.local @!p0 [hbm:s6], $0xF7A  }
0x23: {  	s9 =	sor.u32 $0xD0000000, s2;
	s6 =	simm.s32 $0x108;
	_ =	swait.ge @!p0 [sflag:s8], $0x0  }
0x24: {  	s3 =	sadd.s32 $0x88, s3;
	s6 =	simm.s32 @!p1 $0x1082;
	[sflag:s4] =	ssyncset.s32 $0xFFFFF086  }
0x25: {  	[simem:s6], [sflag:s4] =	dma.local [hbm:s3], $0xF7A  }
0x26: {  	[smem:$0x3F99] =	sst s1;
	(tag) =	ssettag s2;
	_ =	strace s9  }
0x27: {  	s1 =	sld [smem:$0x3FA9]  }
0x28: {  	s2 =	sld [smem:$0x3FAA]  }
0x29: {  	s4 =	sld [smem:$0x3FAC]  }
0x2a: {  	p0 =	seq.s32 s5, $0x0;
	s5 =	sld [smem:$0x3FAD]  }
0x2b: {  	s6 =	sld [smem:$0x3FAE]  }
0x2c: {  	s7 =	sld [smem:$0x3FAF]  }
0x2d: {  	s3 =	simm.s32 $0x108;
	s8 =	sld [smem:$0x3FB0]  }
0x2e: {  	s3 =	simm.s32 @!p0 $0x1082;
	s9 =	sld [smem:$0x3FB1]  }
0x2f: {  	lr =	sadd.s32 s0, s3;
	s0 =	sld [smem:$0x3FA8]  }
0x30: {  	s3 =	sld [smem:$0x3FAB]  }
0x31: {  	[smem:$0x3FB4] =	sst s10  }
0x32: {  	s10 =	sld [smem:$0x3FB2];
	_ =	sdelay $0x3  }
0x33: {  	p0 =	seq.s32 s10, $0x1;
	s10 =	sld [smem:$0x3FB4];
	_ =	sdelay $0x3  }
0x34: {  	[smem:$0x3FB4] =	sst s10  }
0x35: {  	s10 =	sld [smem:$0x3FB3];
	_ =	sdelay $0x3  }
0x36: {  	p1 =	seq.s32 s10, $0x1;
	s10 =	sld [smem:$0x3FB4];
	_ =	sdelay $0x3  }
0x37: {  	[smem:$0x3FB4] =	sst s10  }
0x38: {  	s10 =	sld [smem:$0x3FB5]  }
0x39: {  	_ = 	snop;
	(pc) =	sbr.ind lr, $3  }
0x3a: {  	_ = 	snop  }
0x3b: {  	_ = 	snop  }
0x3c: {  	p2 =	seq.s32 s10, $0x1;
	s10 =	sld [smem:$0x3FB4]  }
0x3d: {  	_ =	shalt  }
0x3e: {  	_ =	shalt  }
0x3f: {  	_ =	shalt  }
0x40: {  	_ =	shalt  }
0x41: {  	_ =	shalt  }
0x42: {  	_ =	shalt  }
0x43: {  	_ =	shalt  }
0x44: {  	_ =	shalt  }
0x45: {  	_ =	shalt  }
0x46: {  	_ =	shalt  }
0x47: {  	_ =	shalt  }
0x48: {  	_ =	shalt  }
0x49: {  	_ =	shalt  }
0x4a: {  	_ =	shalt  }
0x4b: {  	_ =	shalt  }
0x4c: {  	_ =	shalt  }
0x4d: {  	_ =	shalt  }
0x4e: {  	_ =	shalt  }
0x4f: {  	_ =	shalt  }
0x50: {  	_ =	shalt  }
0x51: {  	_ =	shalt  }
0x52: {  	_ =	shalt  }
0x53: {  	_ =	shalt  }
0x54: {  	_ =	shalt  }
0x55: {  	_ =	shalt  }
0x56: {  	_ =	shalt  }
0x57: {  	_ =	shalt  }
0x58: {  	_ =	shalt  }
0x59: {  	_ =	shalt  }
0x5a: {  	_ =	shalt  }
0x5b: {  	_ =	shalt  }
0x5c: {  	_ =	shalt  }
0x5d: {  	_ =	shalt  }
0x5e: {  	_ =	shalt  }
0x5f: {  	_ =	shalt  }
0x60: {  	_ =	shalt  }
0x61: {  	_ =	shalt  }
0x62: {  	_ =	shalt  }
0x63: {  	_ =	shalt  }
0x64: {  	_ =	shalt  }
0x65: {  	_ =	shalt  }
0x66: {  	_ =	shalt  }
0x67: {  	_ =	shalt  }
0x68: {  	_ =	shalt  }
0x69: {  	_ =	shalt  }
0x6a: {  	_ =	shalt  }
0x6b: {  	_ =	shalt  }
0x6c: {  	_ =	shalt  }
0x6d: {  	_ =	shalt  }
0x6e: {  	_ =	shalt  }
0x6f: {  	_ =	shalt  }
0x70: {  	_ =	shalt  }
0x71: {  	_ =	shalt  }
0x72: {  	_ =	shalt  }
0x73: {  	_ =	shalt  }
0x74: {  	_ =	shalt  }
0x75: {  	_ =	shalt  }
0x76: {  	_ =	shalt  }
0x77: {  	_ =	shalt  }
0x78: {  	_ =	shalt  }
0x79: {  	_ =	shalt  }
0x7a: {  	_ =	shalt  }
0x7b: {  	_ =	shalt  }
0x7c: {  	_ =	shalt  }
0x7d: {  	_ =	shalt  }
0x7e: {  	_ =	shalt  }
0x7f: {  	_ =	shalt  }
0x80: {  	_ =	shalt  }
0x81: {  	_ =	shalt  }
0x82: {  	_ =	shalt  }
0x83: {  	_ =	shalt  }
0x84: {  	_ =	shalt  }
0x85: {  	_ =	shalt  }
0x86: {  	_ =	shalt  }
0x87: {  	_ =	shalt  }
.Lfunc_end0:
.L_simem_size_0:
called_computation_lowered:
.L_overlay_start_0:
0x88: {  	s2 =	sld [smem:$0x3FD9]  }
0x89: {  	s3 =	sld [smem:$0x3FFE];
	_ =	sdelay $0x1  }
0x8a: {  	s1 =	srdreg.scid  }
0x8b: {  	s0 =	sand.u32 $0x1, s1  }
0x8c: {  	s17 =	sshll.u32 s0, $0xA;
	s2 =	sadd.s32 s3, s2  }
0x8d: {  	s2 =	sadd.s32 s2, s17  }
0x8e: {  	[smem:$0x3FC0] =	sst s2  }
0x8f: {  	_ = 	snop  }
0x90: {  	s2 =	sld [smem:$0x3FD0];
	(tm) =	ssettm $0x1  }
0x91: {  	s18 =	sld [smem:$0x3FFB];
	_ =	sdelay $0x3  }
0x92: {  	_ =	strace s18  }
0x93: {  	s3 =	sld [smem:$0x3FFC];
	_ =	sdelay $0x3  }
0x94: {  	_ =	strace s3  }
0x95: {  	s3 =	sld [smem:$0x3FFD];
	_ =	sdelay $0x3  }
0x96: {  	_ =	strace s3  }
0x97: {  	_ =	strace $0x8FFFFFFF  }
0x98: {  	s19 =	sld [smem:$0x3FDB];
	_ =	sdelay $0x1  }
0x99: {  	s4 =	simm.s32 $_scs_section_size  }
0x9a: {  	s5 =	simm.s32 $_size__tile_overlayer_lowered;
	s6 =	simm.s32 $_tile_overlayer_lowered  }
0x9b: {  	s22 =	simm.s32 $0x1BFF;
	s21 =	sshll.u32 s6, $0x1;
	s3 =	sadd.s32 s4, s19  }
0x9c: {  	s7 =	simm.s32 $0x0;
	s20 =	sshll.u32 s5, $0x1;
	s5 =	sadd.s32 s21, s3  }
0x9d: {  	[timem:s7], [sflag:s22] =	dma.local [hbm:s5], s20  }
0x9e: {  	_ =	swait.ge [sflag:s22], s20  }
0x9f: {  	s4 =	ssub.s32 $0x0, s20;
	[sflag:s22] =	ssyncset.done $0x0  }
0xa0: {  	[sflag:s22] =	ssyncadd.s32 s4;
	_ =	sdelay $0x1  }
0xa1: {  	s23 =	simm.s32 $0x1B8B  }
0xa2: {  	_ =	swait.ge [sflag:s23], $0x1  }
0xa3: {  	[sflag:s23] =	ssyncset.done $0x0  }
0xa4: {  	s25 =	simm.s32 $0x1B8E;
	s24 =	sld [smem:$0x3FFE];
	[sflag:s23] =	ssyncadd.s32 $0xFFFFFFFF  }
0xa5: {  	s26 =	simm.s32 $execute0_lowered;
	[smem:$0x3FD2] =	sst s25  }
0xa6: {  	s5 =	sshll.u32 s26, $0x1;
	_ =	strace $0x80000046;
	[dreg:$0x1] =	wrdreg $0xFFFFFFFF  }
0xa7: {  	s28 =	simm.s32 $_size_execute0_lowered;
	s3 =	sadd.s32 s3, s5;
	[dreg:$0x0] =	wrdreg $0x0  }
0xa8: {  	s5 =	sshll.u32 s28, $0x1;
	[dreg:$0x2] =	wrdreg s3  }
0xa9: {  	[dreg:$0x3] =	wrdreg s5  }
0xaa: {  	[dreg:$0x4] =	wrdreg $0xC0  }
0xab: {  	_ =	task [dreg:s7], $0x5FFFF  }
0xac: {  	[dreg:$0x1] =	wrdreg $0xFFFFFFFF  }
0xad: {  	[dreg:$0x0] =	wrdreg $0x60  }
0xae: {  	[dreg:$0x2] =	wrdreg s24  }
0xaf: {  	[dreg:$0x3] =	wrdreg s2  }
0xb0: {  	[dreg:$0x4] =	wrdreg $0x0  }
0xb1: {  	[dreg:$0x5] =	wrdreg $0x9  }
0xb2: {  	_ =	task.clear_ibuf [dreg:s7], $0x6FFFF;
	_ =	strace $0x90000046  }
0xb3: {  	s29 =	simm.s32 $0x9;
	_ =	strace $0x8000004C  }
0xb4: {  	_ =	swait.ge [sflag:s29], $0x1  }
0xb5: {  	[sflag:s29] =	ssyncadd.s32 $0xFFFFFFFF  }
0xb6: {  	_ =	strace $0x9000004C  }
0xb7: {  	_ =	sfence  }
0xb8: {  	s30 =	sld [smem:$0x0];
	_ =	sdelay $0x2  }
0xb9: {  	s31 =	sshll.u32 s1, $0xD;
	s1 =	sshrl.u32 s1, $0x2  }
0xba: {  	s3 =	sand.u32 $0x4000, s31;
	s1 =	sadd.s32 s1, s30  }
0xbb: {  	s0 =	sor.u32 s3, s0;
	s1 =	sshll.u32 s1, $0x11  }
0xbc: {  	s0 =	sor.u32 s1, s0  }
0xbd: {  	s0 =	sadd.s32 $0x8F2B, s0  }
0xbe: {  	[sflag:s0] =	ssyncadd.remote.s32 $0x1  }
0xbf: {  	_ =	sfence.sel $0xFFFF  }
0xc0: {  	[dreg:$0x0] =	wrdreg $0xFFFFFFFF;
	(pc) =	sbr.abs _section_cstart, $3  }
0xc1: {  	[dreg:$0x1] =	wrdreg $0xFFFFFFFF  }
0xc2: {  	_ =	task.clear_ibuf [dreg:s7], $0x2FFFF;
	_ =	strace $0x9FFFFFFF  }
0xc3: {  	(tm) =	ssettm $0x7FFFFFFF  }
tec
execute0_lowered:
.L_overlay_start_1:
0x0: {  	(tag) =	ssettag $0x1  }
0x1: {  	s3 =	rddreg [dreg:$0x0]  }
0x2: {  	s9 =	rddreg [dreg:$0x1]  }
0x3: {  	s1 =	rddreg [dreg:$0x2]  }
0x4: {  	s0 =	rddreg [dreg:$0x3];
	s2 =	simm.s32 $0x0;
	s6 =	srdreg.scid  }
0x5: {  	s15 =	simm.s32 $0x1900;
	s16 =	simm.s32 $0x3;
	s17 =	simm.s32 $0x0  }
0x6: {  	[smem:$0x7FF] =	sst s2;
	s4 =	sadd.s32 $0x1C00, s3;
	s5 =	sadd.s32 $0x63800, s3  }
0x7: {  	s3 =	stileid.u32;
	s6 =	sand.u32 $0x1, s6;
	_ =	strace $0x80000047  }
0x8: {  	s7 =	ssub.s32 $0x2, s6;
	s8 =	smul.u32 $0x1900, s3;
	s10 =	sshll.u32 s6, $0x4  }
0x9: {  	s12 =	smul.u32 $0x19000, s6;
	s30 =	sshll.u32 s3, $0x6;
	s11 =	sshrl.u32 s7, $0x1  }
0xa: {  	s10 =	sor.u32 s3, s10;
	s6 =	sor.u32 $0x1C01, s30;
	s11 =	ssub.s32 s7, s11  }
0xb: {  	s13 =	smul.u32 $0x1870, s10;
	s14 =	sadd.s32 s8, s1;
	s12 =	sadd.s32 s8, s12  }
0xc: {  	s7 =	smul.u32 $0x187, s10;
	s31 =	sshrl.u32 s12, $0x3;
	s10 =	smax.u32 s11, $0x1  }
0xd: {  	s11 =	sshrl.u32 s14, $0x3;
	s12 =	simm.s32 $0x1980;
	s14 =	simm.s32 $0x80  }
0xe: {  	v0 =	vimm.f32 $1.000000000e+00;
	s8 =	sadd.s32 s4, s13;
	s9 =	sadd.s32 s9, s31;
	s13 =	simm.s32 $0x1  }
.LBB2_1:
0xf: {  	[tilespmem:$0x1900] =	vst v0  }
0x10: {  	[tilespmem:$0x1910] =	vst v0  }
0x11: {  	[tilespmem:$0x1920] =	vst v0  }
0x12: {  	[tilespmem:$0x1930] =	vst v0  }
0x13: {  	[tilespmem:$0x1940] =	vst v0  }
0x14: {  	[tilespmem:$0x1950] =	vst v0  }
0x15: {  	[tilespmem:$0x1960] =	vst v0;
	s18 =	simm.s32 $0x0;
	s25 =	simm.s32 $0x1  }
0x16: {  	[tilespmem:$0x1970] =	vst v0;
	p0 =	por $0x0, $0x0;
	s24 =	sand.u32 $0x1, s2;
	s19 =	simm.s32 $0x1  }
0x17: {  	[spmem:s11], [sflag:s6] =	dma.local [hbm:s5], $0x320  }
0x18: {  	s18 =	sand.u32 $0x80, s18;
	s25 =	simm.s32 @p0 $0x0;
	s31 =	sadd.s32 $0x1, s24  }
0x19: {  	_ =	swait.ge [sflag:s13], $0x320;
	s23 =	sadd.s32 $0x1980, s18;
	p0 =	seq.s32 s25, $0x0  }
0x1a: {  	p1 =	sne.s32 s25, $0x0;
	[sflag:s13] =	ssyncset.done $0x0;
	s18 =	sadd.s32 @!p0 s7, s25  }
0x1b: {  	s21 =	sand.u32 @!p0 $0x1, s13;
	s19 =	simm.s32 @!p1 $0x0;
	s29 =	simm.s32 @!p0 $0x0  }
0x1c: {  	[sflag:s13] =	ssyncadd.s32 $0xFFFFFCE0;
	s18 =	sshll.u32 @!p0 s18, $0x4;
	s20 =	sshll.u32 @!p0 s21, $0x7  }
0x1d: {  	s21 =	sadd.s32 @!p0 $0x1, s21;
	[bflag:$0x0] =	sbarrier.arrive $0xFFFF;
	s22 =	sand.u32 @!p0 $0x1FFFFFF0, s18  }
0x1e: {  	s18 =	sadd.s32 $0x0, s19;
	s26 =	sadd.s32 @!p0 $0x1980, s20;
	_ =	strace $0x80000048  }
0x1f: {  	[tilespmem:s12], [sflag:$0x1] =	stream.linear.gather [hbm4b:s8+s2], $0x80, $0x200038;
	[tilespmem:$0x1A80] =	vst v63  }
0x20: {  	s20 =	sadd.s32 $0x1, s19;
	s22 =	sadd.s32 @!p0 s4, s22;
	_ =	strace $0x90000048  }
0x21: {  	s28 =	sshll.u32 s18, $0x7;
	s19 =	sand.u32 $0x1, s18;
	_ =	strace @!p0 $0x80000049  }
0x22: {  	[tilespmem:s26], [sflag:s21] =	stream.linear.gather @!p0 [hbm4b:s22+s29], $0x80, $0x200038;
	[tilespmem:$0x1A80] =	vst v63  }
0x23: {  	s28 =	sand.u32 $0x80, s28;
	s22 =	sadd.s32 $0x1, s25;
	_ =	strace @!p0 $0x90000049  }
0x24: {  	s24 =	sadd.s32 $0x1980, s28;
	p0 =	seq.s32 s22, $0x187;
	_ =	strace $0x8000004A  }
0x25: {  	s21 =	simm.s32 $0x184;
	s22 =	simm.s32 @p0 $0x0;
	_ =	swait.ge [sflag:s31], $0x80  }
0x26: {  	p0 =	seq.s32 s25, s22;
	p1 =	sne.s32 s25, s22;
	[sflag:s31] =	ssyncset.done $0x0  }
0x27: {  	s25 =	sand.u32 @!p0 $0x1, s20;
	s26 =	sadd.s32 @!p0 s7, s22;
	[sflag:s31] =	ssyncadd.s32 $0xFFFFFF80  }
.LBB2_2:
0x28: {  	s28 =	sshll.u32 @!p0 s25, $0x7  }
0x29: {  	s26 =	sshll.u32 @!p0 s26, $0x4;
	_ =	strace $0x9000004A;
	s29 =	smov.u32 s24  }
0x2a: {  	s30 =	smov.u32 s22;
	s24 =	sand.u32 @!p0 $0x1FFFFFF0, s26;
	s26 =	simm.s32 $0x1  }
0x2b: {  	_ =	strace $0x8000004B;
	s26 =	simm.s32 @!p1 $0x0  }
0x2c: {  	[spmem:s1] =	stream.indirect.scatter.add.f32 [tilespmem:s15], [sflag:$0x3], $0x1, s23, s14, $0x2000b8;
	[tilespmem:$0x1A80] =	vst v63  }
0x2d: {  	s24 =	sadd.s32 @!p0 s4, s24;
	s23 =	sadd.s32 @!p0 $0x1980, s28;
	_ =	swait.ge [sflag:s16], $0x80  }
0x2e: {  	s20 =	sadd.s32 s26, s20;
	s18 =	sadd.s32 s26, s18;
	[sflag:s16] =	ssyncset.done $0x0  }
0x2f: {  	s26 =	sand.u32 $0x1, s18;
	s28 =	sshll.u32 s18, $0x7;
	[sflag:s16] =	ssyncadd.s32 $0xFFFFFF80  }
0x30: {  	s21 =	sadd.s32 $0xFFFFFFFF, s21;
	s28 =	sand.u32 $0x80, s28;
	_ =	strace $0x9000004B  }
0x31: {  	s25 =	sadd.s32 @!p0 $0x1, s25;
	s31 =	simm.s32 @!p0 $0x0;
	_ =	strace @!p0 $0x80000049  }
0x32: {  	[tilespmem:s23], [sflag:s25] =	stream.linear.gather @!p0 [hbm4b:s24+s31], $0x80, $0x200038;
	[tilespmem:$0x1A80] =	vst v63  }
0x33: {  	p2 =	sne.s32 s21, $0x0;
	s24 =	sadd.s32 $0x1980, s28;
	_ =	strace @!p0 $0x90000049  }
.Ltmp0:
0x34: {  	s22 =	sadd.s32 $0x1, s22;
	_ =	strace $0x8000004A;
	(pc) =	sbr.rel @p2 .LBB2_2-.Ltmp0, $4  }
0x35: {  	s28 =	sadd.s32 $0x1, s19;
	s19 =	smov.u32 s26;
	p0 =	seq.s32 s22, $0x187  }
0x36: {  	s23 =	smov.u32 s29;
	s22 =	simm.s32 @p0 $0x0;
	_ =	swait.ge [sflag:s28], $0x80  }
0x37: {  	p0 =	seq.s32 s30, s22;
	p1 =	sne.s32 s30, s22;
	[sflag:s28] =	ssyncset.done $0x0  }
0x38: {  	s25 =	sand.u32 @!p0 $0x1, s20;
	s26 =	sadd.s32 @!p0 s7, s22;
	[sflag:s28] =	ssyncadd.s32 $0xFFFFFF80  }
0x39: {  	_ =	strace $0x9000004A  }
0x3a: {  	_ =	strace $0x8000004B  }
0x3b: {  	[spmem:s1] =	stream.indirect.scatter.add.f32 [tilespmem:s15], [sflag:$0x3], $0x1, s23, s14, $0x2000b8;
	[tilespmem:$0x1A80] =	vst v63  }
0x3c: {  	_ =	swait.ge [sflag:s16], $0x80  }
0x3d: {  	s20 =	sshll.u32 @!p0 s26, $0x4;
	[sflag:s16] =	ssyncset.done $0x0  }
0x3e: {  	s21 =	sshll.u32 @!p0 s25, $0x7;
	s20 =	sand.u32 @!p0 $0x1FFFFFF0, s20;
	[sflag:s16] =	ssyncadd.s32 $0xFFFFFF80  }
0x3f: {  	s22 =	sadd.s32 @!p0 $0x1, s25;
	s21 =	sadd.s32 @!p0 $0x1980, s21;
	_ =	strace $0x9000004B  }
0x40: {  	s20 =	sadd.s32 @!p0 s4, s20;
	s23 =	simm.s32 @!p0 $0x0;
	_ =	strace @!p0 $0x80000049  }
0x41: {  	[tilespmem:s21], [sflag:s22] =	stream.linear.gather @!p0 [hbm4b:s20+s23], $0x80, $0x200038;
	[tilespmem:$0x1A80] =	vst v63  }
0x42: {  	_ =	strace @!p0 $0x90000049  }
0x43: {  	s19 =	sadd.s32 $0x1, s19;
	_ =	strace $0x8000004A  }
0x44: {  	_ =	swait.ge [sflag:s19], $0x80  }
0x45: {  	[sflag:s19] =	ssyncset.done $0x0  }
0x46: {  	[sflag:s19] =	ssyncadd.s32 $0xFFFFFF80  }
0x47: {  	_ =	strace $0x9000004A  }
0x48: {  	_ =	strace $0x8000004B  }
0x49: {  	[spmem:s1] =	stream.indirect.scatter.add.f32 [tilespmem:s15], [sflag:$0x3], $0x1, s24, s14, $0x2000b8;
	[tilespmem:$0x1A80] =	vst v63  }
0x4a: {  	s19 =	simm.s32 $0x1;
	_ =	swait.ge [sflag:s16], $0x80  }
0x4b: {  	s19 =	simm.s32 @!p1 $0x0;
	[sflag:s16] =	ssyncset.done $0x0  }
0x4c: {  	s18 =	sadd.s32 s19, s18;
	[sflag:s16] =	ssyncadd.s32 $0xFFFFFF80  }
0x4d: {  	s19 =	sand.u32 $0x1, s18;
	_ =	strace $0x9000004B  }
0x4e: {  	s19 =	sadd.s32 $0x1, s19;
	_ =	strace $0x8000004A  }
0x4f: {  	_ =	swait.ge [sflag:s19], $0x80  }
0x50: {  	[sflag:s19] =	ssyncset.done $0x0  }
0x51: {  	s18 =	sshll.u32 s18, $0x7;
	[sflag:s19] =	ssyncadd.s32 $0xFFFFFF80  }
0x52: {  	s18 =	sand.u32 $0x80, s18;
	_ =	strace $0x9000004A  }
0x53: {  	s18 =	sadd.s32 $0x1980, s18;
	_ =	strace $0x8000004B  }
0x54: {  	[spmem:s1] =	stream.indirect.scatter.add.f32 [tilespmem:s15], [sflag:$0x3], $0x1, s18, s14, $0x2000b8;
	[tilespmem:$0x1A80] =	vst v63  }
0x55: {  	_ =	swait.ge [sflag:s16], $0x80  }
0x56: {  	[sflag:s16] =	ssyncset.done $0x0  }
0x57: {  	s17 =	sadd.s32 $0x1, s17;
	[sflag:s16] =	ssyncadd.s32 $0xFFFFFF80  }
0x58: {  	p0 =	sne.s32 s17, s10;
	_ =	strace $0x9000004B  }
.Ltmp1:
0x59: {  	[bflag:$0x0] =	sbarrier.arrive $0xFFFF;
	(pc) =	sbr.rel @p0 .LBB2_1-.Ltmp1, $4  }
0x5a: {  	[hbm:s9], [sflag:s6] =	dma.local [spmem:s11], $0x320  }
0x5b: {  	_ =	swait.ge [sflag:s13], $0x320  }
0x5c: {  	[sflag:s13] =	ssyncset.done $0x0  }
0x5d: {  	[sflag:s13] =	ssyncadd.s32 $0xFFFFFCE0  }
0x5e: {  	_ =	sfence.sel $0x180000  }
0x5f: {  	[bflag:$0x0] =	sbarrier.arrive $0xFFFF  }
0x60: {  	p0 =	sne.s32 s3, $0x0;
	_ =	strace $0x90000047  }
0x61: {  	s0 =	sadd.s32 @!p0 $0x100000, s0;
	[bflag:$0x2] =	sbarrier.arrive $0xFFFF  }
0x62: {  	[sflag:s0] =	ssyncadd.tile.s32 @!p0 $0x1;
	_ =	shalt  }
.Lfunc_end2:
_tile_overlayer_lowered:
.L_overlay_start_2:
0x63: {  	(tag) =	ssettag $0x2  }
0x64: {  	s0 =	rddreg [dreg:$0x0];
	s2 =	stileid.u32  }
0x65: {  	s1 =	rddreg [dreg:$0x1];
	p0 =	sne.s32 s2, $0x0  }
0x66: {  	s3 =	rddreg [dreg:$0x2];
	[bflag:$0x3] =	sbarrier.arrive $0xFFFF;
	s2 =	simm.s32 @!p0 $0x1C01  }
0x67: {  	[timem:s3], [sflag:s2] =	dma.local @!p0 [hbm:s0], s1  }
0x68: {  	s0 =	simm.s32 @!p0 $0x1  }
0x69: {  	_ =	swait.ge @!p0 [sflag:s0], s1  }
0x6a: {  	s1 =	ssub.s32 @!p0 $0x0, s1;
	[sflag:s0] =	ssyncset.done @!p0 $0x0  }
0x6b: {  	[sflag:s0] =	ssyncadd.s32 @!p0 s1  }
0x6c: {  	[bflag:$0x3] =	sbarrier.arrive $0xFFFF  }
0x6d: {  	_ =	shalt  }

</sc_bundles>
